<compile_context>
chip_gen: v7x
topology: tpu7x:2x2x1
jax: 0.10.2.dev20260603
libtpu: 0.0.44.dev20260713+nightly
codegen_flags: <defaults>
</compile_context>

<pallas_src>
import functools

import jax
import jax.numpy as jnp
from jax import lax
from jax.experimental import pallas as pl
from jax.experimental.pallas import tpu as pltpu
from jax.experimental.pallas import tpu_sc as plsc

_A = 128
_R = 4
_K = _A * _R

_BS = 2048
_NB = _BS // 128

_NW = 32
_BB_PER_W = 4


def _tc_body(q_ref, w_ref, i_ref):
    qb = q_ref[:]
    q2 = qb.reshape(_BS, _K)
    s = [q2[:, r * _A:(r + 1) * _A] for r in range(_R)]

    wt = jnp.transpose(w_ref[:])
    wblk = jnp.concatenate([wt[:, _R * bb:_R * (bb + 1)]
                            for bb in range(_NB)], axis=0)

    prod = (s[0] * wblk[:, 0:1] + s[1] * wblk[:, 1:2]
            + s[2] * wblk[:, 2:3] + s[3] * wblk[:, 3:4])
    a_star = jnp.argmax(prod, axis=1).astype(jnp.int32)
    i_ref[:] = jnp.transpose(a_star[:, None]).reshape(_NB, _A)


def _sc_gather(qflat, astar):
    mesh = plsc.VectorSubcoreMesh(core_axis_name="c", subcore_axis_name="s")

    @functools.partial(
        pl.kernel,
        mesh=mesh,
        out_type=jax.ShapeDtypeStruct((16384 * _R,), jnp.float32),
        scratch_types=[
            pltpu.VMEM((_A,), jnp.int32),
            pltpu.VMEM((_K,), jnp.int32),
            pltpu.VMEM((_K,), jnp.float32),
            pltpu.SemaphoreType.DMA,
        ],
    )
    def gath(q_hbm, a_hbm, o_hbm, a_v, idx_v, rows_v, sem):
        wid = lax.axis_index("s") * 2 + lax.axis_index("c")
        lane = lax.broadcasted_iota(jnp.int32, (16,), 0)
        for j in range(_BB_PER_W):
            bb = wid * _BB_PER_W + j
            pltpu.sync_copy(a_hbm.at[bb], a_v)
            for r in range(_R):
                for v in range(_A // 16):
                    b_in = lane + 16 * v
                    a_chunk = a_v[pl.ds(16 * v, 16)]
                    idx = (bb * _A + b_in) * _K + r * _A + a_chunk
                    idx_v[pl.ds(r * _A + 16 * v, 16)] = idx
            pltpu.async_copy(q_hbm.at[idx_v], rows_v, sem).wait()
            pltpu.sync_copy(rows_v, o_hbm.at[pl.ds(bb * _K, _K)])

    return gath(qflat, astar)


@jax.jit
def kernel(q, w):
    bq = q.shape[0] // _A
    qt2 = q.reshape(bq, _A, _R).transpose(0, 2, 1).reshape(bq * _R, _A)
    wt2 = w.reshape(bq // _A, _A, _R).transpose(0, 2, 1).reshape(bq * _R // _A, _A)
    grid = (bq // _BS,)
    astar = pl.pallas_call(
        _tc_body,
        grid=grid,
        in_specs=[
            pl.BlockSpec((_BS * _R, _A), lambda i: (i, 0)),
            pl.BlockSpec((_R * _NB, _A), lambda i: (i, 0)),
        ],
        out_specs=pl.BlockSpec((_NB, _A), lambda i: (i, 0)),
        out_shape=jax.ShapeDtypeStruct((bq // _A, _A), jnp.int32),
        compiler_params=pltpu.CompilerParams(
            dimension_semantics=("arbitrary",),
        ),
    )(qt2, wt2)

    mo = _sc_gather(qt2.reshape(-1), astar)
    return mo.reshape(bq // _A, _R, _A).transpose(0, 2, 1).reshape(bq, _R)

# --- scband reference (transcript-rebuilt; emitter-appended) ---
"""Pipeline reference for scband-policy-67018669687008 (READ-ONLY COPY).

The authoritative reference and input builder live on the scoring server;
editing this copy changes nothing except your own understanding.
"""

import jax, jax.numpy as jnp
import numpy as np

B = 16384
A = 128
R = 4

def setup_inputs(seed: int = 0) -> dict:
    key = jax.random.key(seed)
    k1, k2 = jax.random.split(key)
    q = jax.random.normal(k1, (B * A, R), dtype=jnp.float32)
    w = jax.random.uniform(k2, (B, R), dtype=jnp.float32)
    return {"q": q, "w": w}

def reference(q, w):
    # Faithful translation of Policy.mo_operator (the runnable top-1 masking core):
    #   w -> unsqueeze(2).repeat(1, A, 1).view(-1, R)
    #   prod = bmm(q.unsqueeze(1), w.unsqueeze(2)).squeeze().view(-1, A)
    #   index = prod.max(1)[1]; one-hot scatter mask; masked_select(q).view(-1, R)
    A_ = A
    R_ = R
    Bq = q.shape[0] // A_
    w_rep = jnp.repeat(w[:, None, :], A_, axis=1).reshape(-1, R_)  # [B*A, R]
    prod = jnp.sum(q * w_rep, axis=1).reshape(Bq, A_)              # batched dot == bmm
    index = jnp.argmax(prod, axis=1)                                # prod.max(1)[1]
    qr = q.reshape(Bq, A_, R_)
    # scatter_ one-hot mask + masked_select == gather the argmax row per batch element
    MOQ = jnp.take_along_axis(qr, index[:, None, None], axis=1).reshape(Bq, R_)
    return MOQ

if __name__ == "__main__":
    import jax
    _d = setup_inputs()
    print(jax.jit(kernel)(*tuple(_d.values())))

</pallas_src>

<mosaic_0001>
#map = affine_map<(d0, d1) -> (0)>
#map1 = affine_map<(d0, d1) -> (0, 0)>
module attributes {stable_mosaic.version = 14 : i64} {
  func.func @gath(%arg0: i32, %arg1: i32, %arg2: memref<8388608xf32, #tpu.memory_space<hbm>>, %arg3: memref<128x128xi32, #tpu.memory_space<hbm>>, %arg4: memref<65536xf32, #tpu.memory_space<hbm>>, %arg5: memref<128xi32, #tpu.memory_space<vmem>>, %arg6: memref<512xi32, #tpu.memory_space<vmem>>, %arg7: memref<512xf32, #tpu.memory_space<vmem>>, %arg8: memref<!tpu.dma_semaphore, #tpu.memory_space<semaphore_mem>>) attributes {dimension_semantics = [#tpu.dimension_semantics<core_parallel>, #tpu.dimension_semantics<subcore_parallel>], iteration_bounds = array<i64: 2, 16>, scalar_prefetch = 0 : i64, scratch_operands = 4 : i64, tpu.core_type = #tpu.core_type<sc_vector_subcore>, window_params = [{transform_indices = #map}, {transform_indices = #map1}, {transform_indices = #map}]} {
    %mul3A = arith.constant 2 : i32
    %mul3A_0 = arith.muli %arg1, %mul3A : i32
    %add3A = arith.addi %mul3A_0, %arg0 : i32
    %iota3A = tpu.iota {dimensions = array<i32: 0>} : vector<16xi32>
    %mul3A_1 = arith.constant 4 : i32
    %mul3A_2 = arith.muli %add3A, %mul3A_1 : i32
    %add3A_3 = arith.constant 0 : i32
    %add3A_4 = arith.addi %mul3A_2, %add3A_3 : i32
    "tpu.region"() ({
      %run_scoped3A = tpu.sem_alloc : memref<!tpu.dma_semaphore, #tpu.memory_space<semaphore_mem>>
      %dma_start3A_2725 = arith.constant 0 : i32
      %dma_start3A_2726 = tpu.memref_slice %arg3[%add3A_4, %dma_start3A_2725] : memref<128x128xi32, #tpu.memory_space<hbm>> -> memref<1x128xi32, #tpu.memory_space<hbm>>
      %dma_start3A_2727 = tpu.memref_squeeze %dma_start3A_2726 : memref<1x128xi32, #tpu.memory_space<hbm>> -> memref<128xi32, #tpu.memory_space<hbm>>
      %dma_start3A_2728 = arith.constant 0 : i32
      %dma_start3A_2729 = tpu.memref_slice %arg3[%add3A_4, %dma_start3A_2728] : memref<128x128xi32, #tpu.memory_space<hbm>> -> memref<1x128xi32, #tpu.memory_space<hbm>>
      %dma_start3A_2730 = tpu.memref_squeeze %dma_start3A_2729 : memref<1x128xi32, #tpu.memory_space<hbm>> -> memref<128xi32, #tpu.memory_space<hbm>>
      tpu.enqueue_dma source(%dma_start3A_2730 : memref<128xi32, #tpu.memory_space<hbm>>) target(%arg5 : memref<128xi32, #tpu.memory_space<vmem>>) target_semaphore(%run_scoped3A : memref<!tpu.dma_semaphore, #tpu.memory_space<semaphore_mem>>)
      %dma_wait3A_2731 = arith.constant 0 : i32
      %dma_wait3A_2732 = tpu.memref_slice %arg3[%add3A_4, %dma_wait3A_2731] : memref<128x128xi32, #tpu.memory_space<hbm>> -> memref<1x128xi32, #tpu.memory_space<hbm>>
      %dma_wait3A_2733 = tpu.memref_squeeze %dma_wait3A_2732 : memref<1x128xi32, #tpu.memory_space<hbm>> -> memref<128xi32, #tpu.memory_space<hbm>>
      %dma_wait3A_2734 = arith.constant 0 : i32
      %dma_wait3A_2735 = tpu.memref_slice %arg3[%add3A_4, %dma_wait3A_2734] : memref<128x128xi32, #tpu.memory_space<hbm>> -> memref<1x128xi32, #tpu.memory_space<hbm>>
      %dma_wait3A_2736 = tpu.memref_squeeze %dma_wait3A_2735 : memref<1x128xi32, #tpu.memory_space<hbm>> -> memref<128xi32, #tpu.memory_space<hbm>>
      tpu.wait_dma2 semaphore(%run_scoped3A : memref<!tpu.dma_semaphore, #tpu.memory_space<semaphore_mem>>) src(%dma_wait3A_2736 : memref<128xi32, #tpu.memory_space<hbm>>) dst(%arg5 : memref<128xi32, #tpu.memory_space<vmem>>)
      tpu.yield
    }) : () -> ()
    %add3A_5 = arith.constant 0 : i32
    %add3A_6 = vector.broadcast %add3A_5 : i32 to vector<16xi32>
    %add3A_7 = arith.addi %iota3A, %add3A_6 : vector<16xi32>
    %get3A = arith.constant 0 : index
    %get3A_8 = tpu.vector_load %arg5[%get3A] {strides = array<i32>} : memref<128xi32, #tpu.memory_space<vmem>>, vector<16xi32>,
    %get3A_9 = vector.shape_cast %get3A_8 : vector<16xi32> to vector<16xi32>
    %mul3A_10 = arith.constant 128 : i32
    %mul3A_11 = arith.muli %add3A_4, %mul3A_10 : i32
    %add3A_12 = vector.broadcast %mul3A_11 : i32 to vector<16xi32>
    %add3A_13 = arith.addi %add3A_12, %add3A_7 : vector<16xi32>
    %mul3A_14 = arith.constant 512 : i32
    %mul3A_15 = vector.broadcast %mul3A_14 : i32 to vector<16xi32>
    %mul3A_16 = arith.muli %add3A_13, %mul3A_15 : vector<16xi32>
    %add3A_17 = arith.constant 0 : i32
    %add3A_18 = vector.broadcast %add3A_17 : i32 to vector<16xi32>
    %add3A_19 = arith.addi %mul3A_16, %add3A_18 : vector<16xi32>
    %add3A_20 = arith.addi %add3A_19, %get3A_9 : vector<16xi32>
    %swap3A = arith.constant 0 : index
    %swap3A_21 = tpu.vector_load %arg6[%swap3A] {strides = array<i32>} : memref<512xi32, #tpu.memory_space<vmem>>, vector<16xi32>,
    %swap3A_22 = vector.shape_cast %swap3A_21 : vector<16xi32> to vector<16xi32>
    %swap3A_23 = vector.shape_cast %add3A_20 : vector<16xi32> to vector<16xi32>
    tpu.vector_store %arg6[%swap3A], %swap3A_23 {strides = array<i32>} : memref<512xi32, #tpu.memory_space<vmem>>, vector<16xi32>,
    %add3A_24 = arith.constant 16 : i32
    %add3A_25 = vector.broadcast %add3A_24 : i32 to vector<16xi32>
    %add3A_26 = arith.addi %iota3A, %add3A_25 : vector<16xi32>
    %get3A_27 = arith.constant 16 : index
    %get3A_28 = tpu.vector_load %arg5[%get3A_27] {strides = array<i32>} : memref<128xi32, #tpu.memory_space<vmem>>, vector<16xi32>,
    %get3A_29 = vector.shape_cast %get3A_28 : vector<16xi32> to vector<16xi32>
    %mul3A_30 = arith.constant 128 : i32
    %mul3A_31 = arith.muli %add3A_4, %mul3A_30 : i32
    %add3A_32 = vector.broadcast %mul3A_31 : i32 to vector<16xi32>
    %add3A_33 = arith.addi %add3A_32, %add3A_26 : vector<16xi32>
    %mul3A_34 = arith.constant 512 : i32
    %mul3A_35 = vector.broadcast %mul3A_34 : i32 to vector<16xi32>
    %mul3A_36 = arith.muli %add3A_33, %mul3A_35 : vector<16xi32>
    %add3A_37 = arith.constant 0 : i32
    %add3A_38 = vector.broadcast %add3A_37 : i32 to vector<16xi32>
    %add3A_39 = arith.addi %mul3A_36, %add3A_38 : vector<16xi32>
    %add3A_40 = arith.addi %add3A_39, %get3A_29 : vector<16xi32>
    %swap3A_41 = arith.constant 16 : index
    %swap3A_42 = tpu.vector_load %arg6[%swap3A_41] {strides = array<i32>} : memref<512xi32, #tpu.memory_space<vmem>>, vector<16xi32>,
    %swap3A_43 = vector.shape_cast %swap3A_42 : vector<16xi32> to vector<16xi32>
    %swap3A_44 = vector.shape_cast %add3A_40 : vector<16xi32> to vector<16xi32>
    tpu.vector_store %arg6[%swap3A_41], %swap3A_44 {strides = array<i32>} : memref<512xi32, #tpu.memory_space<vmem>>, vector<16xi32>,
    %add3A_45 = arith.constant 32 : i32
    %add3A_46 = vector.broadcast %add3A_45 : i32 to vector<16xi32>
    %add3A_47 = arith.addi %iota3A, %add3A_46 : vector<16xi32>
    %get3A_48 = arith.constant 32 : index
    %get3A_49 = tpu.vector_load %arg5[%get3A_48] {strides = array<i32>} : memref<128xi32, #tpu.memory_space<vmem>>, vector<16xi32>,
    %get3A_50 = vector.shape_cast %get3A_49 : vector<16xi32> to vector<16xi32>
    %mul3A_51 = arith.constant 128 : i32
    %mul3A_52 = arith.muli %add3A_4, %mul3A_51 : i32
    %add3A_53 = vector.broadcast %mul3A_52 : i32 to vector<16xi32>
    %add3A_54 = arith.addi %add3A_53, %add3A_47 : vector<16xi32>
    %mul3A_55 = arith.constant 512 : i32
    %mul3A_56 = vector.broadcast %mul3A_55 : i32 to vector<16xi32>
    %mul3A_57 = arith.muli %add3A_54, %mul3A_56 : vector<16xi32>
    %add3A_58 = arith.constant 0 : i32
    %add3A_59 = vector.broadcast %add3A_58 : i32 to vector<16xi32>
    %add3A_60 = arith.addi %mul3A_57, %add3A_59 : vector<16xi32>
    %add3A_61 = arith.addi %add3A_60, %get3A_50 : vector<16xi32>
    %swap3A_62 = arith.constant 32 : index
    %swap3A_63 = tpu.vector_load %arg6[%swap3A_62] {strides = array<i32>} : memref<512xi32, #tpu.memory_space<vmem>>, vector<16xi32>,
    %swap3A_64 = vector.shape_cast %swap3A_63 : vector<16xi32> to vector<16xi32>
    %swap3A_65 = vector.shape_cast %add3A_61 : vector<16xi32> to vector<16xi32>
    tpu.vector_store %arg6[%swap3A_62], %swap3A_65 {strides = array<i32>} : memref<512xi32, #tpu.memory_space<vmem>>, vector<16xi32>,
    %add3A_66 = arith.constant 48 : i32
    %add3A_67 = vector.broadcast %add3A_66 : i32 to vector<16xi32>
    %add3A_68 = arith.addi %iota3A, %add3A_67 : vector<16xi32>
    %get3A_69 = arith.constant 48 : index
    %get3A_70 = tpu.vector_load %arg5[%get3A_69] {strides = array<i32>} : memref<128xi32, #tpu.memory_space<vmem>>, vector<16xi32>,
    %get3A_71 = vector.shape_cast %get3A_70 : vector<16xi32> to vector<16xi32>
    %mul3A_72 = arith.constant 128 : i32
    %mul3A_73 = arith.muli %add3A_4, %mul3A_72 : i32
    %add3A_74 = vector.broadcast %mul3A_73 : i32 to vector<16xi32>
    %add3A_75 = arith.addi %add3A_74, %add3A_68 : vector<16xi32>
    %mul3A_76 = arith.constant 512 : i32
    %mul3A_77 = vector.broadcast %mul3A_76 : i32 to vector<16xi32>
    %mul3A_78 = arith.muli %add3A_75, %mul3A_77 : vector<16xi32>
    %add3A_79 = arith.constant 0 : i32
    %add3A_80 = vector.broadcast %add3A_79 : i32 to vector<16xi32>
    %add3A_81 = arith.addi %mul3A_78, %add3A_80 : vector<16xi32>
    %add3A_82 = arith.addi %add3A_81, %get3A_71 : vector<16xi32>
    %swap3A_83 = arith.constant 48 : index
    %swap3A_84 = tpu.vector_load %arg6[%swap3A_83] {strides = array<i32>} : memref<512xi32, #tpu.memory_space<vmem>>, vector<16xi32>,
    %swap3A_85 = vector.shape_cast %swap3A_84 : vector<16xi32> to vector<16xi32>
    %swap3A_86 = vector.shape_cast %add3A_82 : vector<16xi32> to vector<16xi32>
    tpu.vector_store %arg6[%swap3A_83], %swap3A_86 {strides = array<i32>} : memref<512xi32, #tpu.memory_space<vmem>>, vector<16xi32>,
    %add3A_87 = arith.constant 64 : i32
    %add3A_88 = vector.broadcast %add3A_87 : i32 to vector<16xi32>
    %add3A_89 = arith.addi %iota3A, %add3A_88 : vector<16xi32>
    %get3A_90 = arith.constant 64 : index
    %get3A_91 = tpu.vector_load %arg5[%get3A_90] {strides = array<i32>} : memref<128xi32, #tpu.memory_space<vmem>>, vector<16xi32>,
    %get3A_92 = vector.shape_cast %get3A_91 : vector<16xi32> to vector<16xi32>
    %mul3A_93 = arith.constant 128 : i32
    %mul3A_94 = arith.muli %add3A_4, %mul3A_93 : i32
    %add3A_95 = vector.broadcast %mul3A_94 : i32 to vector<16xi32>
    %add3A_96 = arith.addi %add3A_95, %add3A_89 : vector<16xi32>
    %mul3A_97 = arith.constant 512 : i32
    %mul3A_98 = vector.broadcast %mul3A_97 : i32 to vector<16xi32>
    %mul3A_99 = arith.muli %add3A_96, %mul3A_98 : vector<16xi32>
    %add3A_100 = arith.constant 0 : i32
    %add3A_101 = vector.broadcast %add3A_100 : i32 to vector<16xi32>
    %add3A_102 = arith.addi %mul3A_99, %add3A_101 : vector<16xi32>
    %add3A_103 = arith.addi %add3A_102, %get3A_92 : vector<16xi32>
    %swap3A_104 = arith.constant 64 : index
    %swap3A_105 = tpu.vector_load %arg6[%swap3A_104] {strides = array<i32>} : memref<512xi32, #tpu.memory_space<vmem>>, vector<16xi32>,
    %swap3A_106 = vector.shape_cast %swap3A_105 : vector<16xi32> to vector<16xi32>
    %swap3A_107 = vector.shape_cast %add3A_103 : vector<16xi32> to vector<16xi32>
    tpu.vector_store %arg6[%swap3A_104], %swap3A_107 {strides = array<i32>} : memref<512xi32, #tpu.memory_space<vmem>>, vector<16xi32>,
    %add3A_108 = arith.constant 80 : i32
    %add3A_109 = vector.broadcast %add3A_108 : i32 to vector<16xi32>
    %add3A_110 = arith.addi %iota3A, %add3A_109 : vector<16xi32>
    %get3A_111 = arith.constant 80 : index
    %get3A_112 = tpu.vector_load %arg5[%get3A_111] {strides = array<i32>} : memref<128xi32, #tpu.memory_space<vmem>>, vector<16xi32>,
    %get3A_113 = vector.shape_cast %get3A_112 : vector<16xi32> to vector<16xi32>
    %mul3A_114 = arith.constant 128 : i32
    %mul3A_115 = arith.muli %add3A_4, %mul3A_114 : i32
    %add3A_116 = vector.broadcast %mul3A_115 : i32 to vector<16xi32>
    %add3A_117 = arith.addi %add3A_116, %add3A_110 : vector<16xi32>
    %mul3A_118 = arith.constant 512 : i32
    %mul3A_119 = vector.broadcast %mul3A_118 : i32 to vector<16xi32>
    %mul3A_120 = arith.muli %add3A_117, %mul3A_119 : vector<16xi32>
    %add3A_121 = arith.constant 0 : i32
    %add3A_122 = vector.broadcast %add3A_121 : i32 to vector<16xi32>
    %add3A_123 = arith.addi %mul3A_120, %add3A_122 : vector<16xi32>
    %add3A_124 = arith.addi %add3A_123, %get3A_113 : vector<16xi32>
    %swap3A_125 = arith.constant 80 : index
    %swap3A_126 = tpu.vector_load %arg6[%swap3A_125] {strides = array<i32>} : memref<512xi32, #tpu.memory_space<vmem>>, vector<16xi32>,
    %swap3A_127 = vector.shape_cast %swap3A_126 : vector<16xi32> to vector<16xi32>
    %swap3A_128 = vector.shape_cast %add3A_124 : vector<16xi32> to vector<16xi32>
    tpu.vector_store %arg6[%swap3A_125], %swap3A_128 {strides = array<i32>} : memref<512xi32, #tpu.memory_space<vmem>>, vector<16xi32>,
    %add3A_129 = arith.constant 96 : i32
    %add3A_130 = vector.broadcast %add3A_129 : i32 to vector<16xi32>
    %add3A_131 = arith.addi %iota3A, %add3A_130 : vector<16xi32>
    %get3A_132 = arith.constant 96 : index
    %get3A_133 = tpu.vector_load %arg5[%get3A_132] {strides = array<i32>} : memref<128xi32, #tpu.memory_space<vmem>>, vector<16xi32>,
    %get3A_134 = vector.shape_cast %get3A_133 : vector<16xi32> to vector<16xi32>
    %mul3A_135 = arith.constant 128 : i32
    %mul3A_136 = arith.muli %add3A_4, %mul3A_135 : i32
    %add3A_137 = vector.broadcast %mul3A_136 : i32 to vector<16xi32>
    %add3A_138 = arith.addi %add3A_137, %add3A_131 : vector<16xi32>
    %mul3A_139 = arith.constant 512 : i32
    %mul3A_140 = vector.broadcast %mul3A_139 : i32 to vector<16xi32>
    %mul3A_141 = arith.muli %add3A_138, %mul3A_140 : vector<16xi32>
    %add3A_142 = arith.constant 0 : i32
    %add3A_143 = vector.broadcast %add3A_142 : i32 to vector<16xi32>
    %add3A_144 = arith.addi %mul3A_141, %add3A_143 : vector<16xi32>
    %add3A_145 = arith.addi %add3A_144, %get3A_134 : vector<16xi32>
    %swap3A_146 = arith.constant 96 : index
    %swap3A_147 = tpu.vector_load %arg6[%swap3A_146] {strides = array<i32>} : memref<512xi32, #tpu.memory_space<vmem>>, vector<16xi32>,
    %swap3A_148 = vector.shape_cast %swap3A_147 : vector<16xi32> to vector<16xi32>
    %swap3A_149 = vector.shape_cast %add3A_145 : vector<16xi32> to vector<16xi32>
    tpu.vector_store %arg6[%swap3A_146], %swap3A_149 {strides = array<i32>} : memref<512xi32, #tpu.memory_space<vmem>>, vector<16xi32>,
    %add3A_150 = arith.constant 112 : i32
    %add3A_151 = vector.broadcast %add3A_150 : i32 to vector<16xi32>
    %add3A_152 = arith.addi %iota3A, %add3A_151 : vector<16xi32>
    %get3A_153 = arith.constant 112 : index
    %get3A_154 = tpu.vector_load %arg5[%get3A_153] {strides = array<i32>} : memref<128xi32, #tpu.memory_space<vmem>>, vector<16xi32>,
    %get3A_155 = vector.shape_cast %get3A_154 : vector<16xi32> to vector<16xi32>
    %mul3A_156 = arith.constant 128 : i32
    %mul3A_157 = arith.muli %add3A_4, %mul3A_156 : i32
    %add3A_158 = vector.broadcast %mul3A_157 : i32 to vector<16xi32>
    %add3A_159 = arith.addi %add3A_158, %add3A_152 : vector<16xi32>
    %mul3A_160 = arith.constant 512 : i32
    %mul3A_161 = vector.broadcast %mul3A_160 : i32 to vector<16xi32>
    %mul3A_162 = arith.muli %add3A_159, %mul3A_161 : vector<16xi32>
    %add3A_163 = arith.constant 0 : i32
    %add3A_164 = vector.broadcast %add3A_163 : i32 to vector<16xi32>
    %add3A_165 = arith.addi %mul3A_162, %add3A_164 : vector<16xi32>
    %add3A_166 = arith.addi %add3A_165, %get3A_155 : vector<16xi32>
    %swap3A_167 = arith.constant 112 : index
    %swap3A_168 = tpu.vector_load %arg6[%swap3A_167] {strides = array<i32>} : memref<512xi32, #tpu.memory_space<vmem>>, vector<16xi32>,
    %swap3A_169 = vector.shape_cast %swap3A_168 : vector<16xi32> to vector<16xi32>
    %swap3A_170 = vector.shape_cast %add3A_166 : vector<16xi32> to vector<16xi32>
    tpu.vector_store %arg6[%swap3A_167], %swap3A_170 {strides = array<i32>} : memref<512xi32, #tpu.memory_space<vmem>>, vector<16xi32>,
    %add3A_171 = arith.constant 0 : i32
    %add3A_172 = vector.broadcast %add3A_171 : i32 to vector<16xi32>
    %add3A_173 = arith.addi %iota3A, %add3A_172 : vector<16xi32>
    %get3A_174 = arith.constant 0 : index
    %get3A_175 = tpu.vector_load %arg5[%get3A_174] {strides = array<i32>} : memref<128xi32, #tpu.memory_space<vmem>>, vector<16xi32>,
    %get3A_176 = vector.shape_cast %get3A_175 : vector<16xi32> to vector<16xi32>
    %mul3A_177 = arith.constant 128 : i32
    %mul3A_178 = arith.muli %add3A_4, %mul3A_177 : i32
    %add3A_179 = vector.broadcast %mul3A_178 : i32 to vector<16xi32>
    %add3A_180 = arith.addi %add3A_179, %add3A_173 : vector<16xi32>
    %mul3A_181 = arith.constant 512 : i32
    %mul3A_182 = vector.broadcast %mul3A_181 : i32 to vector<16xi32>
    %mul3A_183 = arith.muli %add3A_180, %mul3A_182 : vector<16xi32>
    %add3A_184 = arith.constant 128 : i32
    %add3A_185 = vector.broadcast %add3A_184 : i32 to vector<16xi32>
    %add3A_186 = arith.addi %mul3A_183, %add3A_185 : vector<16xi32>
    %add3A_187 = arith.addi %add3A_186, %get3A_176 : vector<16xi32>
    %swap3A_188 = arith.constant 128 : index
    %swap3A_189 = tpu.vector_load %arg6[%swap3A_188] {strides = array<i32>} : memref<512xi32, #tpu.memory_space<vmem>>, vector<16xi32>,
    %swap3A_190 = vector.shape_cast %swap3A_189 : vector<16xi32> to vector<16xi32>
    %swap3A_191 = vector.shape_cast %add3A_187 : vector<16xi32> to vector<16xi32>
    tpu.vector_store %arg6[%swap3A_188], %swap3A_191 {strides = array<i32>} : memref<512xi32, #tpu.memory_space<vmem>>, vector<16xi32>,
    %add3A_192 = arith.constant 16 : i32
    %add3A_193 = vector.broadcast %add3A_192 : i32 to vector<16xi32>
    %add3A_194 = arith.addi %iota3A, %add3A_193 : vector<16xi32>
    %get3A_195 = arith.constant 16 : index
    %get3A_196 = tpu.vector_load %arg5[%get3A_195] {strides = array<i32>} : memref<128xi32, #tpu.memory_space<vmem>>, vector<16xi32>,
    %get3A_197 = vector.shape_cast %get3A_196 : vector<16xi32> to vector<16xi32>
    %mul3A_198 = arith.constant 128 : i32
    %mul3A_199 = arith.muli %add3A_4, %mul3A_198 : i32
    %add3A_200 = vector.broadcast %mul3A_199 : i32 to vector<16xi32>
    %add3A_201 = arith.addi %add3A_200, %add3A_194 : vector<16xi32>
    %mul3A_202 = arith.constant 512 : i32
    %mul3A_203 = vector.broadcast %mul3A_202 : i32 to vector<16xi32>
    %mul3A_204 = arith.muli %add3A_201, %mul3A_203 : vector<16xi32>
    %add3A_205 = arith.constant 128 : i32
    %add3A_206 = vector.broadcast %add3A_205 : i32 to vector<16xi32>
    %add3A_207 = arith.addi %mul3A_204, %add3A_206 : vector<16xi32>
    %add3A_208 = arith.addi %add3A_207, %get3A_197 : vector<16xi32>
    %swap3A_209 = arith.constant 144 : index
    %swap3A_210 = tpu.vector_load %arg6[%swap3A_209] {strides = array<i32>} : memref<512xi32, #tpu.memory_space<vmem>>, vector<16xi32>,
    %swap3A_211 = vector.shape_cast %swap3A_210 : vector<16xi32> to vector<16xi32>
    %swap3A_212 = vector.shape_cast %add3A_208 : vector<16xi32> to vector<16xi32>
    tpu.vector_store %arg6[%swap3A_209], %swap3A_212 {strides = array<i32>} : memref<512xi32, #tpu.memory_space<vmem>>, vector<16xi32>,
    %add3A_213 = arith.constant 32 : i32
    %add3A_214 = vector.broadcast %add3A_213 : i32 to vector<16xi32>
    %add3A_215 = arith.addi %iota3A, %add3A_214 : vector<16xi32>
    %get3A_216 = arith.constant 32 : index
    %get3A_217 = tpu.vector_load %arg5[%get3A_216] {strides = array<i32>} : memref<128xi32, #tpu.memory_space<vmem>>, vector<16xi32>,
    %get3A_218 = vector.shape_cast %get3A_217 : vector<16xi32> to vector<16xi32>
    %mul3A_219 = arith.constant 128 : i32
    %mul3A_220 = arith.muli %add3A_4, %mul3A_219 : i32
    %add3A_221 = vector.broadcast %mul3A_220 : i32 to vector<16xi32>
    %add3A_222 = arith.addi %add3A_221, %add3A_215 : vector<16xi32>
    %mul3A_223 = arith.constant 512 : i32
    %mul3A_224 = vector.broadcast %mul3A_223 : i32 to vector<16xi32>
    %mul3A_225 = arith.muli %add3A_222, %mul3A_224 : vector<16xi32>
    %add3A_226 = arith.constant 128 : i32
    %add3A_227 = vector.broadcast %add3A_226 : i32 to vector<16xi32>
    %add3A_228 = arith.addi %mul3A_225, %add3A_227 : vector<16xi32>
    %add3A_229 = arith.addi %add3A_228, %get3A_218 : vector<16xi32>
    %swap3A_230 = arith.constant 160 : index
    %swap3A_231 = tpu.vector_load %arg6[%swap3A_230] {strides = array<i32>} : memref<512xi32, #tpu.memory_space<vmem>>, vector<16xi32>,
    %swap3A_232 = vector.shape_cast %swap3A_231 : vector<16xi32> to vector<16xi32>
    %swap3A_233 = vector.shape_cast %add3A_229 : vector<16xi32> to vector<16xi32>
    tpu.vector_store %arg6[%swap3A_230], %swap3A_233 {strides = array<i32>} : memref<512xi32, #tpu.memory_space<vmem>>, vector<16xi32>,
    %add3A_234 = arith.constant 48 : i32
    %add3A_235 = vector.broadcast %add3A_234 : i32 to vector<16xi32>
    %add3A_236 = arith.addi %iota3A, %add3A_235 : vector<16xi32>
    %get3A_237 = arith.constant 48 : index
    %get3A_238 = tpu.vector_load %arg5[%get3A_237] {strides = array<i32>} : memref<128xi32, #tpu.memory_space<vmem>>, vector<16xi32>,
    %get3A_239 = vector.shape_cast %get3A_238 : vector<16xi32> to vector<16xi32>
    %mul3A_240 = arith.constant 128 : i32
    %mul3A_241 = arith.muli %add3A_4, %mul3A_240 : i32
    %add3A_242 = vector.broadcast %mul3A_241 : i32 to vector<16xi32>
    %add3A_243 = arith.addi %add3A_242, %add3A_236 : vector<16xi32>
    %mul3A_244 = arith.constant 512 : i32
    %mul3A_245 = vector.broadcast %mul3A_244 : i32 to vector<16xi32>
    %mul3A_246 = arith.muli %add3A_243, %mul3A_245 : vector<16xi32>
    %add3A_247 = arith.constant 128 : i32
    %add3A_248 = vector.broadcast %add3A_247 : i32 to vector<16xi32>
    %add3A_249 = arith.addi %mul3A_246, %add3A_248 : vector<16xi32>
    %add3A_250 = arith.addi %add3A_249, %get3A_239 : vector<16xi32>
    %swap3A_251 = arith.constant 176 : index
    %swap3A_252 = tpu.vector_load %arg6[%swap3A_251] {strides = array<i32>} : memref<512xi32, #tpu.memory_space<vmem>>, vector<16xi32>,
    %swap3A_253 = vector.shape_cast %swap3A_252 : vector<16xi32> to vector<16xi32>
    %swap3A_254 = vector.shape_cast %add3A_250 : vector<16xi32> to vector<16xi32>
    tpu.vector_store %arg6[%swap3A_251], %swap3A_254 {strides = array<i32>} : memref<512xi32, #tpu.memory_space<vmem>>, vector<16xi32>,
    %add3A_255 = arith.constant 64 : i32
    %add3A_256 = vector.broadcast %add3A_255 : i32 to vector<16xi32>
    %add3A_257 = arith.addi %iota3A, %add3A_256 : vector<16xi32>
    %get3A_258 = arith.constant 64 : index
    %get3A_259 = tpu.vector_load %arg5[%get3A_258] {strides = array<i32>} : memref<128xi32, #tpu.memory_space<vmem>>, vector<16xi32>,
    %get3A_260 = vector.shape_cast %get3A_259 : vector<16xi32> to vector<16xi32>
    %mul3A_261 = arith.constant 128 : i32
    %mul3A_262 = arith.muli %add3A_4, %mul3A_261 : i32
    %add3A_263 = vector.broadcast %mul3A_262 : i32 to vector<16xi32>
    %add3A_264 = arith.addi %add3A_263, %add3A_257 : vector<16xi32>
    %mul3A_265 = arith.constant 512 : i32
    %mul3A_266 = vector.broadcast %mul3A_265 : i32 to vector<16xi32>
    %mul3A_267 = arith.muli %add3A_264, %mul3A_266 : vector<16xi32>
    %add3A_268 = arith.constant 128 : i32
    %add3A_269 = vector.broadcast %add3A_268 : i32 to vector<16xi32>
    %add3A_270 = arith.addi %mul3A_267, %add3A_269 : vector<16xi32>
    %add3A_271 = arith.addi %add3A_270, %get3A_260 : vector<16xi32>
    %swap3A_272 = arith.constant 192 : index
    %swap3A_273 = tpu.vector_load %arg6[%swap3A_272] {strides = array<i32>} : memref<512xi32, #tpu.memory_space<vmem>>, vector<16xi32>,
    %swap3A_274 = vector.shape_cast %swap3A_273 : vector<16xi32> to vector<16xi32>
    %swap3A_275 = vector.shape_cast %add3A_271 : vector<16xi32> to vector<16xi32>
    tpu.vector_store %arg6[%swap3A_272], %swap3A_275 {strides = array<i32>} : memref<512xi32, #tpu.memory_space<vmem>>, vector<16xi32>,
    %add3A_276 = arith.constant 80 : i32
    %add3A_277 = vector.broadcast %add3A_276 : i32 to vector<16xi32>
    %add3A_278 = arith.addi %iota3A, %add3A_277 : vector<16xi32>
    %get3A_279 = arith.constant 80 : index
    %get3A_280 = tpu.vector_load %arg5[%get3A_279] {strides = array<i32>} : memref<128xi32, #tpu.memory_space<vmem>>, vector<16xi32>,
    %get3A_281 = vector.shape_cast %get3A_280 : vector<16xi32> to vector<16xi32>
    %mul3A_282 = arith.constant 128 : i32
    %mul3A_283 = arith.muli %add3A_4, %mul3A_282 : i32
    %add3A_284 = vector.broadcast %mul3A_283 : i32 to vector<16xi32>
    %add3A_285 = arith.addi %add3A_284, %add3A_278 : vector<16xi32>
    %mul3A_286 = arith.constant 512 : i32
    %mul3A_287 = vector.broadcast %mul3A_286 : i32 to vector<16xi32>
    %mul3A_288 = arith.muli %add3A_285, %mul3A_287 : vector<16xi32>
    %add3A_289 = arith.constant 128 : i32
    %add3A_290 = vector.broadcast %add3A_289 : i32 to vector<16xi32>
    %add3A_291 = arith.addi %mul3A_288, %add3A_290 : vector<16xi32>
    %add3A_292 = arith.addi %add3A_291, %get3A_281 : vector<16xi32>
    %swap3A_293 = arith.constant 208 : index
    %swap3A_294 = tpu.vector_load %arg6[%swap3A_293] {strides = array<i32>} : memref<512xi32, #tpu.memory_space<vmem>>, vector<16xi32>,
    %swap3A_295 = vector.shape_cast %swap3A_294 : vector<16xi32> to vector<16xi32>
    %swap3A_296 = vector.shape_cast %add3A_292 : vector<16xi32> to vector<16xi32>
    tpu.vector_store %arg6[%swap3A_293], %swap3A_296 {strides = array<i32>} : memref<512xi32, #tpu.memory_space<vmem>>, vector<16xi32>,
    %add3A_297 = arith.constant 96 : i32
    %add3A_298 = vector.broadcast %add3A_297 : i32 to vector<16xi32>
    %add3A_299 = arith.addi %iota3A, %add3A_298 : vector<16xi32>
    %get3A_300 = arith.constant 96 : index
    %get3A_301 = tpu.vector_load %arg5[%get3A_300] {strides = array<i32>} : memref<128xi32, #tpu.memory_space<vmem>>, vector<16xi32>,
    %get3A_302 = vector.shape_cast %get3A_301 : vector<16xi32> to vector<16xi32>
    %mul3A_303 = arith.constant 128 : i32
    %mul3A_304 = arith.muli %add3A_4, %mul3A_303 : i32
    %add3A_305 = vector.broadcast %mul3A_304 : i32 to vector<16xi32>
    %add3A_306 = arith.addi %add3A_305, %add3A_299 : vector<16xi32>
    %mul3A_307 = arith.constant 512 : i32
    %mul3A_308 = vector.broadcast %mul3A_307 : i32 to vector<16xi32>
    %mul3A_309 = arith.muli %add3A_306, %mul3A_308 : vector<16xi32>
    %add3A_310 = arith.constant 128 : i32
    %add3A_311 = vector.broadcast %add3A_310 : i32 to vector<16xi32>
    %add3A_312 = arith.addi %mul3A_309, %add3A_311 : vector<16xi32>
    %add3A_313 = arith.addi %add3A_312, %get3A_302 : vector<16xi32>
    %swap3A_314 = arith.constant 224 : index
    %swap3A_315 = tpu.vector_load %arg6[%swap3A_314] {strides = array<i32>} : memref<512xi32, #tpu.memory_space<vmem>>, vector<16xi32>,
    %swap3A_316 = vector.shape_cast %swap3A_315 : vector<16xi32> to vector<16xi32>
    %swap3A_317 = vector.shape_cast %add3A_313 : vector<16xi32> to vector<16xi32>
    tpu.vector_store %arg6[%swap3A_314], %swap3A_317 {strides = array<i32>} : memref<512xi32, #tpu.memory_space<vmem>>, vector<16xi32>,
    %add3A_318 = arith.constant 112 : i32
    %add3A_319 = vector.broadcast %add3A_318 : i32 to vector<16xi32>
    %add3A_320 = arith.addi %iota3A, %add3A_319 : vector<16xi32>
    %get3A_321 = arith.constant 112 : index
    %get3A_322 = tpu.vector_load %arg5[%get3A_321] {strides = array<i32>} : memref<128xi32, #tpu.memory_space<vmem>>, vector<16xi32>,
    %get3A_323 = vector.shape_cast %get3A_322 : vector<16xi32> to vector<16xi32>
    %mul3A_324 = arith.constant 128 : i32
    %mul3A_325 = arith.muli %add3A_4, %mul3A_324 : i32
    %add3A_326 = vector.broadcast %mul3A_325 : i32 to vector<16xi32>
    %add3A_327 = arith.addi %add3A_326, %add3A_320 : vector<16xi32>
    %mul3A_328 = arith.constant 512 : i32
    %mul3A_329 = vector.broadcast %mul3A_328 : i32 to vector<16xi32>
    %mul3A_330 = arith.muli %add3A_327, %mul3A_329 : vector<16xi32>
    %add3A_331 = arith.constant 128 : i32
    %add3A_332 = vector.broadcast %add3A_331 : i32 to vector<16xi32>
    %add3A_333 = arith.addi %mul3A_330, %add3A_332 : vector<16xi32>
    %add3A_334 = arith.addi %add3A_333, %get3A_323 : vector<16xi32>
    %swap3A_335 = arith.constant 240 : index
    %swap3A_336 = tpu.vector_load %arg6[%swap3A_335] {strides = array<i32>} : memref<512xi32, #tpu.memory_space<vmem>>, vector<16xi32>,
    %swap3A_337 = vector.shape_cast %swap3A_336 : vector<16xi32> to vector<16xi32>
    %swap3A_338 = vector.shape_cast %add3A_334 : vector<16xi32> to vector<16xi32>
    tpu.vector_store %arg6[%swap3A_335], %swap3A_338 {strides = array<i32>} : memref<512xi32, #tpu.memory_space<vmem>>, vector<16xi32>,
    %add3A_339 = arith.constant 0 : i32
    %add3A_340 = vector.broadcast %add3A_339 : i32 to vector<16xi32>
    %add3A_341 = arith.addi %iota3A, %add3A_340 : vector<16xi32>
    %get3A_342 = arith.constant 0 : index
    %get3A_343 = tpu.vector_load %arg5[%get3A_342] {strides = array<i32>} : memref<128xi32, #tpu.memory_space<vmem>>, vector<16xi32>,
    %get3A_344 = vector.shape_cast %get3A_343 : vector<16xi32> to vector<16xi32>
    %mul3A_345 = arith.constant 128 : i32
    %mul3A_346 = arith.muli %add3A_4, %mul3A_345 : i32
    %add3A_347 = vector.broadcast %mul3A_346 : i32 to vector<16xi32>
    %add3A_348 = arith.addi %add3A_347, %add3A_341 : vector<16xi32>
    %mul3A_349 = arith.constant 512 : i32
    %mul3A_350 = vector.broadcast %mul3A_349 : i32 to vector<16xi32>
    %mul3A_351 = arith.muli %add3A_348, %mul3A_350 : vector<16xi32>
    %add3A_352 = arith.constant 256 : i32
    %add3A_353 = vector.broadcast %add3A_352 : i32 to vector<16xi32>
    %add3A_354 = arith.addi %mul3A_351, %add3A_353 : vector<16xi32>
    %add3A_355 = arith.addi %add3A_354, %get3A_344 : vector<16xi32>
    %swap3A_356 = arith.constant 256 : index
    %swap3A_357 = tpu.vector_load %arg6[%swap3A_356] {strides = array<i32>} : memref<512xi32, #tpu.memory_space<vmem>>, vector<16xi32>,
    %swap3A_358 = vector.shape_cast %swap3A_357 : vector<16xi32> to vector<16xi32>
    %swap3A_359 = vector.shape_cast %add3A_355 : vector<16xi32> to vector<16xi32>
    tpu.vector_store %arg6[%swap3A_356], %swap3A_359 {strides = array<i32>} : memref<512xi32, #tpu.memory_space<vmem>>, vector<16xi32>,
    %add3A_360 = arith.constant 16 : i32
    %add3A_361 = vector.broadcast %add3A_360 : i32 to vector<16xi32>
    %add3A_362 = arith.addi %iota3A, %add3A_361 : vector<16xi32>
    %get3A_363 = arith.constant 16 : index
    %get3A_364 = tpu.vector_load %arg5[%get3A_363] {strides = array<i32>} : memref<128xi32, #tpu.memory_space<vmem>>, vector<16xi32>,
    %get3A_365 = vector.shape_cast %get3A_364 : vector<16xi32> to vector<16xi32>
    %mul3A_366 = arith.constant 128 : i32
    %mul3A_367 = arith.muli %add3A_4, %mul3A_366 : i32
    %add3A_368 = vector.broadcast %mul3A_367 : i32 to vector<16xi32>
    %add3A_369 = arith.addi %add3A_368, %add3A_362 : vector<16xi32>
    %mul3A_370 = arith.constant 512 : i32
    %mul3A_371 = vector.broadcast %mul3A_370 : i32 to vector<16xi32>
    %mul3A_372 = arith.muli %add3A_369, %mul3A_371 : vector<16xi32>
    %add3A_373 = arith.constant 256 : i32
    %add3A_374 = vector.broadcast %add3A_373 : i32 to vector<16xi32>
    %add3A_375 = arith.addi %mul3A_372, %add3A_374 : vector<16xi32>
    %add3A_376 = arith.addi %add3A_375, %get3A_365 : vector<16xi32>
    %swap3A_377 = arith.constant 272 : index
    %swap3A_378 = tpu.vector_load %arg6[%swap3A_377] {strides = array<i32>} : memref<512xi32, #tpu.memory_space<vmem>>, vector<16xi32>,
    %swap3A_379 = vector.shape_cast %swap3A_378 : vector<16xi32> to vector<16xi32>
    %swap3A_380 = vector.shape_cast %add3A_376 : vector<16xi32> to vector<16xi32>
    tpu.vector_store %arg6[%swap3A_377], %swap3A_380 {strides = array<i32>} : memref<512xi32, #tpu.memory_space<vmem>>, vector<16xi32>,
    %add3A_381 = arith.constant 32 : i32
    %add3A_382 = vector.broadcast %add3A_381 : i32 to vector<16xi32>
    %add3A_383 = arith.addi %iota3A, %add3A_382 : vector<16xi32>
    %get3A_384 = arith.constant 32 : index
    %get3A_385 = tpu.vector_load %arg5[%get3A_384] {strides = array<i32>} : memref<128xi32, #tpu.memory_space<vmem>>, vector<16xi32>,
    %get3A_386 = vector.shape_cast %get3A_385 : vector<16xi32> to vector<16xi32>
    %mul3A_387 = arith.constant 128 : i32
    %mul3A_388 = arith.muli %add3A_4, %mul3A_387 : i32
    %add3A_389 = vector.broadcast %mul3A_388 : i32 to vector<16xi32>
    %add3A_390 = arith.addi %add3A_389, %add3A_383 : vector<16xi32>
    %mul3A_391 = arith.constant 512 : i32
    %mul3A_392 = vector.broadcast %mul3A_391 : i32 to vector<16xi32>
    %mul3A_393 = arith.muli %add3A_390, %mul3A_392 : vector<16xi32>
    %add3A_394 = arith.constant 256 : i32
    %add3A_395 = vector.broadcast %add3A_394 : i32 to vector<16xi32>
    %add3A_396 = arith.addi %mul3A_393, %add3A_395 : vector<16xi32>
    %add3A_397 = arith.addi %add3A_396, %get3A_386 : vector<16xi32>
    %swap3A_398 = arith.constant 288 : index
    %swap3A_399 = tpu.vector_load %arg6[%swap3A_398] {strides = array<i32>} : memref<512xi32, #tpu.memory_space<vmem>>, vector<16xi32>,
    %swap3A_400 = vector.shape_cast %swap3A_399 : vector<16xi32> to vector<16xi32>
    %swap3A_401 = vector.shape_cast %add3A_397 : vector<16xi32> to vector<16xi32>
    tpu.vector_store %arg6[%swap3A_398], %swap3A_401 {strides = array<i32>} : memref<512xi32, #tpu.memory_space<vmem>>, vector<16xi32>,
    %add3A_402 = arith.constant 48 : i32
    %add3A_403 = vector.broadcast %add3A_402 : i32 to vector<16xi32>
    %add3A_404 = arith.addi %iota3A, %add3A_403 : vector<16xi32>
    %get3A_405 = arith.constant 48 : index
    %get3A_406 = tpu.vector_load %arg5[%get3A_405] {strides = array<i32>} : memref<128xi32, #tpu.memory_space<vmem>>, vector<16xi32>,
    %get3A_407 = vector.shape_cast %get3A_406 : vector<16xi32> to vector<16xi32>
    %mul3A_408 = arith.constant 128 : i32
    %mul3A_409 = arith.muli %add3A_4, %mul3A_408 : i32
    %add3A_410 = vector.broadcast %mul3A_409 : i32 to vector<16xi32>
    %add3A_411 = arith.addi %add3A_410, %add3A_404 : vector<16xi32>
    %mul3A_412 = arith.constant 512 : i32
    %mul3A_413 = vector.broadcast %mul3A_412 : i32 to vector<16xi32>
    %mul3A_414 = arith.muli %add3A_411, %mul3A_413 : vector<16xi32>
    %add3A_415 = arith.constant 256 : i32
    %add3A_416 = vector.broadcast %add3A_415 : i32 to vector<16xi32>
    %add3A_417 = arith.addi %mul3A_414, %add3A_416 : vector<16xi32>
    %add3A_418 = arith.addi %add3A_417, %get3A_407 : vector<16xi32>
    %swap3A_419 = arith.constant 304 : index
    %swap3A_420 = tpu.vector_load %arg6[%swap3A_419] {strides = array<i32>} : memref<512xi32, #tpu.memory_space<vmem>>, vector<16xi32>,
    %swap3A_421 = vector.shape_cast %swap3A_420 : vector<16xi32> to vector<16xi32>
    %swap3A_422 = vector.shape_cast %add3A_418 : vector<16xi32> to vector<16xi32>
    tpu.vector_store %arg6[%swap3A_419], %swap3A_422 {strides = array<i32>} : memref<512xi32, #tpu.memory_space<vmem>>, vector<16xi32>,
    %add3A_423 = arith.constant 64 : i32
    %add3A_424 = vector.broadcast %add3A_423 : i32 to vector<16xi32>
    %add3A_425 = arith.addi %iota3A, %add3A_424 : vector<16xi32>
    %get3A_426 = arith.constant 64 : index
    %get3A_427 = tpu.vector_load %arg5[%get3A_426] {strides = array<i32>} : memref<128xi32, #tpu.memory_space<vmem>>, vector<16xi32>,
    %get3A_428 = vector.shape_cast %get3A_427 : vector<16xi32> to vector<16xi32>
    %mul3A_429 = arith.constant 128 : i32
    %mul3A_430 = arith.muli %add3A_4, %mul3A_429 : i32
    %add3A_431 = vector.broadcast %mul3A_430 : i32 to vector<16xi32>
    %add3A_432 = arith.addi %add3A_431, %add3A_425 : vector<16xi32>
    %mul3A_433 = arith.constant 512 : i32
    %mul3A_434 = vector.broadcast %mul3A_433 : i32 to vector<16xi32>
    %mul3A_435 = arith.muli %add3A_432, %mul3A_434 : vector<16xi32>
    %add3A_436 = arith.constant 256 : i32
    %add3A_437 = vector.broadcast %add3A_436 : i32 to vector<16xi32>
    %add3A_438 = arith.addi %mul3A_435, %add3A_437 : vector<16xi32>
    %add3A_439 = arith.addi %add3A_438, %get3A_428 : vector<16xi32>
    %swap3A_440 = arith.constant 320 : index
    %swap3A_441 = tpu.vector_load %arg6[%swap3A_440] {strides = array<i32>} : memref<512xi32, #tpu.memory_space<vmem>>, vector<16xi32>,
    %swap3A_442 = vector.shape_cast %swap3A_441 : vector<16xi32> to vector<16xi32>
    %swap3A_443 = vector.shape_cast %add3A_439 : vector<16xi32> to vector<16xi32>
    tpu.vector_store %arg6[%swap3A_440], %swap3A_443 {strides = array<i32>} : memref<512xi32, #tpu.memory_space<vmem>>, vector<16xi32>,
    %add3A_444 = arith.constant 80 : i32
    %add3A_445 = vector.broadcast %add3A_444 : i32 to vector<16xi32>
    %add3A_446 = arith.addi %iota3A, %add3A_445 : vector<16xi32>
    %get3A_447 = arith.constant 80 : index
    %get3A_448 = tpu.vector_load %arg5[%get3A_447] {strides = array<i32>} : memref<128xi32, #tpu.memory_space<vmem>>, vector<16xi32>,
    %get3A_449 = vector.shape_cast %get3A_448 : vector<16xi32> to vector<16xi32>
    %mul3A_450 = arith.constant 128 : i32
    %mul3A_451 = arith.muli %add3A_4, %mul3A_450 : i32
    %add3A_452 = vector.broadcast %mul3A_451 : i32 to vector<16xi32>
    %add3A_453 = arith.addi %add3A_452, %add3A_446 : vector<16xi32>
    %mul3A_454 = arith.constant 512 : i32
    %mul3A_455 = vector.broadcast %mul3A_454 : i32 to vector<16xi32>
    %mul3A_456 = arith.muli %add3A_453, %mul3A_455 : vector<16xi32>
    %add3A_457 = arith.constant 256 : i32
    %add3A_458 = vector.broadcast %add3A_457 : i32 to vector<16xi32>
    %add3A_459 = arith.addi %mul3A_456, %add3A_458 : vector<16xi32>
    %add3A_460 = arith.addi %add3A_459, %get3A_449 : vector<16xi32>
    %swap3A_461 = arith.constant 336 : index
    %swap3A_462 = tpu.vector_load %arg6[%swap3A_461] {strides = array<i32>} : memref<512xi32, #tpu.memory_space<vmem>>, vector<16xi32>,
    %swap3A_463 = vector.shape_cast %swap3A_462 : vector<16xi32> to vector<16xi32>
    %swap3A_464 = vector.shape_cast %add3A_460 : vector<16xi32> to vector<16xi32>
    tpu.vector_store %arg6[%swap3A_461], %swap3A_464 {strides = array<i32>} : memref<512xi32, #tpu.memory_space<vmem>>, vector<16xi32>,
    %add3A_465 = arith.constant 96 : i32
    %add3A_466 = vector.broadcast %add3A_465 : i32 to vector<16xi32>
    %add3A_467 = arith.addi %iota3A, %add3A_466 : vector<16xi32>
    %get3A_468 = arith.constant 96 : index
    %get3A_469 = tpu.vector_load %arg5[%get3A_468] {strides = array<i32>} : memref<128xi32, #tpu.memory_space<vmem>>, vector<16xi32>,
    %get3A_470 = vector.shape_cast %get3A_469 : vector<16xi32> to vector<16xi32>
    %mul3A_471 = arith.constant 128 : i32
    %mul3A_472 = arith.muli %add3A_4, %mul3A_471 : i32
    %add3A_473 = vector.broadcast %mul3A_472 : i32 to vector<16xi32>
    %add3A_474 = arith.addi %add3A_473, %add3A_467 : vector<16xi32>
    %mul3A_475 = arith.constant 512 : i32
    %mul3A_476 = vector.broadcast %mul3A_475 : i32 to vector<16xi32>
    %mul3A_477 = arith.muli %add3A_474, %mul3A_476 : vector<16xi32>
    %add3A_478 = arith.constant 256 : i32
    %add3A_479 = vector.broadcast %add3A_478 : i32 to vector<16xi32>
    %add3A_480 = arith.addi %mul3A_477, %add3A_479 : vector<16xi32>
    %add3A_481 = arith.addi %add3A_480, %get3A_470 : vector<16xi32>
    %swap3A_482 = arith.constant 352 : index
    %swap3A_483 = tpu.vector_load %arg6[%swap3A_482] {strides = array<i32>} : memref<512xi32, #tpu.memory_space<vmem>>, vector<16xi32>,
    %swap3A_484 = vector.shape_cast %swap3A_483 : vector<16xi32> to vector<16xi32>
    %swap3A_485 = vector.shape_cast %add3A_481 : vector<16xi32> to vector<16xi32>
    tpu.vector_store %arg6[%swap3A_482], %swap3A_485 {strides = array<i32>} : memref<512xi32, #tpu.memory_space<vmem>>, vector<16xi32>,
    %add3A_486 = arith.constant 112 : i32
    %add3A_487 = vector.broadcast %add3A_486 : i32 to vector<16xi32>
    %add3A_488 = arith.addi %iota3A, %add3A_487 : vector<16xi32>
    %get3A_489 = arith.constant 112 : index
    %get3A_490 = tpu.vector_load %arg5[%get3A_489] {strides = array<i32>} : memref<128xi32, #tpu.memory_space<vmem>>, vector<16xi32>,
    %get3A_491 = vector.shape_cast %get3A_490 : vector<16xi32> to vector<16xi32>
    %mul3A_492 = arith.constant 128 : i32
    %mul3A_493 = arith.muli %add3A_4, %mul3A_492 : i32
    %add3A_494 = vector.broadcast %mul3A_493 : i32 to vector<16xi32>
    %add3A_495 = arith.addi %add3A_494, %add3A_488 : vector<16xi32>
    %mul3A_496 = arith.constant 512 : i32
    %mul3A_497 = vector.broadcast %mul3A_496 : i32 to vector<16xi32>
    %mul3A_498 = arith.muli %add3A_495, %mul3A_497 : vector<16xi32>
    %add3A_499 = arith.constant 256 : i32
    %add3A_500 = vector.broadcast %add3A_499 : i32 to vector<16xi32>
    %add3A_501 = arith.addi %mul3A_498, %add3A_500 : vector<16xi32>
    %add3A_502 = arith.addi %add3A_501, %get3A_491 : vector<16xi32>
    %swap3A_503 = arith.constant 368 : index
    %swap3A_504 = tpu.vector_load %arg6[%swap3A_503] {strides = array<i32>} : memref<512xi32, #tpu.memory_space<vmem>>, vector<16xi32>,
    %swap3A_505 = vector.shape_cast %swap3A_504 : vector<16xi32> to vector<16xi32>
    %swap3A_506 = vector.shape_cast %add3A_502 : vector<16xi32> to vector<16xi32>
    tpu.vector_store %arg6[%swap3A_503], %swap3A_506 {strides = array<i32>} : memref<512xi32, #tpu.memory_space<vmem>>, vector<16xi32>,
    %add3A_507 = arith.constant 0 : i32
    %add3A_508 = vector.broadcast %add3A_507 : i32 to vector<16xi32>
    %add3A_509 = arith.addi %iota3A, %add3A_508 : vector<16xi32>
    %get3A_510 = arith.constant 0 : index
    %get3A_511 = tpu.vector_load %arg5[%get3A_510] {strides = array<i32>} : memref<128xi32, #tpu.memory_space<vmem>>, vector<16xi32>,
    %get3A_512 = vector.shape_cast %get3A_511 : vector<16xi32> to vector<16xi32>
    %mul3A_513 = arith.constant 128 : i32
    %mul3A_514 = arith.muli %add3A_4, %mul3A_513 : i32
    %add3A_515 = vector.broadcast %mul3A_514 : i32 to vector<16xi32>
    %add3A_516 = arith.addi %add3A_515, %add3A_509 : vector<16xi32>
    %mul3A_517 = arith.constant 512 : i32
    %mul3A_518 = vector.broadcast %mul3A_517 : i32 to vector<16xi32>
    %mul3A_519 = arith.muli %add3A_516, %mul3A_518 : vector<16xi32>
    %add3A_520 = arith.constant 384 : i32
    %add3A_521 = vector.broadcast %add3A_520 : i32 to vector<16xi32>
    %add3A_522 = arith.addi %mul3A_519, %add3A_521 : vector<16xi32>
    %add3A_523 = arith.addi %add3A_522, %get3A_512 : vector<16xi32>
    %swap3A_524 = arith.constant 384 : index
    %swap3A_525 = tpu.vector_load %arg6[%swap3A_524] {strides = array<i32>} : memref<512xi32, #tpu.memory_space<vmem>>, vector<16xi32>,
    %swap3A_526 = vector.shape_cast %swap3A_525 : vector<16xi32> to vector<16xi32>
    %swap3A_527 = vector.shape_cast %add3A_523 : vector<16xi32> to vector<16xi32>
    tpu.vector_store %arg6[%swap3A_524], %swap3A_527 {strides = array<i32>} : memref<512xi32, #tpu.memory_space<vmem>>, vector<16xi32>,
    %add3A_528 = arith.constant 16 : i32
    %add3A_529 = vector.broadcast %add3A_528 : i32 to vector<16xi32>
    %add3A_530 = arith.addi %iota3A, %add3A_529 : vector<16xi32>
    %get3A_531 = arith.constant 16 : index
    %get3A_532 = tpu.vector_load %arg5[%get3A_531] {strides = array<i32>} : memref<128xi32, #tpu.memory_space<vmem>>, vector<16xi32>,
    %get3A_533 = vector.shape_cast %get3A_532 : vector<16xi32> to vector<16xi32>
    %mul3A_534 = arith.constant 128 : i32
    %mul3A_535 = arith.muli %add3A_4, %mul3A_534 : i32
    %add3A_536 = vector.broadcast %mul3A_535 : i32 to vector<16xi32>
    %add3A_537 = arith.addi %add3A_536, %add3A_530 : vector<16xi32>
    %mul3A_538 = arith.constant 512 : i32
    %mul3A_539 = vector.broadcast %mul3A_538 : i32 to vector<16xi32>
    %mul3A_540 = arith.muli %add3A_537, %mul3A_539 : vector<16xi32>
    %add3A_541 = arith.constant 384 : i32
    %add3A_542 = vector.broadcast %add3A_541 : i32 to vector<16xi32>
    %add3A_543 = arith.addi %mul3A_540, %add3A_542 : vector<16xi32>
    %add3A_544 = arith.addi %add3A_543, %get3A_533 : vector<16xi32>
    %swap3A_545 = arith.constant 400 : index
    %swap3A_546 = tpu.vector_load %arg6[%swap3A_545] {strides = array<i32>} : memref<512xi32, #tpu.memory_space<vmem>>, vector<16xi32>,
    %swap3A_547 = vector.shape_cast %swap3A_546 : vector<16xi32> to vector<16xi32>
    %swap3A_548 = vector.shape_cast %add3A_544 : vector<16xi32> to vector<16xi32>
    tpu.vector_store %arg6[%swap3A_545], %swap3A_548 {strides = array<i32>} : memref<512xi32, #tpu.memory_space<vmem>>, vector<16xi32>,
    %add3A_549 = arith.constant 32 : i32
    %add3A_550 = vector.broadcast %add3A_549 : i32 to vector<16xi32>
    %add3A_551 = arith.addi %iota3A, %add3A_550 : vector<16xi32>
    %get3A_552 = arith.constant 32 : index
    %get3A_553 = tpu.vector_load %arg5[%get3A_552] {strides = array<i32>} : memref<128xi32, #tpu.memory_space<vmem>>, vector<16xi32>,
    %get3A_554 = vector.shape_cast %get3A_553 : vector<16xi32> to vector<16xi32>
    %mul3A_555 = arith.constant 128 : i32
    %mul3A_556 = arith.muli %add3A_4, %mul3A_555 : i32
    %add3A_557 = vector.broadcast %mul3A_556 : i32 to vector<16xi32>
    %add3A_558 = arith.addi %add3A_557, %add3A_551 : vector<16xi32>
    %mul3A_559 = arith.constant 512 : i32
    %mul3A_560 = vector.broadcast %mul3A_559 : i32 to vector<16xi32>
    %mul3A_561 = arith.muli %add3A_558, %mul3A_560 : vector<16xi32>
    %add3A_562 = arith.constant 384 : i32
    %add3A_563 = vector.broadcast %add3A_562 : i32 to vector<16xi32>
    %add3A_564 = arith.addi %mul3A_561, %add3A_563 : vector<16xi32>
    %add3A_565 = arith.addi %add3A_564, %get3A_554 : vector<16xi32>
    %swap3A_566 = arith.constant 416 : index
    %swap3A_567 = tpu.vector_load %arg6[%swap3A_566] {strides = array<i32>} : memref<512xi32, #tpu.memory_space<vmem>>, vector<16xi32>,
    %swap3A_568 = vector.shape_cast %swap3A_567 : vector<16xi32> to vector<16xi32>
    %swap3A_569 = vector.shape_cast %add3A_565 : vector<16xi32> to vector<16xi32>
    tpu.vector_store %arg6[%swap3A_566], %swap3A_569 {strides = array<i32>} : memref<512xi32, #tpu.memory_space<vmem>>, vector<16xi32>,
    %add3A_570 = arith.constant 48 : i32
    %add3A_571 = vector.broadcast %add3A_570 : i32 to vector<16xi32>
    %add3A_572 = arith.addi %iota3A, %add3A_571 : vector<16xi32>
    %get3A_573 = arith.constant 48 : index
    %get3A_574 = tpu.vector_load %arg5[%get3A_573] {strides = array<i32>} : memref<128xi32, #tpu.memory_space<vmem>>, vector<16xi32>,
    %get3A_575 = vector.shape_cast %get3A_574 : vector<16xi32> to vector<16xi32>
    %mul3A_576 = arith.constant 128 : i32
    %mul3A_577 = arith.muli %add3A_4, %mul3A_576 : i32
    %add3A_578 = vector.broadcast %mul3A_577 : i32 to vector<16xi32>
    %add3A_579 = arith.addi %add3A_578, %add3A_572 : vector<16xi32>
    %mul3A_580 = arith.constant 512 : i32
    %mul3A_581 = vector.broadcast %mul3A_580 : i32 to vector<16xi32>
    %mul3A_582 = arith.muli %add3A_579, %mul3A_581 : vector<16xi32>
    %add3A_583 = arith.constant 384 : i32
    %add3A_584 = vector.broadcast %add3A_583 : i32 to vector<16xi32>
    %add3A_585 = arith.addi %mul3A_582, %add3A_584 : vector<16xi32>
    %add3A_586 = arith.addi %add3A_585, %get3A_575 : vector<16xi32>
    %swap3A_587 = arith.constant 432 : index
    %swap3A_588 = tpu.vector_load %arg6[%swap3A_587] {strides = array<i32>} : memref<512xi32, #tpu.memory_space<vmem>>, vector<16xi32>,
    %swap3A_589 = vector.shape_cast %swap3A_588 : vector<16xi32> to vector<16xi32>
    %swap3A_590 = vector.shape_cast %add3A_586 : vector<16xi32> to vector<16xi32>
    tpu.vector_store %arg6[%swap3A_587], %swap3A_590 {strides = array<i32>} : memref<512xi32, #tpu.memory_space<vmem>>, vector<16xi32>,
    %add3A_591 = arith.constant 64 : i32
    %add3A_592 = vector.broadcast %add3A_591 : i32 to vector<16xi32>
    %add3A_593 = arith.addi %iota3A, %add3A_592 : vector<16xi32>
    %get3A_594 = arith.constant 64 : index
    %get3A_595 = tpu.vector_load %arg5[%get3A_594] {strides = array<i32>} : memref<128xi32, #tpu.memory_space<vmem>>, vector<16xi32>,
    %get3A_596 = vector.shape_cast %get3A_595 : vector<16xi32> to vector<16xi32>
    %mul3A_597 = arith.constant 128 : i32
    %mul3A_598 = arith.muli %add3A_4, %mul3A_597 : i32
    %add3A_599 = vector.broadcast %mul3A_598 : i32 to vector<16xi32>
    %add3A_600 = arith.addi %add3A_599, %add3A_593 : vector<16xi32>
    %mul3A_601 = arith.constant 512 : i32
    %mul3A_602 = vector.broadcast %mul3A_601 : i32 to vector<16xi32>
    %mul3A_603 = arith.muli %add3A_600, %mul3A_602 : vector<16xi32>
    %add3A_604 = arith.constant 384 : i32
    %add3A_605 = vector.broadcast %add3A_604 : i32 to vector<16xi32>
    %add3A_606 = arith.addi %mul3A_603, %add3A_605 : vector<16xi32>
    %add3A_607 = arith.addi %add3A_606, %get3A_596 : vector<16xi32>
    %swap3A_608 = arith.constant 448 : index
    %swap3A_609 = tpu.vector_load %arg6[%swap3A_608] {strides = array<i32>} : memref<512xi32, #tpu.memory_space<vmem>>, vector<16xi32>,
    %swap3A_610 = vector.shape_cast %swap3A_609 : vector<16xi32> to vector<16xi32>
    %swap3A_611 = vector.shape_cast %add3A_607 : vector<16xi32> to vector<16xi32>
    tpu.vector_store %arg6[%swap3A_608], %swap3A_611 {strides = array<i32>} : memref<512xi32, #tpu.memory_space<vmem>>, vector<16xi32>,
    %add3A_612 = arith.constant 80 : i32
    %add3A_613 = vector.broadcast %add3A_612 : i32 to vector<16xi32>
    %add3A_614 = arith.addi %iota3A, %add3A_613 : vector<16xi32>
    %get3A_615 = arith.constant 80 : index
    %get3A_616 = tpu.vector_load %arg5[%get3A_615] {strides = array<i32>} : memref<128xi32, #tpu.memory_space<vmem>>, vector<16xi32>,
    %get3A_617 = vector.shape_cast %get3A_616 : vector<16xi32> to vector<16xi32>
    %mul3A_618 = arith.constant 128 : i32
    %mul3A_619 = arith.muli %add3A_4, %mul3A_618 : i32
    %add3A_620 = vector.broadcast %mul3A_619 : i32 to vector<16xi32>
    %add3A_621 = arith.addi %add3A_620, %add3A_614 : vector<16xi32>
    %mul3A_622 = arith.constant 512 : i32
    %mul3A_623 = vector.broadcast %mul3A_622 : i32 to vector<16xi32>
    %mul3A_624 = arith.muli %add3A_621, %mul3A_623 : vector<16xi32>
    %add3A_625 = arith.constant 384 : i32
    %add3A_626 = vector.broadcast %add3A_625 : i32 to vector<16xi32>
    %add3A_627 = arith.addi %mul3A_624, %add3A_626 : vector<16xi32>
    %add3A_628 = arith.addi %add3A_627, %get3A_617 : vector<16xi32>
    %swap3A_629 = arith.constant 464 : index
    %swap3A_630 = tpu.vector_load %arg6[%swap3A_629] {strides = array<i32>} : memref<512xi32, #tpu.memory_space<vmem>>, vector<16xi32>,
    %swap3A_631 = vector.shape_cast %swap3A_630 : vector<16xi32> to vector<16xi32>
    %swap3A_632 = vector.shape_cast %add3A_628 : vector<16xi32> to vector<16xi32>
    tpu.vector_store %arg6[%swap3A_629], %swap3A_632 {strides = array<i32>} : memref<512xi32, #tpu.memory_space<vmem>>, vector<16xi32>,
    %add3A_633 = arith.constant 96 : i32
    %add3A_634 = vector.broadcast %add3A_633 : i32 to vector<16xi32>
    %add3A_635 = arith.addi %iota3A, %add3A_634 : vector<16xi32>
    %get3A_636 = arith.constant 96 : index
    %get3A_637 = tpu.vector_load %arg5[%get3A_636] {strides = array<i32>} : memref<128xi32, #tpu.memory_space<vmem>>, vector<16xi32>,
    %get3A_638 = vector.shape_cast %get3A_637 : vector<16xi32> to vector<16xi32>
    %mul3A_639 = arith.constant 128 : i32
    %mul3A_640 = arith.muli %add3A_4, %mul3A_639 : i32
    %add3A_641 = vector.broadcast %mul3A_640 : i32 to vector<16xi32>
    %add3A_642 = arith.addi %add3A_641, %add3A_635 : vector<16xi32>
    %mul3A_643 = arith.constant 512 : i32
    %mul3A_644 = vector.broadcast %mul3A_643 : i32 to vector<16xi32>
    %mul3A_645 = arith.muli %add3A_642, %mul3A_644 : vector<16xi32>
    %add3A_646 = arith.constant 384 : i32
    %add3A_647 = vector.broadcast %add3A_646 : i32 to vector<16xi32>
    %add3A_648 = arith.addi %mul3A_645, %add3A_647 : vector<16xi32>
    %add3A_649 = arith.addi %add3A_648, %get3A_638 : vector<16xi32>
    %swap3A_650 = arith.constant 480 : index
    %swap3A_651 = tpu.vector_load %arg6[%swap3A_650] {strides = array<i32>} : memref<512xi32, #tpu.memory_space<vmem>>, vector<16xi32>,
    %swap3A_652 = vector.shape_cast %swap3A_651 : vector<16xi32> to vector<16xi32>
    %swap3A_653 = vector.shape_cast %add3A_649 : vector<16xi32> to vector<16xi32>
    tpu.vector_store %arg6[%swap3A_650], %swap3A_653 {strides = array<i32>} : memref<512xi32, #tpu.memory_space<vmem>>, vector<16xi32>,
    %add3A_654 = arith.constant 112 : i32
    %add3A_655 = vector.broadcast %add3A_654 : i32 to vector<16xi32>
    %add3A_656 = arith.addi %iota3A, %add3A_655 : vector<16xi32>
    %get3A_657 = arith.constant 112 : index
    %get3A_658 = tpu.vector_load %arg5[%get3A_657] {strides = array<i32>} : memref<128xi32, #tpu.memory_space<vmem>>, vector<16xi32>,
    %get3A_659 = vector.shape_cast %get3A_658 : vector<16xi32> to vector<16xi32>
    %mul3A_660 = arith.constant 128 : i32
    %mul3A_661 = arith.muli %add3A_4, %mul3A_660 : i32
    %add3A_662 = vector.broadcast %mul3A_661 : i32 to vector<16xi32>
    %add3A_663 = arith.addi %add3A_662, %add3A_656 : vector<16xi32>
    %mul3A_664 = arith.constant 512 : i32
    %mul3A_665 = vector.broadcast %mul3A_664 : i32 to vector<16xi32>
    %mul3A_666 = arith.muli %add3A_663, %mul3A_665 : vector<16xi32>
    %add3A_667 = arith.constant 384 : i32
    %add3A_668 = vector.broadcast %add3A_667 : i32 to vector<16xi32>
    %add3A_669 = arith.addi %mul3A_666, %add3A_668 : vector<16xi32>
    %add3A_670 = arith.addi %add3A_669, %get3A_659 : vector<16xi32>
    %swap3A_671 = arith.constant 496 : index
    %swap3A_672 = tpu.vector_load %arg6[%swap3A_671] {strides = array<i32>} : memref<512xi32, #tpu.memory_space<vmem>>, vector<16xi32>,
    %swap3A_673 = vector.shape_cast %swap3A_672 : vector<16xi32> to vector<16xi32>
    %swap3A_674 = vector.shape_cast %add3A_670 : vector<16xi32> to vector<16xi32>
    tpu.vector_store %arg6[%swap3A_671], %swap3A_674 {strides = array<i32>} : memref<512xi32, #tpu.memory_space<vmem>>, vector<16xi32>,
    %dma_start3A = arith.constant 0 : i32
    %dma_start3A_675 = tpu.memref_slice %arg2[%dma_start3A] : memref<8388608xf32, #tpu.memory_space<hbm>> -> memref<8388608xf32, #tpu.memory_space<hbm>>
    tpu.enqueue_indirect_dma source(%dma_start3A_675 : memref<8388608xf32, #tpu.memory_space<hbm>>) target(%arg7 : memref<512xf32, #tpu.memory_space<vmem>>) offsets(%arg6 : memref<512xi32, #tpu.memory_space<vmem>>) semaphore(%arg8 : memref<!tpu.dma_semaphore, #tpu.memory_space<semaphore_mem>>)
    %dma_wait3A = arith.constant 0 : i32
    %dma_wait3A_676 = tpu.memref_slice %arg2[%dma_wait3A] : memref<8388608xf32, #tpu.memory_space<hbm>> -> memref<8388608xf32, #tpu.memory_space<hbm>>
    tpu.wait_indirect_dma semaphore(%arg8 : memref<!tpu.dma_semaphore, #tpu.memory_space<semaphore_mem>>) src(%dma_wait3A_676 : memref<8388608xf32, #tpu.memory_space<hbm>>) dst(%arg7 : memref<512xf32, #tpu.memory_space<vmem>>)
    %mul3A_677 = arith.constant 512 : i32
    %mul3A_678 = arith.muli %add3A_4, %mul3A_677 : i32
    "tpu.region"() ({
      %run_scoped3A = tpu.sem_alloc : memref<!tpu.dma_semaphore, #tpu.memory_space<semaphore_mem>>
      %dma_start3A_2725 = tpu.memref_slice %arg4[%mul3A_678] : memref<65536xf32, #tpu.memory_space<hbm>> -> memref<512xf32, #tpu.memory_space<hbm>>
      %dma_start3A_2726 = tpu.memref_slice %arg4[%mul3A_678] : memref<65536xf32, #tpu.memory_space<hbm>> -> memref<512xf32, #tpu.memory_space<hbm>>
      tpu.enqueue_dma source(%arg7 : memref<512xf32, #tpu.memory_space<vmem>>) target(%dma_start3A_2726 : memref<512xf32, #tpu.memory_space<hbm>>) target_semaphore(%run_scoped3A : memref<!tpu.dma_semaphore, #tpu.memory_space<semaphore_mem>>)
      %dma_wait3A_2727 = tpu.memref_slice %arg4[%mul3A_678] : memref<65536xf32, #tpu.memory_space<hbm>> -> memref<512xf32, #tpu.memory_space<hbm>>
      %dma_wait3A_2728 = tpu.memref_slice %arg4[%mul3A_678] : memref<65536xf32, #tpu.memory_space<hbm>> -> memref<512xf32, #tpu.memory_space<hbm>>
      tpu.wait_dma2 semaphore(%run_scoped3A : memref<!tpu.dma_semaphore, #tpu.memory_space<semaphore_mem>>) src(%arg7 : memref<512xf32, #tpu.memory_space<vmem>>) dst(%dma_wait3A_2728 : memref<512xf32, #tpu.memory_space<hbm>>)
      tpu.yield
    }) : () -> ()
    %mul3A_679 = arith.constant 4 : i32
    %mul3A_680 = arith.muli %add3A, %mul3A_679 : i32
    %add3A_681 = arith.constant 1 : i32
    %add3A_682 = arith.addi %mul3A_680, %add3A_681 : i32
    "tpu.region"() ({
      %run_scoped3A = tpu.sem_alloc : memref<!tpu.dma_semaphore, #tpu.memory_space<semaphore_mem>>
      %dma_start3A_2725 = arith.constant 0 : i32
      %dma_start3A_2726 = tpu.memref_slice %arg3[%add3A_682, %dma_start3A_2725] : memref<128x128xi32, #tpu.memory_space<hbm>> -> memref<1x128xi32, #tpu.memory_space<hbm>>
      %dma_start3A_2727 = tpu.memref_squeeze %dma_start3A_2726 : memref<1x128xi32, #tpu.memory_space<hbm>> -> memref<128xi32, #tpu.memory_space<hbm>>
      %dma_start3A_2728 = arith.constant 0 : i32
      %dma_start3A_2729 = tpu.memref_slice %arg3[%add3A_682, %dma_start3A_2728] : memref<128x128xi32, #tpu.memory_space<hbm>> -> memref<1x128xi32, #tpu.memory_space<hbm>>
      %dma_start3A_2730 = tpu.memref_squeeze %dma_start3A_2729 : memref<1x128xi32, #tpu.memory_space<hbm>> -> memref<128xi32, #tpu.memory_space<hbm>>
      tpu.enqueue_dma source(%dma_start3A_2730 : memref<128xi32, #tpu.memory_space<hbm>>) target(%arg5 : memref<128xi32, #tpu.memory_space<vmem>>) target_semaphore(%run_scoped3A : memref<!tpu.dma_semaphore, #tpu.memory_space<semaphore_mem>>)
      %dma_wait3A_2731 = arith.constant 0 : i32
      %dma_wait3A_2732 = tpu.memref_slice %arg3[%add3A_682, %dma_wait3A_2731] : memref<128x128xi32, #tpu.memory_space<hbm>> -> memref<1x128xi32, #tpu.memory_space<hbm>>
      %dma_wait3A_2733 = tpu.memref_squeeze %dma_wait3A_2732 : memref<1x128xi32, #tpu.memory_space<hbm>> -> memref<128xi32, #tpu.memory_space<hbm>>
      %dma_wait3A_2734 = arith.constant 0 : i32
      %dma_wait3A_2735 = tpu.memref_slice %arg3[%add3A_682, %dma_wait3A_2734] : memref<128x128xi32, #tpu.memory_space<hbm>> -> memref<1x128xi32, #tpu.memory_space<hbm>>
      %dma_wait3A_2736 = tpu.memref_squeeze %dma_wait3A_2735 : memref<1x128xi32, #tpu.memory_space<hbm>> -> memref<128xi32, #tpu.memory_space<hbm>>
      tpu.wait_dma2 semaphore(%run_scoped3A : memref<!tpu.dma_semaphore, #tpu.memory_space<semaphore_mem>>) src(%dma_wait3A_2736 : memref<128xi32, #tpu.memory_space<hbm>>) dst(%arg5 : memref<128xi32, #tpu.memory_space<vmem>>)
      tpu.yield
    }) : () -> ()
    %add3A_683 = arith.constant 0 : i32
    %add3A_684 = vector.broadcast %add3A_683 : i32 to vector<16xi32>
    %add3A_685 = arith.addi %iota3A, %add3A_684 : vector<16xi32>
    %get3A_686 = arith.constant 0 : index
    %get3A_687 = tpu.vector_load %arg5[%get3A_686] {strides = array<i32>} : memref<128xi32, #tpu.memory_space<vmem>>, vector<16xi32>,
    %get3A_688 = vector.shape_cast %get3A_687 : vector<16xi32> to vector<16xi32>
    %mul3A_689 = arith.constant 128 : i32
    %mul3A_690 = arith.muli %add3A_682, %mul3A_689 : i32
    %add3A_691 = vector.broadcast %mul3A_690 : i32 to vector<16xi32>
    %add3A_692 = arith.addi %add3A_691, %add3A_685 : vector<16xi32>
    %mul3A_693 = arith.constant 512 : i32
    %mul3A_694 = vector.broadcast %mul3A_693 : i32 to vector<16xi32>
    %mul3A_695 = arith.muli %add3A_692, %mul3A_694 : vector<16xi32>
    %add3A_696 = arith.constant 0 : i32
    %add3A_697 = vector.broadcast %add3A_696 : i32 to vector<16xi32>
    %add3A_698 = arith.addi %mul3A_695, %add3A_697 : vector<16xi32>
    %add3A_699 = arith.addi %add3A_698, %get3A_688 : vector<16xi32>
    %swap3A_700 = arith.constant 0 : index
    %swap3A_701 = tpu.vector_load %arg6[%swap3A_700] {strides = array<i32>} : memref<512xi32, #tpu.memory_space<vmem>>, vector<16xi32>,
    %swap3A_702 = vector.shape_cast %swap3A_701 : vector<16xi32> to vector<16xi32>
    %swap3A_703 = vector.shape_cast %add3A_699 : vector<16xi32> to vector<16xi32>
    tpu.vector_store %arg6[%swap3A_700], %swap3A_703 {strides = array<i32>} : memref<512xi32, #tpu.memory_space<vmem>>, vector<16xi32>,
    %add3A_704 = arith.constant 16 : i32
    %add3A_705 = vector.broadcast %add3A_704 : i32 to vector<16xi32>
    %add3A_706 = arith.addi %iota3A, %add3A_705 : vector<16xi32>
    %get3A_707 = arith.constant 16 : index
    %get3A_708 = tpu.vector_load %arg5[%get3A_707] {strides = array<i32>} : memref<128xi32, #tpu.memory_space<vmem>>, vector<16xi32>,
    %get3A_709 = vector.shape_cast %get3A_708 : vector<16xi32> to vector<16xi32>
    %mul3A_710 = arith.constant 128 : i32
    %mul3A_711 = arith.muli %add3A_682, %mul3A_710 : i32
    %add3A_712 = vector.broadcast %mul3A_711 : i32 to vector<16xi32>
    %add3A_713 = arith.addi %add3A_712, %add3A_706 : vector<16xi32>
    %mul3A_714 = arith.constant 512 : i32
    %mul3A_715 = vector.broadcast %mul3A_714 : i32 to vector<16xi32>
    %mul3A_716 = arith.muli %add3A_713, %mul3A_715 : vector<16xi32>
    %add3A_717 = arith.constant 0 : i32
    %add3A_718 = vector.broadcast %add3A_717 : i32 to vector<16xi32>
    %add3A_719 = arith.addi %mul3A_716, %add3A_718 : vector<16xi32>
    %add3A_720 = arith.addi %add3A_719, %get3A_709 : vector<16xi32>
    %swap3A_721 = arith.constant 16 : index
    %swap3A_722 = tpu.vector_load %arg6[%swap3A_721] {strides = array<i32>} : memref<512xi32, #tpu.memory_space<vmem>>, vector<16xi32>,
    %swap3A_723 = vector.shape_cast %swap3A_722 : vector<16xi32> to vector<16xi32>
    %swap3A_724 = vector.shape_cast %add3A_720 : vector<16xi32> to vector<16xi32>
    tpu.vector_store %arg6[%swap3A_721], %swap3A_724 {strides = array<i32>} : memref<512xi32, #tpu.memory_space<vmem>>, vector<16xi32>,
    %add3A_725 = arith.constant 32 : i32
    %add3A_726 = vector.broadcast %add3A_725 : i32 to vector<16xi32>
    %add3A_727 = arith.addi %iota3A, %add3A_726 : vector<16xi32>
    %get3A_728 = arith.constant 32 : index
    %get3A_729 = tpu.vector_load %arg5[%get3A_728] {strides = array<i32>} : memref<128xi32, #tpu.memory_space<vmem>>, vector<16xi32>,
    %get3A_730 = vector.shape_cast %get3A_729 : vector<16xi32> to vector<16xi32>
    %mul3A_731 = arith.constant 128 : i32
    %mul3A_732 = arith.muli %add3A_682, %mul3A_731 : i32
    %add3A_733 = vector.broadcast %mul3A_732 : i32 to vector<16xi32>
    %add3A_734 = arith.addi %add3A_733, %add3A_727 : vector<16xi32>
    %mul3A_735 = arith.constant 512 : i32
    %mul3A_736 = vector.broadcast %mul3A_735 : i32 to vector<16xi32>
    %mul3A_737 = arith.muli %add3A_734, %mul3A_736 : vector<16xi32>
    %add3A_738 = arith.constant 0 : i32
    %add3A_739 = vector.broadcast %add3A_738 : i32 to vector<16xi32>
    %add3A_740 = arith.addi %mul3A_737, %add3A_739 : vector<16xi32>
    %add3A_741 = arith.addi %add3A_740, %get3A_730 : vector<16xi32>
    %swap3A_742 = arith.constant 32 : index
    %swap3A_743 = tpu.vector_load %arg6[%swap3A_742] {strides = array<i32>} : memref<512xi32, #tpu.memory_space<vmem>>, vector<16xi32>,
    %swap3A_744 = vector.shape_cast %swap3A_743 : vector<16xi32> to vector<16xi32>
    %swap3A_745 = vector.shape_cast %add3A_741 : vector<16xi32> to vector<16xi32>
    tpu.vector_store %arg6[%swap3A_742], %swap3A_745 {strides = array<i32>} : memref<512xi32, #tpu.memory_space<vmem>>, vector<16xi32>,
    %add3A_746 = arith.constant 48 : i32
    %add3A_747 = vector.broadcast %add3A_746 : i32 to vector<16xi32>
    %add3A_748 = arith.addi %iota3A, %add3A_747 : vector<16xi32>
    %get3A_749 = arith.constant 48 : index
    %get3A_750 = tpu.vector_load %arg5[%get3A_749] {strides = array<i32>} : memref<128xi32, #tpu.memory_space<vmem>>, vector<16xi32>,
    %get3A_751 = vector.shape_cast %get3A_750 : vector<16xi32> to vector<16xi32>
    %mul3A_752 = arith.constant 128 : i32
    %mul3A_753 = arith.muli %add3A_682, %mul3A_752 : i32
    %add3A_754 = vector.broadcast %mul3A_753 : i32 to vector<16xi32>
    %add3A_755 = arith.addi %add3A_754, %add3A_748 : vector<16xi32>
    %mul3A_756 = arith.constant 512 : i32
    %mul3A_757 = vector.broadcast %mul3A_756 : i32 to vector<16xi32>
    %mul3A_758 = arith.muli %add3A_755, %mul3A_757 : vector<16xi32>
    %add3A_759 = arith.constant 0 : i32
    %add3A_760 = vector.broadcast %add3A_759 : i32 to vector<16xi32>
    %add3A_761 = arith.addi %mul3A_758, %add3A_760 : vector<16xi32>
    %add3A_762 = arith.addi %add3A_761, %get3A_751 : vector<16xi32>
    %swap3A_763 = arith.constant 48 : index
    %swap3A_764 = tpu.vector_load %arg6[%swap3A_763] {strides = array<i32>} : memref<512xi32, #tpu.memory_space<vmem>>, vector<16xi32>,
    %swap3A_765 = vector.shape_cast %swap3A_764 : vector<16xi32> to vector<16xi32>
    %swap3A_766 = vector.shape_cast %add3A_762 : vector<16xi32> to vector<16xi32>
    tpu.vector_store %arg6[%swap3A_763], %swap3A_766 {strides = array<i32>} : memref<512xi32, #tpu.memory_space<vmem>>, vector<16xi32>,
    %add3A_767 = arith.constant 64 : i32
    %add3A_768 = vector.broadcast %add3A_767 : i32 to vector<16xi32>
    %add3A_769 = arith.addi %iota3A, %add3A_768 : vector<16xi32>
    %get3A_770 = arith.constant 64 : index
    %get3A_771 = tpu.vector_load %arg5[%get3A_770] {strides = array<i32>} : memref<128xi32, #tpu.memory_space<vmem>>, vector<16xi32>,
    %get3A_772 = vector.shape_cast %get3A_771 : vector<16xi32> to vector<16xi32>
    %mul3A_773 = arith.constant 128 : i32
    %mul3A_774 = arith.muli %add3A_682, %mul3A_773 : i32
    %add3A_775 = vector.broadcast %mul3A_774 : i32 to vector<16xi32>
    %add3A_776 = arith.addi %add3A_775, %add3A_769 : vector<16xi32>
    %mul3A_777 = arith.constant 512 : i32
    %mul3A_778 = vector.broadcast %mul3A_777 : i32 to vector<16xi32>
    %mul3A_779 = arith.muli %add3A_776, %mul3A_778 : vector<16xi32>
    %add3A_780 = arith.constant 0 : i32
    %add3A_781 = vector.broadcast %add3A_780 : i32 to vector<16xi32>
    %add3A_782 = arith.addi %mul3A_779, %add3A_781 : vector<16xi32>
    %add3A_783 = arith.addi %add3A_782, %get3A_772 : vector<16xi32>
    %swap3A_784 = arith.constant 64 : index
    %swap3A_785 = tpu.vector_load %arg6[%swap3A_784] {strides = array<i32>} : memref<512xi32, #tpu.memory_space<vmem>>, vector<16xi32>,
    %swap3A_786 = vector.shape_cast %swap3A_785 : vector<16xi32> to vector<16xi32>
    %swap3A_787 = vector.shape_cast %add3A_783 : vector<16xi32> to vector<16xi32>
    tpu.vector_store %arg6[%swap3A_784], %swap3A_787 {strides = array<i32>} : memref<512xi32, #tpu.memory_space<vmem>>, vector<16xi32>,
    %add3A_788 = arith.constant 80 : i32
    %add3A_789 = vector.broadcast %add3A_788 : i32 to vector<16xi32>
    %add3A_790 = arith.addi %iota3A, %add3A_789 : vector<16xi32>
    %get3A_791 = arith.constant 80 : index
    %get3A_792 = tpu.vector_load %arg5[%get3A_791] {strides = array<i32>} : memref<128xi32, #tpu.memory_space<vmem>>, vector<16xi32>,
    %get3A_793 = vector.shape_cast %get3A_792 : vector<16xi32> to vector<16xi32>
    %mul3A_794 = arith.constant 128 : i32
    %mul3A_795 = arith.muli %add3A_682, %mul3A_794 : i32
    %add3A_796 = vector.broadcast %mul3A_795 : i32 to vector<16xi32>
    %add3A_797 = arith.addi %add3A_796, %add3A_790 : vector<16xi32>
    %mul3A_798 = arith.constant 512 : i32
    %mul3A_799 = vector.broadcast %mul3A_798 : i32 to vector<16xi32>
    %mul3A_800 = arith.muli %add3A_797, %mul3A_799 : vector<16xi32>
    %add3A_801 = arith.constant 0 : i32
    %add3A_802 = vector.broadcast %add3A_801 : i32 to vector<16xi32>
    %add3A_803 = arith.addi %mul3A_800, %add3A_802 : vector<16xi32>
    %add3A_804 = arith.addi %add3A_803, %get3A_793 : vector<16xi32>
    %swap3A_805 = arith.constant 80 : index
    %swap3A_806 = tpu.vector_load %arg6[%swap3A_805] {strides = array<i32>} : memref<512xi32, #tpu.memory_space<vmem>>, vector<16xi32>,
    %swap3A_807 = vector.shape_cast %swap3A_806 : vector<16xi32> to vector<16xi32>
    %swap3A_808 = vector.shape_cast %add3A_804 : vector<16xi32> to vector<16xi32>
    tpu.vector_store %arg6[%swap3A_805], %swap3A_808 {strides = array<i32>} : memref<512xi32, #tpu.memory_space<vmem>>, vector<16xi32>,
    %add3A_809 = arith.constant 96 : i32
    %add3A_810 = vector.broadcast %add3A_809 : i32 to vector<16xi32>
    %add3A_811 = arith.addi %iota3A, %add3A_810 : vector<16xi32>
    %get3A_812 = arith.constant 96 : index
    %get3A_813 = tpu.vector_load %arg5[%get3A_812] {strides = array<i32>} : memref<128xi32, #tpu.memory_space<vmem>>, vector<16xi32>,
    %get3A_814 = vector.shape_cast %get3A_813 : vector<16xi32> to vector<16xi32>
    %mul3A_815 = arith.constant 128 : i32
    %mul3A_816 = arith.muli %add3A_682, %mul3A_815 : i32
    %add3A_817 = vector.broadcast %mul3A_816 : i32 to vector<16xi32>
    %add3A_818 = arith.addi %add3A_817, %add3A_811 : vector<16xi32>
    %mul3A_819 = arith.constant 512 : i32
    %mul3A_820 = vector.broadcast %mul3A_819 : i32 to vector<16xi32>
    %mul3A_821 = arith.muli %add3A_818, %mul3A_820 : vector<16xi32>
    %add3A_822 = arith.constant 0 : i32
    %add3A_823 = vector.broadcast %add3A_822 : i32 to vector<16xi32>
    %add3A_824 = arith.addi %mul3A_821, %add3A_823 : vector<16xi32>
    %add3A_825 = arith.addi %add3A_824, %get3A_814 : vector<16xi32>
    %swap3A_826 = arith.constant 96 : index
    %swap3A_827 = tpu.vector_load %arg6[%swap3A_826] {strides = array<i32>} : memref<512xi32, #tpu.memory_space<vmem>>, vector<16xi32>,
    %swap3A_828 = vector.shape_cast %swap3A_827 : vector<16xi32> to vector<16xi32>
    %swap3A_829 = vector.shape_cast %add3A_825 : vector<16xi32> to vector<16xi32>
    tpu.vector_store %arg6[%swap3A_826], %swap3A_829 {strides = array<i32>} : memref<512xi32, #tpu.memory_space<vmem>>, vector<16xi32>,
    %add3A_830 = arith.constant 112 : i32
    %add3A_831 = vector.broadcast %add3A_830 : i32 to vector<16xi32>
    %add3A_832 = arith.addi %iota3A, %add3A_831 : vector<16xi32>
    %get3A_833 = arith.constant 112 : index
    %get3A_834 = tpu.vector_load %arg5[%get3A_833] {strides = array<i32>} : memref<128xi32, #tpu.memory_space<vmem>>, vector<16xi32>,
    %get3A_835 = vector.shape_cast %get3A_834 : vector<16xi32> to vector<16xi32>
    %mul3A_836 = arith.constant 128 : i32
    %mul3A_837 = arith.muli %add3A_682, %mul3A_836 : i32
    %add3A_838 = vector.broadcast %mul3A_837 : i32 to vector<16xi32>
    %add3A_839 = arith.addi %add3A_838, %add3A_832 : vector<16xi32>
    %mul3A_840 = arith.constant 512 : i32
    %mul3A_841 = vector.broadcast %mul3A_840 : i32 to vector<16xi32>
    %mul3A_842 = arith.muli %add3A_839, %mul3A_841 : vector<16xi32>
    %add3A_843 = arith.constant 0 : i32
    %add3A_844 = vector.broadcast %add3A_843 : i32 to vector<16xi32>
    %add3A_845 = arith.addi %mul3A_842, %add3A_844 : vector<16xi32>
    %add3A_846 = arith.addi %add3A_845, %get3A_835 : vector<16xi32>
    %swap3A_847 = arith.constant 112 : index
    %swap3A_848 = tpu.vector_load %arg6[%swap3A_847] {strides = array<i32>} : memref<512xi32, #tpu.memory_space<vmem>>, vector<16xi32>,
    %swap3A_849 = vector.shape_cast %swap3A_848 : vector<16xi32> to vector<16xi32>
    %swap3A_850 = vector.shape_cast %add3A_846 : vector<16xi32> to vector<16xi32>
    tpu.vector_store %arg6[%swap3A_847], %swap3A_850 {strides = array<i32>} : memref<512xi32, #tpu.memory_space<vmem>>, vector<16xi32>,
    %add3A_851 = arith.constant 0 : i32
    %add3A_852 = vector.broadcast %add3A_851 : i32 to vector<16xi32>
    %add3A_853 = arith.addi %iota3A, %add3A_852 : vector<16xi32>
    %get3A_854 = arith.constant 0 : index
    %get3A_855 = tpu.vector_load %arg5[%get3A_854] {strides = array<i32>} : memref<128xi32, #tpu.memory_space<vmem>>, vector<16xi32>,
    %get3A_856 = vector.shape_cast %get3A_855 : vector<16xi32> to vector<16xi32>
    %mul3A_857 = arith.constant 128 : i32
    %mul3A_858 = arith.muli %add3A_682, %mul3A_857 : i32
    %add3A_859 = vector.broadcast %mul3A_858 : i32 to vector<16xi32>
    %add3A_860 = arith.addi %add3A_859, %add3A_853 : vector<16xi32>
    %mul3A_861 = arith.constant 512 : i32
    %mul3A_862 = vector.broadcast %mul3A_861 : i32 to vector<16xi32>
    %mul3A_863 = arith.muli %add3A_860, %mul3A_862 : vector<16xi32>
    %add3A_864 = arith.constant 128 : i32
    %add3A_865 = vector.broadcast %add3A_864 : i32 to vector<16xi32>
    %add3A_866 = arith.addi %mul3A_863, %add3A_865 : vector<16xi32>
    %add3A_867 = arith.addi %add3A_866, %get3A_856 : vector<16xi32>
    %swap3A_868 = arith.constant 128 : index
    %swap3A_869 = tpu.vector_load %arg6[%swap3A_868] {strides = array<i32>} : memref<512xi32, #tpu.memory_space<vmem>>, vector<16xi32>,
    %swap3A_870 = vector.shape_cast %swap3A_869 : vector<16xi32> to vector<16xi32>
    %swap3A_871 = vector.shape_cast %add3A_867 : vector<16xi32> to vector<16xi32>
    tpu.vector_store %arg6[%swap3A_868], %swap3A_871 {strides = array<i32>} : memref<512xi32, #tpu.memory_space<vmem>>, vector<16xi32>,
    %add3A_872 = arith.constant 16 : i32
    %add3A_873 = vector.broadcast %add3A_872 : i32 to vector<16xi32>
    %add3A_874 = arith.addi %iota3A, %add3A_873 : vector<16xi32>
    %get3A_875 = arith.constant 16 : index
    %get3A_876 = tpu.vector_load %arg5[%get3A_875] {strides = array<i32>} : memref<128xi32, #tpu.memory_space<vmem>>, vector<16xi32>,
    %get3A_877 = vector.shape_cast %get3A_876 : vector<16xi32> to vector<16xi32>
    %mul3A_878 = arith.constant 128 : i32
    %mul3A_879 = arith.muli %add3A_682, %mul3A_878 : i32
    %add3A_880 = vector.broadcast %mul3A_879 : i32 to vector<16xi32>
    %add3A_881 = arith.addi %add3A_880, %add3A_874 : vector<16xi32>
    %mul3A_882 = arith.constant 512 : i32
    %mul3A_883 = vector.broadcast %mul3A_882 : i32 to vector<16xi32>
    %mul3A_884 = arith.muli %add3A_881, %mul3A_883 : vector<16xi32>
    %add3A_885 = arith.constant 128 : i32
    %add3A_886 = vector.broadcast %add3A_885 : i32 to vector<16xi32>
    %add3A_887 = arith.addi %mul3A_884, %add3A_886 : vector<16xi32>
    %add3A_888 = arith.addi %add3A_887, %get3A_877 : vector<16xi32>
    %swap3A_889 = arith.constant 144 : index
    %swap3A_890 = tpu.vector_load %arg6[%swap3A_889] {strides = array<i32>} : memref<512xi32, #tpu.memory_space<vmem>>, vector<16xi32>,
    %swap3A_891 = vector.shape_cast %swap3A_890 : vector<16xi32> to vector<16xi32>
    %swap3A_892 = vector.shape_cast %add3A_888 : vector<16xi32> to vector<16xi32>
    tpu.vector_store %arg6[%swap3A_889], %swap3A_892 {strides = array<i32>} : memref<512xi32, #tpu.memory_space<vmem>>, vector<16xi32>,
    %add3A_893 = arith.constant 32 : i32
    %add3A_894 = vector.broadcast %add3A_893 : i32 to vector<16xi32>
    %add3A_895 = arith.addi %iota3A, %add3A_894 : vector<16xi32>
    %get3A_896 = arith.constant 32 : index
    %get3A_897 = tpu.vector_load %arg5[%get3A_896] {strides = array<i32>} : memref<128xi32, #tpu.memory_space<vmem>>, vector<16xi32>,
    %get3A_898 = vector.shape_cast %get3A_897 : vector<16xi32> to vector<16xi32>
    %mul3A_899 = arith.constant 128 : i32
    %mul3A_900 = arith.muli %add3A_682, %mul3A_899 : i32
    %add3A_901 = vector.broadcast %mul3A_900 : i32 to vector<16xi32>
    %add3A_902 = arith.addi %add3A_901, %add3A_895 : vector<16xi32>
    %mul3A_903 = arith.constant 512 : i32
    %mul3A_904 = vector.broadcast %mul3A_903 : i32 to vector<16xi32>
    %mul3A_905 = arith.muli %add3A_902, %mul3A_904 : vector<16xi32>
    %add3A_906 = arith.constant 128 : i32
    %add3A_907 = vector.broadcast %add3A_906 : i32 to vector<16xi32>
    %add3A_908 = arith.addi %mul3A_905, %add3A_907 : vector<16xi32>
    %add3A_909 = arith.addi %add3A_908, %get3A_898 : vector<16xi32>
    %swap3A_910 = arith.constant 160 : index
    %swap3A_911 = tpu.vector_load %arg6[%swap3A_910] {strides = array<i32>} : memref<512xi32, #tpu.memory_space<vmem>>, vector<16xi32>,
    %swap3A_912 = vector.shape_cast %swap3A_911 : vector<16xi32> to vector<16xi32>
    %swap3A_913 = vector.shape_cast %add3A_909 : vector<16xi32> to vector<16xi32>
    tpu.vector_store %arg6[%swap3A_910], %swap3A_913 {strides = array<i32>} : memref<512xi32, #tpu.memory_space<vmem>>, vector<16xi32>,
    %add3A_914 = arith.constant 48 : i32
    %add3A_915 = vector.broadcast %add3A_914 : i32 to vector<16xi32>
    %add3A_916 = arith.addi %iota3A, %add3A_915 : vector<16xi32>
    %get3A_917 = arith.constant 48 : index
    %get3A_918 = tpu.vector_load %arg5[%get3A_917] {strides = array<i32>} : memref<128xi32, #tpu.memory_space<vmem>>, vector<16xi32>,
    %get3A_919 = vector.shape_cast %get3A_918 : vector<16xi32> to vector<16xi32>
    %mul3A_920 = arith.constant 128 : i32
    %mul3A_921 = arith.muli %add3A_682, %mul3A_920 : i32
    %add3A_922 = vector.broadcast %mul3A_921 : i32 to vector<16xi32>
    %add3A_923 = arith.addi %add3A_922, %add3A_916 : vector<16xi32>
    %mul3A_924 = arith.constant 512 : i32
    %mul3A_925 = vector.broadcast %mul3A_924 : i32 to vector<16xi32>
    %mul3A_926 = arith.muli %add3A_923, %mul3A_925 : vector<16xi32>
    %add3A_927 = arith.constant 128 : i32
    %add3A_928 = vector.broadcast %add3A_927 : i32 to vector<16xi32>
    %add3A_929 = arith.addi %mul3A_926, %add3A_928 : vector<16xi32>
    %add3A_930 = arith.addi %add3A_929, %get3A_919 : vector<16xi32>
    %swap3A_931 = arith.constant 176 : index
    %swap3A_932 = tpu.vector_load %arg6[%swap3A_931] {strides = array<i32>} : memref<512xi32, #tpu.memory_space<vmem>>, vector<16xi32>,
    %swap3A_933 = vector.shape_cast %swap3A_932 : vector<16xi32> to vector<16xi32>
    %swap3A_934 = vector.shape_cast %add3A_930 : vector<16xi32> to vector<16xi32>
    tpu.vector_store %arg6[%swap3A_931], %swap3A_934 {strides = array<i32>} : memref<512xi32, #tpu.memory_space<vmem>>, vector<16xi32>,
    %add3A_935 = arith.constant 64 : i32
    %add3A_936 = vector.broadcast %add3A_935 : i32 to vector<16xi32>
    %add3A_937 = arith.addi %iota3A, %add3A_936 : vector<16xi32>
    %get3A_938 = arith.constant 64 : index
    %get3A_939 = tpu.vector_load %arg5[%get3A_938] {strides = array<i32>} : memref<128xi32, #tpu.memory_space<vmem>>, vector<16xi32>,
    %get3A_940 = vector.shape_cast %get3A_939 : vector<16xi32> to vector<16xi32>
    %mul3A_941 = arith.constant 128 : i32
    %mul3A_942 = arith.muli %add3A_682, %mul3A_941 : i32
    %add3A_943 = vector.broadcast %mul3A_942 : i32 to vector<16xi32>
    %add3A_944 = arith.addi %add3A_943, %add3A_937 : vector<16xi32>
    %mul3A_945 = arith.constant 512 : i32
    %mul3A_946 = vector.broadcast %mul3A_945 : i32 to vector<16xi32>
    %mul3A_947 = arith.muli %add3A_944, %mul3A_946 : vector<16xi32>
    %add3A_948 = arith.constant 128 : i32
    %add3A_949 = vector.broadcast %add3A_948 : i32 to vector<16xi32>
    %add3A_950 = arith.addi %mul3A_947, %add3A_949 : vector<16xi32>
    %add3A_951 = arith.addi %add3A_950, %get3A_940 : vector<16xi32>
    %swap3A_952 = arith.constant 192 : index
    %swap3A_953 = tpu.vector_load %arg6[%swap3A_952] {strides = array<i32>} : memref<512xi32, #tpu.memory_space<vmem>>, vector<16xi32>,
    %swap3A_954 = vector.shape_cast %swap3A_953 : vector<16xi32> to vector<16xi32>
    %swap3A_955 = vector.shape_cast %add3A_951 : vector<16xi32> to vector<16xi32>
    tpu.vector_store %arg6[%swap3A_952], %swap3A_955 {strides = array<i32>} : memref<512xi32, #tpu.memory_space<vmem>>, vector<16xi32>,
    %add3A_956 = arith.constant 80 : i32
    %add3A_957 = vector.broadcast %add3A_956 : i32 to vector<16xi32>
    %add3A_958 = arith.addi %iota3A, %add3A_957 : vector<16xi32>
    %get3A_959 = arith.constant 80 : index
    %get3A_960 = tpu.vector_load %arg5[%get3A_959] {strides = array<i32>} : memref<128xi32, #tpu.memory_space<vmem>>, vector<16xi32>,
    %get3A_961 = vector.shape_cast %get3A_960 : vector<16xi32> to vector<16xi32>
    %mul3A_962 = arith.constant 128 : i32
    %mul3A_963 = arith.muli %add3A_682, %mul3A_962 : i32
    %add3A_964 = vector.broadcast %mul3A_963 : i32 to vector<16xi32>
    %add3A_965 = arith.addi %add3A_964, %add3A_958 : vector<16xi32>
    %mul3A_966 = arith.constant 512 : i32
    %mul3A_967 = vector.broadcast %mul3A_966 : i32 to vector<16xi32>
    %mul3A_968 = arith.muli %add3A_965, %mul3A_967 : vector<16xi32>
    %add3A_969 = arith.constant 128 : i32
    %add3A_970 = vector.broadcast %add3A_969 : i32 to vector<16xi32>
    %add3A_971 = arith.addi %mul3A_968, %add3A_970 : vector<16xi32>
    %add3A_972 = arith.addi %add3A_971, %get3A_961 : vector<16xi32>
    %swap3A_973 = arith.constant 208 : index
    %swap3A_974 = tpu.vector_load %arg6[%swap3A_973] {strides = array<i32>} : memref<512xi32, #tpu.memory_space<vmem>>, vector<16xi32>,
    %swap3A_975 = vector.shape_cast %swap3A_974 : vector<16xi32> to vector<16xi32>
    %swap3A_976 = vector.shape_cast %add3A_972 : vector<16xi32> to vector<16xi32>
    tpu.vector_store %arg6[%swap3A_973], %swap3A_976 {strides = array<i32>} : memref<512xi32, #tpu.memory_space<vmem>>, vector<16xi32>,
    %add3A_977 = arith.constant 96 : i32
    %add3A_978 = vector.broadcast %add3A_977 : i32 to vector<16xi32>
    %add3A_979 = arith.addi %iota3A, %add3A_978 : vector<16xi32>
    %get3A_980 = arith.constant 96 : index
    %get3A_981 = tpu.vector_load %arg5[%get3A_980] {strides = array<i32>} : memref<128xi32, #tpu.memory_space<vmem>>, vector<16xi32>,
    %get3A_982 = vector.shape_cast %get3A_981 : vector<16xi32> to vector<16xi32>
    %mul3A_983 = arith.constant 128 : i32
    %mul3A_984 = arith.muli %add3A_682, %mul3A_983 : i32
    %add3A_985 = vector.broadcast %mul3A_984 : i32 to vector<16xi32>
    %add3A_986 = arith.addi %add3A_985, %add3A_979 : vector<16xi32>
    %mul3A_987 = arith.constant 512 : i32
    %mul3A_988 = vector.broadcast %mul3A_987 : i32 to vector<16xi32>
    %mul3A_989 = arith.muli %add3A_986, %mul3A_988 : vector<16xi32>
    %add3A_990 = arith.constant 128 : i32
    %add3A_991 = vector.broadcast %add3A_990 : i32 to vector<16xi32>
    %add3A_992 = arith.addi %mul3A_989, %add3A_991 : vector<16xi32>
    %add3A_993 = arith.addi %add3A_992, %get3A_982 : vector<16xi32>
    %swap3A_994 = arith.constant 224 : index
    %swap3A_995 = tpu.vector_load %arg6[%swap3A_994] {strides = array<i32>} : memref<512xi32, #tpu.memory_space<vmem>>, vector<16xi32>,
    %swap3A_996 = vector.shape_cast %swap3A_995 : vector<16xi32> to vector<16xi32>
    %swap3A_997 = vector.shape_cast %add3A_993 : vector<16xi32> to vector<16xi32>
    tpu.vector_store %arg6[%swap3A_994], %swap3A_997 {strides = array<i32>} : memref<512xi32, #tpu.memory_space<vmem>>, vector<16xi32>,
    %add3A_998 = arith.constant 112 : i32
    %add3A_999 = vector.broadcast %add3A_998 : i32 to vector<16xi32>
    %add3A_1000 = arith.addi %iota3A, %add3A_999 : vector<16xi32>
    %get3A_1001 = arith.constant 112 : index
    %get3A_1002 = tpu.vector_load %arg5[%get3A_1001] {strides = array<i32>} : memref<128xi32, #tpu.memory_space<vmem>>, vector<16xi32>,
    %get3A_1003 = vector.shape_cast %get3A_1002 : vector<16xi32> to vector<16xi32>
    %mul3A_1004 = arith.constant 128 : i32
    %mul3A_1005 = arith.muli %add3A_682, %mul3A_1004 : i32
    %add3A_1006 = vector.broadcast %mul3A_1005 : i32 to vector<16xi32>
    %add3A_1007 = arith.addi %add3A_1006, %add3A_1000 : vector<16xi32>
    %mul3A_1008 = arith.constant 512 : i32
    %mul3A_1009 = vector.broadcast %mul3A_1008 : i32 to vector<16xi32>
    %mul3A_1010 = arith.muli %add3A_1007, %mul3A_1009 : vector<16xi32>
    %add3A_1011 = arith.constant 128 : i32
    %add3A_1012 = vector.broadcast %add3A_1011 : i32 to vector<16xi32>
    %add3A_1013 = arith.addi %mul3A_1010, %add3A_1012 : vector<16xi32>
    %add3A_1014 = arith.addi %add3A_1013, %get3A_1003 : vector<16xi32>
    %swap3A_1015 = arith.constant 240 : index
    %swap3A_1016 = tpu.vector_load %arg6[%swap3A_1015] {strides = array<i32>} : memref<512xi32, #tpu.memory_space<vmem>>, vector<16xi32>,
    %swap3A_1017 = vector.shape_cast %swap3A_1016 : vector<16xi32> to vector<16xi32>
    %swap3A_1018 = vector.shape_cast %add3A_1014 : vector<16xi32> to vector<16xi32>
    tpu.vector_store %arg6[%swap3A_1015], %swap3A_1018 {strides = array<i32>} : memref<512xi32, #tpu.memory_space<vmem>>, vector<16xi32>,
    %add3A_1019 = arith.constant 0 : i32
    %add3A_1020 = vector.broadcast %add3A_1019 : i32 to vector<16xi32>
    %add3A_1021 = arith.addi %iota3A, %add3A_1020 : vector<16xi32>
    %get3A_1022 = arith.constant 0 : index
    %get3A_1023 = tpu.vector_load %arg5[%get3A_1022] {strides = array<i32>} : memref<128xi32, #tpu.memory_space<vmem>>, vector<16xi32>,
    %get3A_1024 = vector.shape_cast %get3A_1023 : vector<16xi32> to vector<16xi32>
    %mul3A_1025 = arith.constant 128 : i32
    %mul3A_1026 = arith.muli %add3A_682, %mul3A_1025 : i32
    %add3A_1027 = vector.broadcast %mul3A_1026 : i32 to vector<16xi32>
    %add3A_1028 = arith.addi %add3A_1027, %add3A_1021 : vector<16xi32>
    %mul3A_1029 = arith.constant 512 : i32
    %mul3A_1030 = vector.broadcast %mul3A_1029 : i32 to vector<16xi32>
    %mul3A_1031 = arith.muli %add3A_1028, %mul3A_1030 : vector<16xi32>
    %add3A_1032 = arith.constant 256 : i32
    %add3A_1033 = vector.broadcast %add3A_1032 : i32 to vector<16xi32>
    %add3A_1034 = arith.addi %mul3A_1031, %add3A_1033 : vector<16xi32>
    %add3A_1035 = arith.addi %add3A_1034, %get3A_1024 : vector<16xi32>
    %swap3A_1036 = arith.constant 256 : index
    %swap3A_1037 = tpu.vector_load %arg6[%swap3A_1036] {strides = array<i32>} : memref<512xi32, #tpu.memory_space<vmem>>, vector<16xi32>,
    %swap3A_1038 = vector.shape_cast %swap3A_1037 : vector<16xi32> to vector<16xi32>
    %swap3A_1039 = vector.shape_cast %add3A_1035 : vector<16xi32> to vector<16xi32>
    tpu.vector_store %arg6[%swap3A_1036], %swap3A_1039 {strides = array<i32>} : memref<512xi32, #tpu.memory_space<vmem>>, vector<16xi32>,
    %add3A_1040 = arith.constant 16 : i32
    %add3A_1041 = vector.broadcast %add3A_1040 : i32 to vector<16xi32>
    %add3A_1042 = arith.addi %iota3A, %add3A_1041 : vector<16xi32>
    %get3A_1043 = arith.constant 16 : index
    %get3A_1044 = tpu.vector_load %arg5[%get3A_1043] {strides = array<i32>} : memref<128xi32, #tpu.memory_space<vmem>>, vector<16xi32>,
    %get3A_1045 = vector.shape_cast %get3A_1044 : vector<16xi32> to vector<16xi32>
    %mul3A_1046 = arith.constant 128 : i32
    %mul3A_1047 = arith.muli %add3A_682, %mul3A_1046 : i32
    %add3A_1048 = vector.broadcast %mul3A_1047 : i32 to vector<16xi32>
    %add3A_1049 = arith.addi %add3A_1048, %add3A_1042 : vector<16xi32>
    %mul3A_1050 = arith.constant 512 : i32
    %mul3A_1051 = vector.broadcast %mul3A_1050 : i32 to vector<16xi32>
    %mul3A_1052 = arith.muli %add3A_1049, %mul3A_1051 : vector<16xi32>
    %add3A_1053 = arith.constant 256 : i32
    %add3A_1054 = vector.broadcast %add3A_1053 : i32 to vector<16xi32>
    %add3A_1055 = arith.addi %mul3A_1052, %add3A_1054 : vector<16xi32>
    %add3A_1056 = arith.addi %add3A_1055, %get3A_1045 : vector<16xi32>
    %swap3A_1057 = arith.constant 272 : index
    %swap3A_1058 = tpu.vector_load %arg6[%swap3A_1057] {strides = array<i32>} : memref<512xi32, #tpu.memory_space<vmem>>, vector<16xi32>,
    %swap3A_1059 = vector.shape_cast %swap3A_1058 : vector<16xi32> to vector<16xi32>
    %swap3A_1060 = vector.shape_cast %add3A_1056 : vector<16xi32> to vector<16xi32>
    tpu.vector_store %arg6[%swap3A_1057], %swap3A_1060 {strides = array<i32>} : memref<512xi32, #tpu.memory_space<vmem>>, vector<16xi32>,
    %add3A_1061 = arith.constant 32 : i32
    %add3A_1062 = vector.broadcast %add3A_1061 : i32 to vector<16xi32>
    %add3A_1063 = arith.addi %iota3A, %add3A_1062 : vector<16xi32>
    %get3A_1064 = arith.constant 32 : index
    %get3A_1065 = tpu.vector_load %arg5[%get3A_1064] {strides = array<i32>} : memref<128xi32, #tpu.memory_space<vmem>>, vector<16xi32>,
    %get3A_1066 = vector.shape_cast %get3A_1065 : vector<16xi32> to vector<16xi32>
    %mul3A_1067 = arith.constant 128 : i32
    %mul3A_1068 = arith.muli %add3A_682, %mul3A_1067 : i32
    %add3A_1069 = vector.broadcast %mul3A_1068 : i32 to vector<16xi32>
    %add3A_1070 = arith.addi %add3A_1069, %add3A_1063 : vector<16xi32>
    %mul3A_1071 = arith.constant 512 : i32
    %mul3A_1072 = vector.broadcast %mul3A_1071 : i32 to vector<16xi32>
    %mul3A_1073 = arith.muli %add3A_1070, %mul3A_1072 : vector<16xi32>
    %add3A_1074 = arith.constant 256 : i32
    %add3A_1075 = vector.broadcast %add3A_1074 : i32 to vector<16xi32>
    %add3A_1076 = arith.addi %mul3A_1073, %add3A_1075 : vector<16xi32>
    %add3A_1077 = arith.addi %add3A_1076, %get3A_1066 : vector<16xi32>
    %swap3A_1078 = arith.constant 288 : index
    %swap3A_1079 = tpu.vector_load %arg6[%swap3A_1078] {strides = array<i32>} : memref<512xi32, #tpu.memory_space<vmem>>, vector<16xi32>,
    %swap3A_1080 = vector.shape_cast %swap3A_1079 : vector<16xi32> to vector<16xi32>
    %swap3A_1081 = vector.shape_cast %add3A_1077 : vector<16xi32> to vector<16xi32>
    tpu.vector_store %arg6[%swap3A_1078], %swap3A_1081 {strides = array<i32>} : memref<512xi32, #tpu.memory_space<vmem>>, vector<16xi32>,
    %add3A_1082 = arith.constant 48 : i32
    %add3A_1083 = vector.broadcast %add3A_1082 : i32 to vector<16xi32>
    %add3A_1084 = arith.addi %iota3A, %add3A_1083 : vector<16xi32>
    %get3A_1085 = arith.constant 48 : index
    %get3A_1086 = tpu.vector_load %arg5[%get3A_1085] {strides = array<i32>} : memref<128xi32, #tpu.memory_space<vmem>>, vector<16xi32>,
    %get3A_1087 = vector.shape_cast %get3A_1086 : vector<16xi32> to vector<16xi32>
    %mul3A_1088 = arith.constant 128 : i32
    %mul3A_1089 = arith.muli %add3A_682, %mul3A_1088 : i32
    %add3A_1090 = vector.broadcast %mul3A_1089 : i32 to vector<16xi32>
    %add3A_1091 = arith.addi %add3A_1090, %add3A_1084 : vector<16xi32>
    %mul3A_1092 = arith.constant 512 : i32
    %mul3A_1093 = vector.broadcast %mul3A_1092 : i32 to vector<16xi32>
    %mul3A_1094 = arith.muli %add3A_1091, %mul3A_1093 : vector<16xi32>
    %add3A_1095 = arith.constant 256 : i32
    %add3A_1096 = vector.broadcast %add3A_1095 : i32 to vector<16xi32>
    %add3A_1097 = arith.addi %mul3A_1094, %add3A_1096 : vector<16xi32>
    %add3A_1098 = arith.addi %add3A_1097, %get3A_1087 : vector<16xi32>
    %swap3A_1099 = arith.constant 304 : index
    %swap3A_1100 = tpu.vector_load %arg6[%swap3A_1099] {strides = array<i32>} : memref<512xi32, #tpu.memory_space<vmem>>, vector<16xi32>,
    %swap3A_1101 = vector.shape_cast %swap3A_1100 : vector<16xi32> to vector<16xi32>
    %swap3A_1102 = vector.shape_cast %add3A_1098 : vector<16xi32> to vector<16xi32>
    tpu.vector_store %arg6[%swap3A_1099], %swap3A_1102 {strides = array<i32>} : memref<512xi32, #tpu.memory_space<vmem>>, vector<16xi32>,
    %add3A_1103 = arith.constant 64 : i32
    %add3A_1104 = vector.broadcast %add3A_1103 : i32 to vector<16xi32>
    %add3A_1105 = arith.addi %iota3A, %add3A_1104 : vector<16xi32>
    %get3A_1106 = arith.constant 64 : index
    %get3A_1107 = tpu.vector_load %arg5[%get3A_1106] {strides = array<i32>} : memref<128xi32, #tpu.memory_space<vmem>>, vector<16xi32>,
    %get3A_1108 = vector.shape_cast %get3A_1107 : vector<16xi32> to vector<16xi32>
    %mul3A_1109 = arith.constant 128 : i32
    %mul3A_1110 = arith.muli %add3A_682, %mul3A_1109 : i32
    %add3A_1111 = vector.broadcast %mul3A_1110 : i32 to vector<16xi32>
    %add3A_1112 = arith.addi %add3A_1111, %add3A_1105 : vector<16xi32>
    %mul3A_1113 = arith.constant 512 : i32
    %mul3A_1114 = vector.broadcast %mul3A_1113 : i32 to vector<16xi32>
    %mul3A_1115 = arith.muli %add3A_1112, %mul3A_1114 : vector<16xi32>
    %add3A_1116 = arith.constant 256 : i32
    %add3A_1117 = vector.broadcast %add3A_1116 : i32 to vector<16xi32>
    %add3A_1118 = arith.addi %mul3A_1115, %add3A_1117 : vector<16xi32>
    %add3A_1119 = arith.addi %add3A_1118, %get3A_1108 : vector<16xi32>
    %swap3A_1120 = arith.constant 320 : index
    %swap3A_1121 = tpu.vector_load %arg6[%swap3A_1120] {strides = array<i32>} : memref<512xi32, #tpu.memory_space<vmem>>, vector<16xi32>,
    %swap3A_1122 = vector.shape_cast %swap3A_1121 : vector<16xi32> to vector<16xi32>
    %swap3A_1123 = vector.shape_cast %add3A_1119 : vector<16xi32> to vector<16xi32>
    tpu.vector_store %arg6[%swap3A_1120], %swap3A_1123 {strides = array<i32>} : memref<512xi32, #tpu.memory_space<vmem>>, vector<16xi32>,
    %add3A_1124 = arith.constant 80 : i32
    %add3A_1125 = vector.broadcast %add3A_1124 : i32 to vector<16xi32>
    %add3A_1126 = arith.addi %iota3A, %add3A_1125 : vector<16xi32>
    %get3A_1127 = arith.constant 80 : index
    %get3A_1128 = tpu.vector_load %arg5[%get3A_1127] {strides = array<i32>} : memref<128xi32, #tpu.memory_space<vmem>>, vector<16xi32>,
    %get3A_1129 = vector.shape_cast %get3A_1128 : vector<16xi32> to vector<16xi32>
    %mul3A_1130 = arith.constant 128 : i32
    %mul3A_1131 = arith.muli %add3A_682, %mul3A_1130 : i32
    %add3A_1132 = vector.broadcast %mul3A_1131 : i32 to vector<16xi32>
    %add3A_1133 = arith.addi %add3A_1132, %add3A_1126 : vector<16xi32>
    %mul3A_1134 = arith.constant 512 : i32
    %mul3A_1135 = vector.broadcast %mul3A_1134 : i32 to vector<16xi32>
    %mul3A_1136 = arith.muli %add3A_1133, %mul3A_1135 : vector<16xi32>
    %add3A_1137 = arith.constant 256 : i32
    %add3A_1138 = vector.broadcast %add3A_1137 : i32 to vector<16xi32>
    %add3A_1139 = arith.addi %mul3A_1136, %add3A_1138 : vector<16xi32>
    %add3A_1140 = arith.addi %add3A_1139, %get3A_1129 : vector<16xi32>
    %swap3A_1141 = arith.constant 336 : index
    %swap3A_1142 = tpu.vector_load %arg6[%swap3A_1141] {strides = array<i32>} : memref<512xi32, #tpu.memory_space<vmem>>, vector<16xi32>,
    %swap3A_1143 = vector.shape_cast %swap3A_1142 : vector<16xi32> to vector<16xi32>
    %swap3A_1144 = vector.shape_cast %add3A_1140 : vector<16xi32> to vector<16xi32>
    tpu.vector_store %arg6[%swap3A_1141], %swap3A_1144 {strides = array<i32>} : memref<512xi32, #tpu.memory_space<vmem>>, vector<16xi32>,
    %add3A_1145 = arith.constant 96 : i32
    %add3A_1146 = vector.broadcast %add3A_1145 : i32 to vector<16xi32>
    %add3A_1147 = arith.addi %iota3A, %add3A_1146 : vector<16xi32>
    %get3A_1148 = arith.constant 96 : index
    %get3A_1149 = tpu.vector_load %arg5[%get3A_1148] {strides = array<i32>} : memref<128xi32, #tpu.memory_space<vmem>>, vector<16xi32>,
    %get3A_1150 = vector.shape_cast %get3A_1149 : vector<16xi32> to vector<16xi32>
    %mul3A_1151 = arith.constant 128 : i32
    %mul3A_1152 = arith.muli %add3A_682, %mul3A_1151 : i32
    %add3A_1153 = vector.broadcast %mul3A_1152 : i32 to vector<16xi32>
    %add3A_1154 = arith.addi %add3A_1153, %add3A_1147 : vector<16xi32>
    %mul3A_1155 = arith.constant 512 : i32
    %mul3A_1156 = vector.broadcast %mul3A_1155 : i32 to vector<16xi32>
    %mul3A_1157 = arith.muli %add3A_1154, %mul3A_1156 : vector<16xi32>
    %add3A_1158 = arith.constant 256 : i32
    %add3A_1159 = vector.broadcast %add3A_1158 : i32 to vector<16xi32>
    %add3A_1160 = arith.addi %mul3A_1157, %add3A_1159 : vector<16xi32>
    %add3A_1161 = arith.addi %add3A_1160, %get3A_1150 : vector<16xi32>
    %swap3A_1162 = arith.constant 352 : index
    %swap3A_1163 = tpu.vector_load %arg6[%swap3A_1162] {strides = array<i32>} : memref<512xi32, #tpu.memory_space<vmem>>, vector<16xi32>,
    %swap3A_1164 = vector.shape_cast %swap3A_1163 : vector<16xi32> to vector<16xi32>
    %swap3A_1165 = vector.shape_cast %add3A_1161 : vector<16xi32> to vector<16xi32>
    tpu.vector_store %arg6[%swap3A_1162], %swap3A_1165 {strides = array<i32>} : memref<512xi32, #tpu.memory_space<vmem>>, vector<16xi32>,
    %add3A_1166 = arith.constant 112 : i32
    %add3A_1167 = vector.broadcast %add3A_1166 : i32 to vector<16xi32>
    %add3A_1168 = arith.addi %iota3A, %add3A_1167 : vector<16xi32>
    %get3A_1169 = arith.constant 112 : index
    %get3A_1170 = tpu.vector_load %arg5[%get3A_1169] {strides = array<i32>} : memref<128xi32, #tpu.memory_space<vmem>>, vector<16xi32>,
    %get3A_1171 = vector.shape_cast %get3A_1170 : vector<16xi32> to vector<16xi32>
    %mul3A_1172 = arith.constant 128 : i32
    %mul3A_1173 = arith.muli %add3A_682, %mul3A_1172 : i32
    %add3A_1174 = vector.broadcast %mul3A_1173 : i32 to vector<16xi32>
    %add3A_1175 = arith.addi %add3A_1174, %add3A_1168 : vector<16xi32>
    %mul3A_1176 = arith.constant 512 : i32
    %mul3A_1177 = vector.broadcast %mul3A_1176 : i32 to vector<16xi32>
    %mul3A_1178 = arith.muli %add3A_1175, %mul3A_1177 : vector<16xi32>
    %add3A_1179 = arith.constant 256 : i32
    %add3A_1180 = vector.broadcast %add3A_1179 : i32 to vector<16xi32>
    %add3A_1181 = arith.addi %mul3A_1178, %add3A_1180 : vector<16xi32>
    %add3A_1182 = arith.addi %add3A_1181, %get3A_1171 : vector<16xi32>
    %swap3A_1183 = arith.constant 368 : index
    %swap3A_1184 = tpu.vector_load %arg6[%swap3A_1183] {strides = array<i32>} : memref<512xi32, #tpu.memory_space<vmem>>, vector<16xi32>,
    %swap3A_1185 = vector.shape_cast %swap3A_1184 : vector<16xi32> to vector<16xi32>
    %swap3A_1186 = vector.shape_cast %add3A_1182 : vector<16xi32> to vector<16xi32>
    tpu.vector_store %arg6[%swap3A_1183], %swap3A_1186 {strides = array<i32>} : memref<512xi32, #tpu.memory_space<vmem>>, vector<16xi32>,
    %add3A_1187 = arith.constant 0 : i32
    %add3A_1188 = vector.broadcast %add3A_1187 : i32 to vector<16xi32>
    %add3A_1189 = arith.addi %iota3A, %add3A_1188 : vector<16xi32>
    %get3A_1190 = arith.constant 0 : index
    %get3A_1191 = tpu.vector_load %arg5[%get3A_1190] {strides = array<i32>} : memref<128xi32, #tpu.memory_space<vmem>>, vector<16xi32>,
    %get3A_1192 = vector.shape_cast %get3A_1191 : vector<16xi32> to vector<16xi32>
    %mul3A_1193 = arith.constant 128 : i32
    %mul3A_1194 = arith.muli %add3A_682, %mul3A_1193 : i32
    %add3A_1195 = vector.broadcast %mul3A_1194 : i32 to vector<16xi32>
    %add3A_1196 = arith.addi %add3A_1195, %add3A_1189 : vector<16xi32>
    %mul3A_1197 = arith.constant 512 : i32
    %mul3A_1198 = vector.broadcast %mul3A_1197 : i32 to vector<16xi32>
    %mul3A_1199 = arith.muli %add3A_1196, %mul3A_1198 : vector<16xi32>
    %add3A_1200 = arith.constant 384 : i32
    %add3A_1201 = vector.broadcast %add3A_1200 : i32 to vector<16xi32>
    %add3A_1202 = arith.addi %mul3A_1199, %add3A_1201 : vector<16xi32>
    %add3A_1203 = arith.addi %add3A_1202, %get3A_1192 : vector<16xi32>
    %swap3A_1204 = arith.constant 384 : index
    %swap3A_1205 = tpu.vector_load %arg6[%swap3A_1204] {strides = array<i32>} : memref<512xi32, #tpu.memory_space<vmem>>, vector<16xi32>,
    %swap3A_1206 = vector.shape_cast %swap3A_1205 : vector<16xi32> to vector<16xi32>
    %swap3A_1207 = vector.shape_cast %add3A_1203 : vector<16xi32> to vector<16xi32>
    tpu.vector_store %arg6[%swap3A_1204], %swap3A_1207 {strides = array<i32>} : memref<512xi32, #tpu.memory_space<vmem>>, vector<16xi32>,
    %add3A_1208 = arith.constant 16 : i32
    %add3A_1209 = vector.broadcast %add3A_1208 : i32 to vector<16xi32>
    %add3A_1210 = arith.addi %iota3A, %add3A_1209 : vector<16xi32>
    %get3A_1211 = arith.constant 16 : index
    %get3A_1212 = tpu.vector_load %arg5[%get3A_1211] {strides = array<i32>} : memref<128xi32, #tpu.memory_space<vmem>>, vector<16xi32>,
    %get3A_1213 = vector.shape_cast %get3A_1212 : vector<16xi32> to vector<16xi32>
    %mul3A_1214 = arith.constant 128 : i32
    %mul3A_1215 = arith.muli %add3A_682, %mul3A_1214 : i32
    %add3A_1216 = vector.broadcast %mul3A_1215 : i32 to vector<16xi32>
    %add3A_1217 = arith.addi %add3A_1216, %add3A_1210 : vector<16xi32>
    %mul3A_1218 = arith.constant 512 : i32
    %mul3A_1219 = vector.broadcast %mul3A_1218 : i32 to vector<16xi32>
    %mul3A_1220 = arith.muli %add3A_1217, %mul3A_1219 : vector<16xi32>
    %add3A_1221 = arith.constant 384 : i32
    %add3A_1222 = vector.broadcast %add3A_1221 : i32 to vector<16xi32>
    %add3A_1223 = arith.addi %mul3A_1220, %add3A_1222 : vector<16xi32>
    %add3A_1224 = arith.addi %add3A_1223, %get3A_1213 : vector<16xi32>
    %swap3A_1225 = arith.constant 400 : index
    %swap3A_1226 = tpu.vector_load %arg6[%swap3A_1225] {strides = array<i32>} : memref<512xi32, #tpu.memory_space<vmem>>, vector<16xi32>,
    %swap3A_1227 = vector.shape_cast %swap3A_1226 : vector<16xi32> to vector<16xi32>
    %swap3A_1228 = vector.shape_cast %add3A_1224 : vector<16xi32> to vector<16xi32>
    tpu.vector_store %arg6[%swap3A_1225], %swap3A_1228 {strides = array<i32>} : memref<512xi32, #tpu.memory_space<vmem>>, vector<16xi32>,
    %add3A_1229 = arith.constant 32 : i32
    %add3A_1230 = vector.broadcast %add3A_1229 : i32 to vector<16xi32>
    %add3A_1231 = arith.addi %iota3A, %add3A_1230 : vector<16xi32>
    %get3A_1232 = arith.constant 32 : index
    %get3A_1233 = tpu.vector_load %arg5[%get3A_1232] {strides = array<i32>} : memref<128xi32, #tpu.memory_space<vmem>>, vector<16xi32>,
    %get3A_1234 = vector.shape_cast %get3A_1233 : vector<16xi32> to vector<16xi32>
    %mul3A_1235 = arith.constant 128 : i32
    %mul3A_1236 = arith.muli %add3A_682, %mul3A_1235 : i32
    %add3A_1237 = vector.broadcast %mul3A_1236 : i32 to vector<16xi32>
    %add3A_1238 = arith.addi %add3A_1237, %add3A_1231 : vector<16xi32>
    %mul3A_1239 = arith.constant 512 : i32
    %mul3A_1240 = vector.broadcast %mul3A_1239 : i32 to vector<16xi32>
    %mul3A_1241 = arith.muli %add3A_1238, %mul3A_1240 : vector<16xi32>
    %add3A_1242 = arith.constant 384 : i32
    %add3A_1243 = vector.broadcast %add3A_1242 : i32 to vector<16xi32>
    %add3A_1244 = arith.addi %mul3A_1241, %add3A_1243 : vector<16xi32>
    %add3A_1245 = arith.addi %add3A_1244, %get3A_1234 : vector<16xi32>
    %swap3A_1246 = arith.constant 416 : index
    %swap3A_1247 = tpu.vector_load %arg6[%swap3A_1246] {strides = array<i32>} : memref<512xi32, #tpu.memory_space<vmem>>, vector<16xi32>,
    %swap3A_1248 = vector.shape_cast %swap3A_1247 : vector<16xi32> to vector<16xi32>
    %swap3A_1249 = vector.shape_cast %add3A_1245 : vector<16xi32> to vector<16xi32>
    tpu.vector_store %arg6[%swap3A_1246], %swap3A_1249 {strides = array<i32>} : memref<512xi32, #tpu.memory_space<vmem>>, vector<16xi32>,
    %add3A_1250 = arith.constant 48 : i32
    %add3A_1251 = vector.broadcast %add3A_1250 : i32 to vector<16xi32>
    %add3A_1252 = arith.addi %iota3A, %add3A_1251 : vector<16xi32>
    %get3A_1253 = arith.constant 48 : index
    %get3A_1254 = tpu.vector_load %arg5[%get3A_1253] {strides = array<i32>} : memref<128xi32, #tpu.memory_space<vmem>>, vector<16xi32>,
    %get3A_1255 = vector.shape_cast %get3A_1254 : vector<16xi32> to vector<16xi32>
    %mul3A_1256 = arith.constant 128 : i32
    %mul3A_1257 = arith.muli %add3A_682, %mul3A_1256 : i32
    %add3A_1258 = vector.broadcast %mul3A_1257 : i32 to vector<16xi32>
    %add3A_1259 = arith.addi %add3A_1258, %add3A_1252 : vector<16xi32>
    %mul3A_1260 = arith.constant 512 : i32
    %mul3A_1261 = vector.broadcast %mul3A_1260 : i32 to vector<16xi32>
    %mul3A_1262 = arith.muli %add3A_1259, %mul3A_1261 : vector<16xi32>
    %add3A_1263 = arith.constant 384 : i32
    %add3A_1264 = vector.broadcast %add3A_1263 : i32 to vector<16xi32>
    %add3A_1265 = arith.addi %mul3A_1262, %add3A_1264 : vector<16xi32>
    %add3A_1266 = arith.addi %add3A_1265, %get3A_1255 : vector<16xi32>
    %swap3A_1267 = arith.constant 432 : index
    %swap3A_1268 = tpu.vector_load %arg6[%swap3A_1267] {strides = array<i32>} : memref<512xi32, #tpu.memory_space<vmem>>, vector<16xi32>,
    %swap3A_1269 = vector.shape_cast %swap3A_1268 : vector<16xi32> to vector<16xi32>
    %swap3A_1270 = vector.shape_cast %add3A_1266 : vector<16xi32> to vector<16xi32>
    tpu.vector_store %arg6[%swap3A_1267], %swap3A_1270 {strides = array<i32>} : memref<512xi32, #tpu.memory_space<vmem>>, vector<16xi32>,
    %add3A_1271 = arith.constant 64 : i32
    %add3A_1272 = vector.broadcast %add3A_1271 : i32 to vector<16xi32>
    %add3A_1273 = arith.addi %iota3A, %add3A_1272 : vector<16xi32>
    %get3A_1274 = arith.constant 64 : index
    %get3A_1275 = tpu.vector_load %arg5[%get3A_1274] {strides = array<i32>} : memref<128xi32, #tpu.memory_space<vmem>>, vector<16xi32>,
    %get3A_1276 = vector.shape_cast %get3A_1275 : vector<16xi32> to vector<16xi32>
    %mul3A_1277 = arith.constant 128 : i32
    %mul3A_1278 = arith.muli %add3A_682, %mul3A_1277 : i32
    %add3A_1279 = vector.broadcast %mul3A_1278 : i32 to vector<16xi32>
    %add3A_1280 = arith.addi %add3A_1279, %add3A_1273 : vector<16xi32>
    %mul3A_1281 = arith.constant 512 : i32
    %mul3A_1282 = vector.broadcast %mul3A_1281 : i32 to vector<16xi32>
    %mul3A_1283 = arith.muli %add3A_1280, %mul3A_1282 : vector<16xi32>
    %add3A_1284 = arith.constant 384 : i32
    %add3A_1285 = vector.broadcast %add3A_1284 : i32 to vector<16xi32>
    %add3A_1286 = arith.addi %mul3A_1283, %add3A_1285 : vector<16xi32>
    %add3A_1287 = arith.addi %add3A_1286, %get3A_1276 : vector<16xi32>
    %swap3A_1288 = arith.constant 448 : index
    %swap3A_1289 = tpu.vector_load %arg6[%swap3A_1288] {strides = array<i32>} : memref<512xi32, #tpu.memory_space<vmem>>, vector<16xi32>,
    %swap3A_1290 = vector.shape_cast %swap3A_1289 : vector<16xi32> to vector<16xi32>
    %swap3A_1291 = vector.shape_cast %add3A_1287 : vector<16xi32> to vector<16xi32>
    tpu.vector_store %arg6[%swap3A_1288], %swap3A_1291 {strides = array<i32>} : memref<512xi32, #tpu.memory_space<vmem>>, vector<16xi32>,
    %add3A_1292 = arith.constant 80 : i32
    %add3A_1293 = vector.broadcast %add3A_1292 : i32 to vector<16xi32>
    %add3A_1294 = arith.addi %iota3A, %add3A_1293 : vector<16xi32>
    %get3A_1295 = arith.constant 80 : index
    %get3A_1296 = tpu.vector_load %arg5[%get3A_1295] {strides = array<i32>} : memref<128xi32, #tpu.memory_space<vmem>>, vector<16xi32>,
    %get3A_1297 = vector.shape_cast %get3A_1296 : vector<16xi32> to vector<16xi32>
    %mul3A_1298 = arith.constant 128 : i32
    %mul3A_1299 = arith.muli %add3A_682, %mul3A_1298 : i32
    %add3A_1300 = vector.broadcast %mul3A_1299 : i32 to vector<16xi32>
    %add3A_1301 = arith.addi %add3A_1300, %add3A_1294 : vector<16xi32>
    %mul3A_1302 = arith.constant 512 : i32
    %mul3A_1303 = vector.broadcast %mul3A_1302 : i32 to vector<16xi32>
    %mul3A_1304 = arith.muli %add3A_1301, %mul3A_1303 : vector<16xi32>
    %add3A_1305 = arith.constant 384 : i32
    %add3A_1306 = vector.broadcast %add3A_1305 : i32 to vector<16xi32>
    %add3A_1307 = arith.addi %mul3A_1304, %add3A_1306 : vector<16xi32>
    %add3A_1308 = arith.addi %add3A_1307, %get3A_1297 : vector<16xi32>
    %swap3A_1309 = arith.constant 464 : index
    %swap3A_1310 = tpu.vector_load %arg6[%swap3A_1309] {strides = array<i32>} : memref<512xi32, #tpu.memory_space<vmem>>, vector<16xi32>,
    %swap3A_1311 = vector.shape_cast %swap3A_1310 : vector<16xi32> to vector<16xi32>
    %swap3A_1312 = vector.shape_cast %add3A_1308 : vector<16xi32> to vector<16xi32>
    tpu.vector_store %arg6[%swap3A_1309], %swap3A_1312 {strides = array<i32>} : memref<512xi32, #tpu.memory_space<vmem>>, vector<16xi32>,
    %add3A_1313 = arith.constant 96 : i32
    %add3A_1314 = vector.broadcast %add3A_1313 : i32 to vector<16xi32>
    %add3A_1315 = arith.addi %iota3A, %add3A_1314 : vector<16xi32>
    %get3A_1316 = arith.constant 96 : index
    %get3A_1317 = tpu.vector_load %arg5[%get3A_1316] {strides = array<i32>} : memref<128xi32, #tpu.memory_space<vmem>>, vector<16xi32>,
    %get3A_1318 = vector.shape_cast %get3A_1317 : vector<16xi32> to vector<16xi32>
    %mul3A_1319 = arith.constant 128 : i32
    %mul3A_1320 = arith.muli %add3A_682, %mul3A_1319 : i32
    %add3A_1321 = vector.broadcast %mul3A_1320 : i32 to vector<16xi32>
    %add3A_1322 = arith.addi %add3A_1321, %add3A_1315 : vector<16xi32>
    %mul3A_1323 = arith.constant 512 : i32
    %mul3A_1324 = vector.broadcast %mul3A_1323 : i32 to vector<16xi32>
    %mul3A_1325 = arith.muli %add3A_1322, %mul3A_1324 : vector<16xi32>
    %add3A_1326 = arith.constant 384 : i32
    %add3A_1327 = vector.broadcast %add3A_1326 : i32 to vector<16xi32>
    %add3A_1328 = arith.addi %mul3A_1325, %add3A_1327 : vector<16xi32>
    %add3A_1329 = arith.addi %add3A_1328, %get3A_1318 : vector<16xi32>
    %swap3A_1330 = arith.constant 480 : index
    %swap3A_1331 = tpu.vector_load %arg6[%swap3A_1330] {strides = array<i32>} : memref<512xi32, #tpu.memory_space<vmem>>, vector<16xi32>,
    %swap3A_1332 = vector.shape_cast %swap3A_1331 : vector<16xi32> to vector<16xi32>
    %swap3A_1333 = vector.shape_cast %add3A_1329 : vector<16xi32> to vector<16xi32>
    tpu.vector_store %arg6[%swap3A_1330], %swap3A_1333 {strides = array<i32>} : memref<512xi32, #tpu.memory_space<vmem>>, vector<16xi32>,
    %add3A_1334 = arith.constant 112 : i32
    %add3A_1335 = vector.broadcast %add3A_1334 : i32 to vector<16xi32>
    %add3A_1336 = arith.addi %iota3A, %add3A_1335 : vector<16xi32>
    %get3A_1337 = arith.constant 112 : index
    %get3A_1338 = tpu.vector_load %arg5[%get3A_1337] {strides = array<i32>} : memref<128xi32, #tpu.memory_space<vmem>>, vector<16xi32>,
    %get3A_1339 = vector.shape_cast %get3A_1338 : vector<16xi32> to vector<16xi32>
    %mul3A_1340 = arith.constant 128 : i32
    %mul3A_1341 = arith.muli %add3A_682, %mul3A_1340 : i32
    %add3A_1342 = vector.broadcast %mul3A_1341 : i32 to vector<16xi32>
    %add3A_1343 = arith.addi %add3A_1342, %add3A_1336 : vector<16xi32>
    %mul3A_1344 = arith.constant 512 : i32
    %mul3A_1345 = vector.broadcast %mul3A_1344 : i32 to vector<16xi32>
    %mul3A_1346 = arith.muli %add3A_1343, %mul3A_1345 : vector<16xi32>
    %add3A_1347 = arith.constant 384 : i32
    %add3A_1348 = vector.broadcast %add3A_1347 : i32 to vector<16xi32>
    %add3A_1349 = arith.addi %mul3A_1346, %add3A_1348 : vector<16xi32>
    %add3A_1350 = arith.addi %add3A_1349, %get3A_1339 : vector<16xi32>
    %swap3A_1351 = arith.constant 496 : index
    %swap3A_1352 = tpu.vector_load %arg6[%swap3A_1351] {strides = array<i32>} : memref<512xi32, #tpu.memory_space<vmem>>, vector<16xi32>,
    %swap3A_1353 = vector.shape_cast %swap3A_1352 : vector<16xi32> to vector<16xi32>
    %swap3A_1354 = vector.shape_cast %add3A_1350 : vector<16xi32> to vector<16xi32>
    tpu.vector_store %arg6[%swap3A_1351], %swap3A_1354 {strides = array<i32>} : memref<512xi32, #tpu.memory_space<vmem>>, vector<16xi32>,
    %dma_start3A_1355 = arith.constant 0 : i32
    %dma_start3A_1356 = tpu.memref_slice %arg2[%dma_start3A_1355] : memref<8388608xf32, #tpu.memory_space<hbm>> -> memref<8388608xf32, #tpu.memory_space<hbm>>
    tpu.enqueue_indirect_dma source(%dma_start3A_1356 : memref<8388608xf32, #tpu.memory_space<hbm>>) target(%arg7 : memref<512xf32, #tpu.memory_space<vmem>>) offsets(%arg6 : memref<512xi32, #tpu.memory_space<vmem>>) semaphore(%arg8 : memref<!tpu.dma_semaphore, #tpu.memory_space<semaphore_mem>>)
    %dma_wait3A_1357 = arith.constant 0 : i32
    %dma_wait3A_1358 = tpu.memref_slice %arg2[%dma_wait3A_1357] : memref<8388608xf32, #tpu.memory_space<hbm>> -> memref<8388608xf32, #tpu.memory_space<hbm>>
    tpu.wait_indirect_dma semaphore(%arg8 : memref<!tpu.dma_semaphore, #tpu.memory_space<semaphore_mem>>) src(%dma_wait3A_1358 : memref<8388608xf32, #tpu.memory_space<hbm>>) dst(%arg7 : memref<512xf32, #tpu.memory_space<vmem>>)
    %mul3A_1359 = arith.constant 512 : i32
    %mul3A_1360 = arith.muli %add3A_682, %mul3A_1359 : i32
    "tpu.region"() ({
      %run_scoped3A = tpu.sem_alloc : memref<!tpu.dma_semaphore, #tpu.memory_space<semaphore_mem>>
      %dma_start3A_2725 = tpu.memref_slice %arg4[%mul3A_1360] : memref<65536xf32, #tpu.memory_space<hbm>> -> memref<512xf32, #tpu.memory_space<hbm>>
      %dma_start3A_2726 = tpu.memref_slice %arg4[%mul3A_1360] : memref<65536xf32, #tpu.memory_space<hbm>> -> memref<512xf32, #tpu.memory_space<hbm>>
      tpu.enqueue_dma source(%arg7 : memref<512xf32, #tpu.memory_space<vmem>>) target(%dma_start3A_2726 : memref<512xf32, #tpu.memory_space<hbm>>) target_semaphore(%run_scoped3A : memref<!tpu.dma_semaphore, #tpu.memory_space<semaphore_mem>>)
      %dma_wait3A_2727 = tpu.memref_slice %arg4[%mul3A_1360] : memref<65536xf32, #tpu.memory_space<hbm>> -> memref<512xf32, #tpu.memory_space<hbm>>
      %dma_wait3A_2728 = tpu.memref_slice %arg4[%mul3A_1360] : memref<65536xf32, #tpu.memory_space<hbm>> -> memref<512xf32, #tpu.memory_space<hbm>>
      tpu.wait_dma2 semaphore(%run_scoped3A : memref<!tpu.dma_semaphore, #tpu.memory_space<semaphore_mem>>) src(%arg7 : memref<512xf32, #tpu.memory_space<vmem>>) dst(%dma_wait3A_2728 : memref<512xf32, #tpu.memory_space<hbm>>)
      tpu.yield
    }) : () -> ()
    %mul3A_1361 = arith.constant 4 : i32
    %mul3A_1362 = arith.muli %add3A, %mul3A_1361 : i32
    %add3A_1363 = arith.constant 2 : i32
    %add3A_1364 = arith.addi %mul3A_1362, %add3A_1363 : i32
    "tpu.region"() ({
      %run_scoped3A = tpu.sem_alloc : memref<!tpu.dma_semaphore, #tpu.memory_space<semaphore_mem>>
      %dma_start3A_2725 = arith.constant 0 : i32
      %dma_start3A_2726 = tpu.memref_slice %arg3[%add3A_1364, %dma_start3A_2725] : memref<128x128xi32, #tpu.memory_space<hbm>> -> memref<1x128xi32, #tpu.memory_space<hbm>>
      %dma_start3A_2727 = tpu.memref_squeeze %dma_start3A_2726 : memref<1x128xi32, #tpu.memory_space<hbm>> -> memref<128xi32, #tpu.memory_space<hbm>>
      %dma_start3A_2728 = arith.constant 0 : i32
      %dma_start3A_2729 = tpu.memref_slice %arg3[%add3A_1364, %dma_start3A_2728] : memref<128x128xi32, #tpu.memory_space<hbm>> -> memref<1x128xi32, #tpu.memory_space<hbm>>
      %dma_start3A_2730 = tpu.memref_squeeze %dma_start3A_2729 : memref<1x128xi32, #tpu.memory_space<hbm>> -> memref<128xi32, #tpu.memory_space<hbm>>
      tpu.enqueue_dma source(%dma_start3A_2730 : memref<128xi32, #tpu.memory_space<hbm>>) target(%arg5 : memref<128xi32, #tpu.memory_space<vmem>>) target_semaphore(%run_scoped3A : memref<!tpu.dma_semaphore, #tpu.memory_space<semaphore_mem>>)
      %dma_wait3A_2731 = arith.constant 0 : i32
      %dma_wait3A_2732 = tpu.memref_slice %arg3[%add3A_1364, %dma_wait3A_2731] : memref<128x128xi32, #tpu.memory_space<hbm>> -> memref<1x128xi32, #tpu.memory_space<hbm>>
      %dma_wait3A_2733 = tpu.memref_squeeze %dma_wait3A_2732 : memref<1x128xi32, #tpu.memory_space<hbm>> -> memref<128xi32, #tpu.memory_space<hbm>>
      %dma_wait3A_2734 = arith.constant 0 : i32
      %dma_wait3A_2735 = tpu.memref_slice %arg3[%add3A_1364, %dma_wait3A_2734] : memref<128x128xi32, #tpu.memory_space<hbm>> -> memref<1x128xi32, #tpu.memory_space<hbm>>
      %dma_wait3A_2736 = tpu.memref_squeeze %dma_wait3A_2735 : memref<1x128xi32, #tpu.memory_space<hbm>> -> memref<128xi32, #tpu.memory_space<hbm>>
      tpu.wait_dma2 semaphore(%run_scoped3A : memref<!tpu.dma_semaphore, #tpu.memory_space<semaphore_mem>>) src(%dma_wait3A_2736 : memref<128xi32, #tpu.memory_space<hbm>>) dst(%arg5 : memref<128xi32, #tpu.memory_space<vmem>>)
      tpu.yield
    }) : () -> ()
    %add3A_1365 = arith.constant 0 : i32
    %add3A_1366 = vector.broadcast %add3A_1365 : i32 to vector<16xi32>
    %add3A_1367 = arith.addi %iota3A, %add3A_1366 : vector<16xi32>
    %get3A_1368 = arith.constant 0 : index
    %get3A_1369 = tpu.vector_load %arg5[%get3A_1368] {strides = array<i32>} : memref<128xi32, #tpu.memory_space<vmem>>, vector<16xi32>,
    %get3A_1370 = vector.shape_cast %get3A_1369 : vector<16xi32> to vector<16xi32>
    %mul3A_1371 = arith.constant 128 : i32
    %mul3A_1372 = arith.muli %add3A_1364, %mul3A_1371 : i32
    %add3A_1373 = vector.broadcast %mul3A_1372 : i32 to vector<16xi32>
    %add3A_1374 = arith.addi %add3A_1373, %add3A_1367 : vector<16xi32>
    %mul3A_1375 = arith.constant 512 : i32
    %mul3A_1376 = vector.broadcast %mul3A_1375 : i32 to vector<16xi32>
    %mul3A_1377 = arith.muli %add3A_1374, %mul3A_1376 : vector<16xi32>
    %add3A_1378 = arith.constant 0 : i32
    %add3A_1379 = vector.broadcast %add3A_1378 : i32 to vector<16xi32>
    %add3A_1380 = arith.addi %mul3A_1377, %add3A_1379 : vector<16xi32>
    %add3A_1381 = arith.addi %add3A_1380, %get3A_1370 : vector<16xi32>
    %swap3A_1382 = arith.constant 0 : index
    %swap3A_1383 = tpu.vector_load %arg6[%swap3A_1382] {strides = array<i32>} : memref<512xi32, #tpu.memory_space<vmem>>, vector<16xi32>,
    %swap3A_1384 = vector.shape_cast %swap3A_1383 : vector<16xi32> to vector<16xi32>
    %swap3A_1385 = vector.shape_cast %add3A_1381 : vector<16xi32> to vector<16xi32>
    tpu.vector_store %arg6[%swap3A_1382], %swap3A_1385 {strides = array<i32>} : memref<512xi32, #tpu.memory_space<vmem>>, vector<16xi32>,
    %add3A_1386 = arith.constant 16 : i32
    %add3A_1387 = vector.broadcast %add3A_1386 : i32 to vector<16xi32>
    %add3A_1388 = arith.addi %iota3A, %add3A_1387 : vector<16xi32>
    %get3A_1389 = arith.constant 16 : index
    %get3A_1390 = tpu.vector_load %arg5[%get3A_1389] {strides = array<i32>} : memref<128xi32, #tpu.memory_space<vmem>>, vector<16xi32>,
    %get3A_1391 = vector.shape_cast %get3A_1390 : vector<16xi32> to vector<16xi32>
    %mul3A_1392 = arith.constant 128 : i32
    %mul3A_1393 = arith.muli %add3A_1364, %mul3A_1392 : i32
    %add3A_1394 = vector.broadcast %mul3A_1393 : i32 to vector<16xi32>
    %add3A_1395 = arith.addi %add3A_1394, %add3A_1388 : vector<16xi32>
    %mul3A_1396 = arith.constant 512 : i32
    %mul3A_1397 = vector.broadcast %mul3A_1396 : i32 to vector<16xi32>
    %mul3A_1398 = arith.muli %add3A_1395, %mul3A_1397 : vector<16xi32>
    %add3A_1399 = arith.constant 0 : i32
    %add3A_1400 = vector.broadcast %add3A_1399 : i32 to vector<16xi32>
    %add3A_1401 = arith.addi %mul3A_1398, %add3A_1400 : vector<16xi32>
    %add3A_1402 = arith.addi %add3A_1401, %get3A_1391 : vector<16xi32>
    %swap3A_1403 = arith.constant 16 : index
    %swap3A_1404 = tpu.vector_load %arg6[%swap3A_1403] {strides = array<i32>} : memref<512xi32, #tpu.memory_space<vmem>>, vector<16xi32>,
    %swap3A_1405 = vector.shape_cast %swap3A_1404 : vector<16xi32> to vector<16xi32>
    %swap3A_1406 = vector.shape_cast %add3A_1402 : vector<16xi32> to vector<16xi32>
    tpu.vector_store %arg6[%swap3A_1403], %swap3A_1406 {strides = array<i32>} : memref<512xi32, #tpu.memory_space<vmem>>, vector<16xi32>,
    %add3A_1407 = arith.constant 32 : i32
    %add3A_1408 = vector.broadcast %add3A_1407 : i32 to vector<16xi32>
    %add3A_1409 = arith.addi %iota3A, %add3A_1408 : vector<16xi32>
    %get3A_1410 = arith.constant 32 : index
    %get3A_1411 = tpu.vector_load %arg5[%get3A_1410] {strides = array<i32>} : memref<128xi32, #tpu.memory_space<vmem>>, vector<16xi32>,
    %get3A_1412 = vector.shape_cast %get3A_1411 : vector<16xi32> to vector<16xi32>
    %mul3A_1413 = arith.constant 128 : i32
    %mul3A_1414 = arith.muli %add3A_1364, %mul3A_1413 : i32
    %add3A_1415 = vector.broadcast %mul3A_1414 : i32 to vector<16xi32>
    %add3A_1416 = arith.addi %add3A_1415, %add3A_1409 : vector<16xi32>
    %mul3A_1417 = arith.constant 512 : i32
    %mul3A_1418 = vector.broadcast %mul3A_1417 : i32 to vector<16xi32>
    %mul3A_1419 = arith.muli %add3A_1416, %mul3A_1418 : vector<16xi32>
    %add3A_1420 = arith.constant 0 : i32
    %add3A_1421 = vector.broadcast %add3A_1420 : i32 to vector<16xi32>
    %add3A_1422 = arith.addi %mul3A_1419, %add3A_1421 : vector<16xi32>
    %add3A_1423 = arith.addi %add3A_1422, %get3A_1412 : vector<16xi32>
    %swap3A_1424 = arith.constant 32 : index
    %swap3A_1425 = tpu.vector_load %arg6[%swap3A_1424] {strides = array<i32>} : memref<512xi32, #tpu.memory_space<vmem>>, vector<16xi32>,
    %swap3A_1426 = vector.shape_cast %swap3A_1425 : vector<16xi32> to vector<16xi32>
    %swap3A_1427 = vector.shape_cast %add3A_1423 : vector<16xi32> to vector<16xi32>
    tpu.vector_store %arg6[%swap3A_1424], %swap3A_1427 {strides = array<i32>} : memref<512xi32, #tpu.memory_space<vmem>>, vector<16xi32>,
    %add3A_1428 = arith.constant 48 : i32
    %add3A_1429 = vector.broadcast %add3A_1428 : i32 to vector<16xi32>
    %add3A_1430 = arith.addi %iota3A, %add3A_1429 : vector<16xi32>
    %get3A_1431 = arith.constant 48 : index
    %get3A_1432 = tpu.vector_load %arg5[%get3A_1431] {strides = array<i32>} : memref<128xi32, #tpu.memory_space<vmem>>, vector<16xi32>,
    %get3A_1433 = vector.shape_cast %get3A_1432 : vector<16xi32> to vector<16xi32>
    %mul3A_1434 = arith.constant 128 : i32
    %mul3A_1435 = arith.muli %add3A_1364, %mul3A_1434 : i32
    %add3A_1436 = vector.broadcast %mul3A_1435 : i32 to vector<16xi32>
    %add3A_1437 = arith.addi %add3A_1436, %add3A_1430 : vector<16xi32>
    %mul3A_1438 = arith.constant 512 : i32
    %mul3A_1439 = vector.broadcast %mul3A_1438 : i32 to vector<16xi32>
    %mul3A_1440 = arith.muli %add3A_1437, %mul3A_1439 : vector<16xi32>
    %add3A_1441 = arith.constant 0 : i32
    %add3A_1442 = vector.broadcast %add3A_1441 : i32 to vector<16xi32>
    %add3A_1443 = arith.addi %mul3A_1440, %add3A_1442 : vector<16xi32>
    %add3A_1444 = arith.addi %add3A_1443, %get3A_1433 : vector<16xi32>
    %swap3A_1445 = arith.constant 48 : index
    %swap3A_1446 = tpu.vector_load %arg6[%swap3A_1445] {strides = array<i32>} : memref<512xi32, #tpu.memory_space<vmem>>, vector<16xi32>,
    %swap3A_1447 = vector.shape_cast %swap3A_1446 : vector<16xi32> to vector<16xi32>
    %swap3A_1448 = vector.shape_cast %add3A_1444 : vector<16xi32> to vector<16xi32>
    tpu.vector_store %arg6[%swap3A_1445], %swap3A_1448 {strides = array<i32>} : memref<512xi32, #tpu.memory_space<vmem>>, vector<16xi32>,
    %add3A_1449 = arith.constant 64 : i32
    %add3A_1450 = vector.broadcast %add3A_1449 : i32 to vector<16xi32>
    %add3A_1451 = arith.addi %iota3A, %add3A_1450 : vector<16xi32>
    %get3A_1452 = arith.constant 64 : index
    %get3A_1453 = tpu.vector_load %arg5[%get3A_1452] {strides = array<i32>} : memref<128xi32, #tpu.memory_space<vmem>>, vector<16xi32>,
    %get3A_1454 = vector.shape_cast %get3A_1453 : vector<16xi32> to vector<16xi32>
    %mul3A_1455 = arith.constant 128 : i32
    %mul3A_1456 = arith.muli %add3A_1364, %mul3A_1455 : i32
    %add3A_1457 = vector.broadcast %mul3A_1456 : i32 to vector<16xi32>
    %add3A_1458 = arith.addi %add3A_1457, %add3A_1451 : vector<16xi32>
    %mul3A_1459 = arith.constant 512 : i32
    %mul3A_1460 = vector.broadcast %mul3A_1459 : i32 to vector<16xi32>
    %mul3A_1461 = arith.muli %add3A_1458, %mul3A_1460 : vector<16xi32>
    %add3A_1462 = arith.constant 0 : i32
    %add3A_1463 = vector.broadcast %add3A_1462 : i32 to vector<16xi32>
    %add3A_1464 = arith.addi %mul3A_1461, %add3A_1463 : vector<16xi32>
    %add3A_1465 = arith.addi %add3A_1464, %get3A_1454 : vector<16xi32>
    %swap3A_1466 = arith.constant 64 : index
    %swap3A_1467 = tpu.vector_load %arg6[%swap3A_1466] {strides = array<i32>} : memref<512xi32, #tpu.memory_space<vmem>>, vector<16xi32>,
    %swap3A_1468 = vector.shape_cast %swap3A_1467 : vector<16xi32> to vector<16xi32>
    %swap3A_1469 = vector.shape_cast %add3A_1465 : vector<16xi32> to vector<16xi32>
    tpu.vector_store %arg6[%swap3A_1466], %swap3A_1469 {strides = array<i32>} : memref<512xi32, #tpu.memory_space<vmem>>, vector<16xi32>,
    %add3A_1470 = arith.constant 80 : i32
    %add3A_1471 = vector.broadcast %add3A_1470 : i32 to vector<16xi32>
    %add3A_1472 = arith.addi %iota3A, %add3A_1471 : vector<16xi32>
    %get3A_1473 = arith.constant 80 : index
    %get3A_1474 = tpu.vector_load %arg5[%get3A_1473] {strides = array<i32>} : memref<128xi32, #tpu.memory_space<vmem>>, vector<16xi32>,
    %get3A_1475 = vector.shape_cast %get3A_1474 : vector<16xi32> to vector<16xi32>
    %mul3A_1476 = arith.constant 128 : i32
    %mul3A_1477 = arith.muli %add3A_1364, %mul3A_1476 : i32
    %add3A_1478 = vector.broadcast %mul3A_1477 : i32 to vector<16xi32>
    %add3A_1479 = arith.addi %add3A_1478, %add3A_1472 : vector<16xi32>
    %mul3A_1480 = arith.constant 512 : i32
    %mul3A_1481 = vector.broadcast %mul3A_1480 : i32 to vector<16xi32>
    %mul3A_1482 = arith.muli %add3A_1479, %mul3A_1481 : vector<16xi32>
    %add3A_1483 = arith.constant 0 : i32
    %add3A_1484 = vector.broadcast %add3A_1483 : i32 to vector<16xi32>
    %add3A_1485 = arith.addi %mul3A_1482, %add3A_1484 : vector<16xi32>
    %add3A_1486 = arith.addi %add3A_1485, %get3A_1475 : vector<16xi32>
    %swap3A_1487 = arith.constant 80 : index
    %swap3A_1488 = tpu.vector_load %arg6[%swap3A_1487] {strides = array<i32>} : memref<512xi32, #tpu.memory_space<vmem>>, vector<16xi32>,
    %swap3A_1489 = vector.shape_cast %swap3A_1488 : vector<16xi32> to vector<16xi32>
    %swap3A_1490 = vector.shape_cast %add3A_1486 : vector<16xi32> to vector<16xi32>
    tpu.vector_store %arg6[%swap3A_1487], %swap3A_1490 {strides = array<i32>} : memref<512xi32, #tpu.memory_space<vmem>>, vector<16xi32>,
    %add3A_1491 = arith.constant 96 : i32
    %add3A_1492 = vector.broadcast %add3A_1491 : i32 to vector<16xi32>
    %add3A_1493 = arith.addi %iota3A, %add3A_1492 : vector<16xi32>
    %get3A_1494 = arith.constant 96 : index
    %get3A_1495 = tpu.vector_load %arg5[%get3A_1494] {strides = array<i32>} : memref<128xi32, #tpu.memory_space<vmem>>, vector<16xi32>,
    %get3A_1496 = vector.shape_cast %get3A_1495 : vector<16xi32> to vector<16xi32>
    %mul3A_1497 = arith.constant 128 : i32
    %mul3A_1498 = arith.muli %add3A_1364, %mul3A_1497 : i32
    %add3A_1499 = vector.broadcast %mul3A_1498 : i32 to vector<16xi32>
    %add3A_1500 = arith.addi %add3A_1499, %add3A_1493 : vector<16xi32>
    %mul3A_1501 = arith.constant 512 : i32
    %mul3A_1502 = vector.broadcast %mul3A_1501 : i32 to vector<16xi32>
    %mul3A_1503 = arith.muli %add3A_1500, %mul3A_1502 : vector<16xi32>
    %add3A_1504 = arith.constant 0 : i32
    %add3A_1505 = vector.broadcast %add3A_1504 : i32 to vector<16xi32>
    %add3A_1506 = arith.addi %mul3A_1503, %add3A_1505 : vector<16xi32>
    %add3A_1507 = arith.addi %add3A_1506, %get3A_1496 : vector<16xi32>
    %swap3A_1508 = arith.constant 96 : index
    %swap3A_1509 = tpu.vector_load %arg6[%swap3A_1508] {strides = array<i32>} : memref<512xi32, #tpu.memory_space<vmem>>, vector<16xi32>,
    %swap3A_1510 = vector.shape_cast %swap3A_1509 : vector<16xi32> to vector<16xi32>
    %swap3A_1511 = vector.shape_cast %add3A_1507 : vector<16xi32> to vector<16xi32>
    tpu.vector_store %arg6[%swap3A_1508], %swap3A_1511 {strides = array<i32>} : memref<512xi32, #tpu.memory_space<vmem>>, vector<16xi32>,
    %add3A_1512 = arith.constant 112 : i32
    %add3A_1513 = vector.broadcast %add3A_1512 : i32 to vector<16xi32>
    %add3A_1514 = arith.addi %iota3A, %add3A_1513 : vector<16xi32>
    %get3A_1515 = arith.constant 112 : index
    %get3A_1516 = tpu.vector_load %arg5[%get3A_1515] {strides = array<i32>} : memref<128xi32, #tpu.memory_space<vmem>>, vector<16xi32>,
    %get3A_1517 = vector.shape_cast %get3A_1516 : vector<16xi32> to vector<16xi32>
    %mul3A_1518 = arith.constant 128 : i32
    %mul3A_1519 = arith.muli %add3A_1364, %mul3A_1518 : i32
    %add3A_1520 = vector.broadcast %mul3A_1519 : i32 to vector<16xi32>
    %add3A_1521 = arith.addi %add3A_1520, %add3A_1514 : vector<16xi32>
    %mul3A_1522 = arith.constant 512 : i32
    %mul3A_1523 = vector.broadcast %mul3A_1522 : i32 to vector<16xi32>
    %mul3A_1524 = arith.muli %add3A_1521, %mul3A_1523 : vector<16xi32>
    %add3A_1525 = arith.constant 0 : i32
    %add3A_1526 = vector.broadcast %add3A_1525 : i32 to vector<16xi32>
    %add3A_1527 = arith.addi %mul3A_1524, %add3A_1526 : vector<16xi32>
    %add3A_1528 = arith.addi %add3A_1527, %get3A_1517 : vector<16xi32>
    %swap3A_1529 = arith.constant 112 : index
    %swap3A_1530 = tpu.vector_load %arg6[%swap3A_1529] {strides = array<i32>} : memref<512xi32, #tpu.memory_space<vmem>>, vector<16xi32>,
    %swap3A_1531 = vector.shape_cast %swap3A_1530 : vector<16xi32> to vector<16xi32>
    %swap3A_1532 = vector.shape_cast %add3A_1528 : vector<16xi32> to vector<16xi32>
    tpu.vector_store %arg6[%swap3A_1529], %swap3A_1532 {strides = array<i32>} : memref<512xi32, #tpu.memory_space<vmem>>, vector<16xi32>,
    %add3A_1533 = arith.constant 0 : i32
    %add3A_1534 = vector.broadcast %add3A_1533 : i32 to vector<16xi32>
    %add3A_1535 = arith.addi %iota3A, %add3A_1534 : vector<16xi32>
    %get3A_1536 = arith.constant 0 : index
    %get3A_1537 = tpu.vector_load %arg5[%get3A_1536] {strides = array<i32>} : memref<128xi32, #tpu.memory_space<vmem>>, vector<16xi32>,
    %get3A_1538 = vector.shape_cast %get3A_1537 : vector<16xi32> to vector<16xi32>
    %mul3A_1539 = arith.constant 128 : i32
    %mul3A_1540 = arith.muli %add3A_1364, %mul3A_1539 : i32
    %add3A_1541 = vector.broadcast %mul3A_1540 : i32 to vector<16xi32>
    %add3A_1542 = arith.addi %add3A_1541, %add3A_1535 : vector<16xi32>
    %mul3A_1543 = arith.constant 512 : i32
    %mul3A_1544 = vector.broadcast %mul3A_1543 : i32 to vector<16xi32>
    %mul3A_1545 = arith.muli %add3A_1542, %mul3A_1544 : vector<16xi32>
    %add3A_1546 = arith.constant 128 : i32
    %add3A_1547 = vector.broadcast %add3A_1546 : i32 to vector<16xi32>
    %add3A_1548 = arith.addi %mul3A_1545, %add3A_1547 : vector<16xi32>
    %add3A_1549 = arith.addi %add3A_1548, %get3A_1538 : vector<16xi32>
    %swap3A_1550 = arith.constant 128 : index
    %swap3A_1551 = tpu.vector_load %arg6[%swap3A_1550] {strides = array<i32>} : memref<512xi32, #tpu.memory_space<vmem>>, vector<16xi32>,
    %swap3A_1552 = vector.shape_cast %swap3A_1551 : vector<16xi32> to vector<16xi32>
    %swap3A_1553 = vector.shape_cast %add3A_1549 : vector<16xi32> to vector<16xi32>
    tpu.vector_store %arg6[%swap3A_1550], %swap3A_1553 {strides = array<i32>} : memref<512xi32, #tpu.memory_space<vmem>>, vector<16xi32>,
    %add3A_1554 = arith.constant 16 : i32
    %add3A_1555 = vector.broadcast %add3A_1554 : i32 to vector<16xi32>
    %add3A_1556 = arith.addi %iota3A, %add3A_1555 : vector<16xi32>
    %get3A_1557 = arith.constant 16 : index
    %get3A_1558 = tpu.vector_load %arg5[%get3A_1557] {strides = array<i32>} : memref<128xi32, #tpu.memory_space<vmem>>, vector<16xi32>,
    %get3A_1559 = vector.shape_cast %get3A_1558 : vector<16xi32> to vector<16xi32>
    %mul3A_1560 = arith.constant 128 : i32
    %mul3A_1561 = arith.muli %add3A_1364, %mul3A_1560 : i32
    %add3A_1562 = vector.broadcast %mul3A_1561 : i32 to vector<16xi32>
    %add3A_1563 = arith.addi %add3A_1562, %add3A_1556 : vector<16xi32>
    %mul3A_1564 = arith.constant 512 : i32
    %mul3A_1565 = vector.broadcast %mul3A_1564 : i32 to vector<16xi32>
    %mul3A_1566 = arith.muli %add3A_1563, %mul3A_1565 : vector<16xi32>
    %add3A_1567 = arith.constant 128 : i32
    %add3A_1568 = vector.broadcast %add3A_1567 : i32 to vector<16xi32>
    %add3A_1569 = arith.addi %mul3A_1566, %add3A_1568 : vector<16xi32>
    %add3A_1570 = arith.addi %add3A_1569, %get3A_1559 : vector<16xi32>
    %swap3A_1571 = arith.constant 144 : index
    %swap3A_1572 = tpu.vector_load %arg6[%swap3A_1571] {strides = array<i32>} : memref<512xi32, #tpu.memory_space<vmem>>, vector<16xi32>,
    %swap3A_1573 = vector.shape_cast %swap3A_1572 : vector<16xi32> to vector<16xi32>
    %swap3A_1574 = vector.shape_cast %add3A_1570 : vector<16xi32> to vector<16xi32>
    tpu.vector_store %arg6[%swap3A_1571], %swap3A_1574 {strides = array<i32>} : memref<512xi32, #tpu.memory_space<vmem>>, vector<16xi32>,
    %add3A_1575 = arith.constant 32 : i32
    %add3A_1576 = vector.broadcast %add3A_1575 : i32 to vector<16xi32>
    %add3A_1577 = arith.addi %iota3A, %add3A_1576 : vector<16xi32>
    %get3A_1578 = arith.constant 32 : index
    %get3A_1579 = tpu.vector_load %arg5[%get3A_1578] {strides = array<i32>} : memref<128xi32, #tpu.memory_space<vmem>>, vector<16xi32>,
    %get3A_1580 = vector.shape_cast %get3A_1579 : vector<16xi32> to vector<16xi32>
    %mul3A_1581 = arith.constant 128 : i32
    %mul3A_1582 = arith.muli %add3A_1364, %mul3A_1581 : i32
    %add3A_1583 = vector.broadcast %mul3A_1582 : i32 to vector<16xi32>
    %add3A_1584 = arith.addi %add3A_1583, %add3A_1577 : vector<16xi32>
    %mul3A_1585 = arith.constant 512 : i32
    %mul3A_1586 = vector.broadcast %mul3A_1585 : i32 to vector<16xi32>
    %mul3A_1587 = arith.muli %add3A_1584, %mul3A_1586 : vector<16xi32>
    %add3A_1588 = arith.constant 128 : i32
    %add3A_1589 = vector.broadcast %add3A_1588 : i32 to vector<16xi32>
    %add3A_1590 = arith.addi %mul3A_1587, %add3A_1589 : vector<16xi32>
    %add3A_1591 = arith.addi %add3A_1590, %get3A_1580 : vector<16xi32>
    %swap3A_1592 = arith.constant 160 : index
    %swap3A_1593 = tpu.vector_load %arg6[%swap3A_1592] {strides = array<i32>} : memref<512xi32, #tpu.memory_space<vmem>>, vector<16xi32>,
    %swap3A_1594 = vector.shape_cast %swap3A_1593 : vector<16xi32> to vector<16xi32>
    %swap3A_1595 = vector.shape_cast %add3A_1591 : vector<16xi32> to vector<16xi32>
    tpu.vector_store %arg6[%swap3A_1592], %swap3A_1595 {strides = array<i32>} : memref<512xi32, #tpu.memory_space<vmem>>, vector<16xi32>,
    %add3A_1596 = arith.constant 48 : i32
    %add3A_1597 = vector.broadcast %add3A_1596 : i32 to vector<16xi32>
    %add3A_1598 = arith.addi %iota3A, %add3A_1597 : vector<16xi32>
    %get3A_1599 = arith.constant 48 : index
    %get3A_1600 = tpu.vector_load %arg5[%get3A_1599] {strides = array<i32>} : memref<128xi32, #tpu.memory_space<vmem>>, vector<16xi32>,
    %get3A_1601 = vector.shape_cast %get3A_1600 : vector<16xi32> to vector<16xi32>
    %mul3A_1602 = arith.constant 128 : i32
    %mul3A_1603 = arith.muli %add3A_1364, %mul3A_1602 : i32
    %add3A_1604 = vector.broadcast %mul3A_1603 : i32 to vector<16xi32>
    %add3A_1605 = arith.addi %add3A_1604, %add3A_1598 : vector<16xi32>
    %mul3A_1606 = arith.constant 512 : i32
    %mul3A_1607 = vector.broadcast %mul3A_1606 : i32 to vector<16xi32>
    %mul3A_1608 = arith.muli %add3A_1605, %mul3A_1607 : vector<16xi32>
    %add3A_1609 = arith.constant 128 : i32
    %add3A_1610 = vector.broadcast %add3A_1609 : i32 to vector<16xi32>
    %add3A_1611 = arith.addi %mul3A_1608, %add3A_1610 : vector<16xi32>
    %add3A_1612 = arith.addi %add3A_1611, %get3A_1601 : vector<16xi32>
    %swap3A_1613 = arith.constant 176 : index
    %swap3A_1614 = tpu.vector_load %arg6[%swap3A_1613] {strides = array<i32>} : memref<512xi32, #tpu.memory_space<vmem>>, vector<16xi32>,
    %swap3A_1615 = vector.shape_cast %swap3A_1614 : vector<16xi32> to vector<16xi32>
    %swap3A_1616 = vector.shape_cast %add3A_1612 : vector<16xi32> to vector<16xi32>
    tpu.vector_store %arg6[%swap3A_1613], %swap3A_1616 {strides = array<i32>} : memref<512xi32, #tpu.memory_space<vmem>>, vector<16xi32>,
    %add3A_1617 = arith.constant 64 : i32
    %add3A_1618 = vector.broadcast %add3A_1617 : i32 to vector<16xi32>
    %add3A_1619 = arith.addi %iota3A, %add3A_1618 : vector<16xi32>
    %get3A_1620 = arith.constant 64 : index
    %get3A_1621 = tpu.vector_load %arg5[%get3A_1620] {strides = array<i32>} : memref<128xi32, #tpu.memory_space<vmem>>, vector<16xi32>,
    %get3A_1622 = vector.shape_cast %get3A_1621 : vector<16xi32> to vector<16xi32>
    %mul3A_1623 = arith.constant 128 : i32
    %mul3A_1624 = arith.muli %add3A_1364, %mul3A_1623 : i32
    %add3A_1625 = vector.broadcast %mul3A_1624 : i32 to vector<16xi32>
    %add3A_1626 = arith.addi %add3A_1625, %add3A_1619 : vector<16xi32>
    %mul3A_1627 = arith.constant 512 : i32
    %mul3A_1628 = vector.broadcast %mul3A_1627 : i32 to vector<16xi32>
    %mul3A_1629 = arith.muli %add3A_1626, %mul3A_1628 : vector<16xi32>
    %add3A_1630 = arith.constant 128 : i32
    %add3A_1631 = vector.broadcast %add3A_1630 : i32 to vector<16xi32>
    %add3A_1632 = arith.addi %mul3A_1629, %add3A_1631 : vector<16xi32>
    %add3A_1633 = arith.addi %add3A_1632, %get3A_1622 : vector<16xi32>
    %swap3A_1634 = arith.constant 192 : index
    %swap3A_1635 = tpu.vector_load %arg6[%swap3A_1634] {strides = array<i32>} : memref<512xi32, #tpu.memory_space<vmem>>, vector<16xi32>,
    %swap3A_1636 = vector.shape_cast %swap3A_1635 : vector<16xi32> to vector<16xi32>
    %swap3A_1637 = vector.shape_cast %add3A_1633 : vector<16xi32> to vector<16xi32>
    tpu.vector_store %arg6[%swap3A_1634], %swap3A_1637 {strides = array<i32>} : memref<512xi32, #tpu.memory_space<vmem>>, vector<16xi32>,
    %add3A_1638 = arith.constant 80 : i32
    %add3A_1639 = vector.broadcast %add3A_1638 : i32 to vector<16xi32>
    %add3A_1640 = arith.addi %iota3A, %add3A_1639 : vector<16xi32>
    %get3A_1641 = arith.constant 80 : index
    %get3A_1642 = tpu.vector_load %arg5[%get3A_1641] {strides = array<i32>} : memref<128xi32, #tpu.memory_space<vmem>>, vector<16xi32>,
    %get3A_1643 = vector.shape_cast %get3A_1642 : vector<16xi32> to vector<16xi32>
    %mul3A_1644 = arith.constant 128 : i32
    %mul3A_1645 = arith.muli %add3A_1364, %mul3A_1644 : i32
    %add3A_1646 = vector.broadcast %mul3A_1645 : i32 to vector<16xi32>
    %add3A_1647 = arith.addi %add3A_1646, %add3A_1640 : vector<16xi32>
    %mul3A_1648 = arith.constant 512 : i32
    %mul3A_1649 = vector.broadcast %mul3A_1648 : i32 to vector<16xi32>
    %mul3A_1650 = arith.muli %add3A_1647, %mul3A_1649 : vector<16xi32>
    %add3A_1651 = arith.constant 128 : i32
    %add3A_1652 = vector.broadcast %add3A_1651 : i32 to vector<16xi32>
    %add3A_1653 = arith.addi %mul3A_1650, %add3A_1652 : vector<16xi32>
    %add3A_1654 = arith.addi %add3A_1653, %get3A_1643 : vector<16xi32>
    %swap3A_1655 = arith.constant 208 : index
    %swap3A_1656 = tpu.vector_load %arg6[%swap3A_1655] {strides = array<i32>} : memref<512xi32, #tpu.memory_space<vmem>>, vector<16xi32>,
    %swap3A_1657 = vector.shape_cast %swap3A_1656 : vector<16xi32> to vector<16xi32>
    %swap3A_1658 = vector.shape_cast %add3A_1654 : vector<16xi32> to vector<16xi32>
    tpu.vector_store %arg6[%swap3A_1655], %swap3A_1658 {strides = array<i32>} : memref<512xi32, #tpu.memory_space<vmem>>, vector<16xi32>,
    %add3A_1659 = arith.constant 96 : i32
    %add3A_1660 = vector.broadcast %add3A_1659 : i32 to vector<16xi32>
    %add3A_1661 = arith.addi %iota3A, %add3A_1660 : vector<16xi32>
    %get3A_1662 = arith.constant 96 : index
    %get3A_1663 = tpu.vector_load %arg5[%get3A_1662] {strides = array<i32>} : memref<128xi32, #tpu.memory_space<vmem>>, vector<16xi32>,
    %get3A_1664 = vector.shape_cast %get3A_1663 : vector<16xi32> to vector<16xi32>
    %mul3A_1665 = arith.constant 128 : i32
    %mul3A_1666 = arith.muli %add3A_1364, %mul3A_1665 : i32
    %add3A_1667 = vector.broadcast %mul3A_1666 : i32 to vector<16xi32>
    %add3A_1668 = arith.addi %add3A_1667, %add3A_1661 : vector<16xi32>
    %mul3A_1669 = arith.constant 512 : i32
    %mul3A_1670 = vector.broadcast %mul3A_1669 : i32 to vector<16xi32>
    %mul3A_1671 = arith.muli %add3A_1668, %mul3A_1670 : vector<16xi32>
    %add3A_1672 = arith.constant 128 : i32
    %add3A_1673 = vector.broadcast %add3A_1672 : i32 to vector<16xi32>
    %add3A_1674 = arith.addi %mul3A_1671, %add3A_1673 : vector<16xi32>
    %add3A_1675 = arith.addi %add3A_1674, %get3A_1664 : vector<16xi32>
    %swap3A_1676 = arith.constant 224 : index
    %swap3A_1677 = tpu.vector_load %arg6[%swap3A_1676] {strides = array<i32>} : memref<512xi32, #tpu.memory_space<vmem>>, vector<16xi32>,
    %swap3A_1678 = vector.shape_cast %swap3A_1677 : vector<16xi32> to vector<16xi32>
    %swap3A_1679 = vector.shape_cast %add3A_1675 : vector<16xi32> to vector<16xi32>
    tpu.vector_store %arg6[%swap3A_1676], %swap3A_1679 {strides = array<i32>} : memref<512xi32, #tpu.memory_space<vmem>>, vector<16xi32>,
    %add3A_1680 = arith.constant 112 : i32
    %add3A_1681 = vector.broadcast %add3A_1680 : i32 to vector<16xi32>
    %add3A_1682 = arith.addi %iota3A, %add3A_1681 : vector<16xi32>
    %get3A_1683 = arith.constant 112 : index
    %get3A_1684 = tpu.vector_load %arg5[%get3A_1683] {strides = array<i32>} : memref<128xi32, #tpu.memory_space<vmem>>, vector<16xi32>,
    %get3A_1685 = vector.shape_cast %get3A_1684 : vector<16xi32> to vector<16xi32>
    %mul3A_1686 = arith.constant 128 : i32
    %mul3A_1687 = arith.muli %add3A_1364, %mul3A_1686 : i32
    %add3A_1688 = vector.broadcast %mul3A_1687 : i32 to vector<16xi32>
    %add3A_1689 = arith.addi %add3A_1688, %add3A_1682 : vector<16xi32>
    %mul3A_1690 = arith.constant 512 : i32
    %mul3A_1691 = vector.broadcast %mul3A_1690 : i32 to vector<16xi32>
    %mul3A_1692 = arith.muli %add3A_1689, %mul3A_1691 : vector<16xi32>
    %add3A_1693 = arith.constant 128 : i32
    %add3A_1694 = vector.broadcast %add3A_1693 : i32 to vector<16xi32>
    %add3A_1695 = arith.addi %mul3A_1692, %add3A_1694 : vector<16xi32>
    %add3A_1696 = arith.addi %add3A_1695, %get3A_1685 : vector<16xi32>
    %swap3A_1697 = arith.constant 240 : index
    %swap3A_1698 = tpu.vector_load %arg6[%swap3A_1697] {strides = array<i32>} : memref<512xi32, #tpu.memory_space<vmem>>, vector<16xi32>,
    %swap3A_1699 = vector.shape_cast %swap3A_1698 : vector<16xi32> to vector<16xi32>
    %swap3A_1700 = vector.shape_cast %add3A_1696 : vector<16xi32> to vector<16xi32>
    tpu.vector_store %arg6[%swap3A_1697], %swap3A_1700 {strides = array<i32>} : memref<512xi32, #tpu.memory_space<vmem>>, vector<16xi32>,
    %add3A_1701 = arith.constant 0 : i32
    %add3A_1702 = vector.broadcast %add3A_1701 : i32 to vector<16xi32>
    %add3A_1703 = arith.addi %iota3A, %add3A_1702 : vector<16xi32>
    %get3A_1704 = arith.constant 0 : index
    %get3A_1705 = tpu.vector_load %arg5[%get3A_1704] {strides = array<i32>} : memref<128xi32, #tpu.memory_space<vmem>>, vector<16xi32>,
    %get3A_1706 = vector.shape_cast %get3A_1705 : vector<16xi32> to vector<16xi32>
    %mul3A_1707 = arith.constant 128 : i32
    %mul3A_1708 = arith.muli %add3A_1364, %mul3A_1707 : i32
    %add3A_1709 = vector.broadcast %mul3A_1708 : i32 to vector<16xi32>
    %add3A_1710 = arith.addi %add3A_1709, %add3A_1703 : vector<16xi32>
    %mul3A_1711 = arith.constant 512 : i32
    %mul3A_1712 = vector.broadcast %mul3A_1711 : i32 to vector<16xi32>
    %mul3A_1713 = arith.muli %add3A_1710, %mul3A_1712 : vector<16xi32>
    %add3A_1714 = arith.constant 256 : i32
    %add3A_1715 = vector.broadcast %add3A_1714 : i32 to vector<16xi32>
    %add3A_1716 = arith.addi %mul3A_1713, %add3A_1715 : vector<16xi32>
    %add3A_1717 = arith.addi %add3A_1716, %get3A_1706 : vector<16xi32>
    %swap3A_1718 = arith.constant 256 : index
    %swap3A_1719 = tpu.vector_load %arg6[%swap3A_1718] {strides = array<i32>} : memref<512xi32, #tpu.memory_space<vmem>>, vector<16xi32>,
    %swap3A_1720 = vector.shape_cast %swap3A_1719 : vector<16xi32> to vector<16xi32>
    %swap3A_1721 = vector.shape_cast %add3A_1717 : vector<16xi32> to vector<16xi32>
    tpu.vector_store %arg6[%swap3A_1718], %swap3A_1721 {strides = array<i32>} : memref<512xi32, #tpu.memory_space<vmem>>, vector<16xi32>,
    %add3A_1722 = arith.constant 16 : i32
    %add3A_1723 = vector.broadcast %add3A_1722 : i32 to vector<16xi32>
    %add3A_1724 = arith.addi %iota3A, %add3A_1723 : vector<16xi32>
    %get3A_1725 = arith.constant 16 : index
    %get3A_1726 = tpu.vector_load %arg5[%get3A_1725] {strides = array<i32>} : memref<128xi32, #tpu.memory_space<vmem>>, vector<16xi32>,
    %get3A_1727 = vector.shape_cast %get3A_1726 : vector<16xi32> to vector<16xi32>
    %mul3A_1728 = arith.constant 128 : i32
    %mul3A_1729 = arith.muli %add3A_1364, %mul3A_1728 : i32
    %add3A_1730 = vector.broadcast %mul3A_1729 : i32 to vector<16xi32>
    %add3A_1731 = arith.addi %add3A_1730, %add3A_1724 : vector<16xi32>
    %mul3A_1732 = arith.constant 512 : i32
    %mul3A_1733 = vector.broadcast %mul3A_1732 : i32 to vector<16xi32>
    %mul3A_1734 = arith.muli %add3A_1731, %mul3A_1733 : vector<16xi32>
    %add3A_1735 = arith.constant 256 : i32
    %add3A_1736 = vector.broadcast %add3A_1735 : i32 to vector<16xi32>
    %add3A_1737 = arith.addi %mul3A_1734, %add3A_1736 : vector<16xi32>
    %add3A_1738 = arith.addi %add3A_1737, %get3A_1727 : vector<16xi32>
    %swap3A_1739 = arith.constant 272 : index
    %swap3A_1740 = tpu.vector_load %arg6[%swap3A_1739] {strides = array<i32>} : memref<512xi32, #tpu.memory_space<vmem>>, vector<16xi32>,
    %swap3A_1741 = vector.shape_cast %swap3A_1740 : vector<16xi32> to vector<16xi32>
    %swap3A_1742 = vector.shape_cast %add3A_1738 : vector<16xi32> to vector<16xi32>
    tpu.vector_store %arg6[%swap3A_1739], %swap3A_1742 {strides = array<i32>} : memref<512xi32, #tpu.memory_space<vmem>>, vector<16xi32>,
    %add3A_1743 = arith.constant 32 : i32
    %add3A_1744 = vector.broadcast %add3A_1743 : i32 to vector<16xi32>
    %add3A_1745 = arith.addi %iota3A, %add3A_1744 : vector<16xi32>
    %get3A_1746 = arith.constant 32 : index
    %get3A_1747 = tpu.vector_load %arg5[%get3A_1746] {strides = array<i32>} : memref<128xi32, #tpu.memory_space<vmem>>, vector<16xi32>,
    %get3A_1748 = vector.shape_cast %get3A_1747 : vector<16xi32> to vector<16xi32>
    %mul3A_1749 = arith.constant 128 : i32
    %mul3A_1750 = arith.muli %add3A_1364, %mul3A_1749 : i32
    %add3A_1751 = vector.broadcast %mul3A_1750 : i32 to vector<16xi32>
    %add3A_1752 = arith.addi %add3A_1751, %add3A_1745 : vector<16xi32>
    %mul3A_1753 = arith.constant 512 : i32
    %mul3A_1754 = vector.broadcast %mul3A_1753 : i32 to vector<16xi32>
    %mul3A_1755 = arith.muli %add3A_1752, %mul3A_1754 : vector<16xi32>
    %add3A_1756 = arith.constant 256 : i32
    %add3A_1757 = vector.broadcast %add3A_1756 : i32 to vector<16xi32>
    %add3A_1758 = arith.addi %mul3A_1755, %add3A_1757 : vector<16xi32>
    %add3A_1759 = arith.addi %add3A_1758, %get3A_1748 : vector<16xi32>
    %swap3A_1760 = arith.constant 288 : index
    %swap3A_1761 = tpu.vector_load %arg6[%swap3A_1760] {strides = array<i32>} : memref<512xi32, #tpu.memory_space<vmem>>, vector<16xi32>,
    %swap3A_1762 = vector.shape_cast %swap3A_1761 : vector<16xi32> to vector<16xi32>
    %swap3A_1763 = vector.shape_cast %add3A_1759 : vector<16xi32> to vector<16xi32>
    tpu.vector_store %arg6[%swap3A_1760], %swap3A_1763 {strides = array<i32>} : memref<512xi32, #tpu.memory_space<vmem>>, vector<16xi32>,
    %add3A_1764 = arith.constant 48 : i32
    %add3A_1765 = vector.broadcast %add3A_1764 : i32 to vector<16xi32>
    %add3A_1766 = arith.addi %iota3A, %add3A_1765 : vector<16xi32>
    %get3A_1767 = arith.constant 48 : index
    %get3A_1768 = tpu.vector_load %arg5[%get3A_1767] {strides = array<i32>} : memref<128xi32, #tpu.memory_space<vmem>>, vector<16xi32>,
    %get3A_1769 = vector.shape_cast %get3A_1768 : vector<16xi32> to vector<16xi32>
    %mul3A_1770 = arith.constant 128 : i32
    %mul3A_1771 = arith.muli %add3A_1364, %mul3A_1770 : i32
    %add3A_1772 = vector.broadcast %mul3A_1771 : i32 to vector<16xi32>
    %add3A_1773 = arith.addi %add3A_1772, %add3A_1766 : vector<16xi32>
    %mul3A_1774 = arith.constant 512 : i32
    %mul3A_1775 = vector.broadcast %mul3A_1774 : i32 to vector<16xi32>
    %mul3A_1776 = arith.muli %add3A_1773, %mul3A_1775 : vector<16xi32>
    %add3A_1777 = arith.constant 256 : i32
    %add3A_1778 = vector.broadcast %add3A_1777 : i32 to vector<16xi32>
    %add3A_1779 = arith.addi %mul3A_1776, %add3A_1778 : vector<16xi32>
    %add3A_1780 = arith.addi %add3A_1779, %get3A_1769 : vector<16xi32>
    %swap3A_1781 = arith.constant 304 : index
    %swap3A_1782 = tpu.vector_load %arg6[%swap3A_1781] {strides = array<i32>} : memref<512xi32, #tpu.memory_space<vmem>>, vector<16xi32>,
    %swap3A_1783 = vector.shape_cast %swap3A_1782 : vector<16xi32> to vector<16xi32>
    %swap3A_1784 = vector.shape_cast %add3A_1780 : vector<16xi32> to vector<16xi32>
    tpu.vector_store %arg6[%swap3A_1781], %swap3A_1784 {strides = array<i32>} : memref<512xi32, #tpu.memory_space<vmem>>, vector<16xi32>,
    %add3A_1785 = arith.constant 64 : i32
    %add3A_1786 = vector.broadcast %add3A_1785 : i32 to vector<16xi32>
    %add3A_1787 = arith.addi %iota3A, %add3A_1786 : vector<16xi32>
    %get3A_1788 = arith.constant 64 : index
    %get3A_1789 = tpu.vector_load %arg5[%get3A_1788] {strides = array<i32>} : memref<128xi32, #tpu.memory_space<vmem>>, vector<16xi32>,
    %get3A_1790 = vector.shape_cast %get3A_1789 : vector<16xi32> to vector<16xi32>
    %mul3A_1791 = arith.constant 128 : i32
    %mul3A_1792 = arith.muli %add3A_1364, %mul3A_1791 : i32
    %add3A_1793 = vector.broadcast %mul3A_1792 : i32 to vector<16xi32>
    %add3A_1794 = arith.addi %add3A_1793, %add3A_1787 : vector<16xi32>
    %mul3A_1795 = arith.constant 512 : i32
    %mul3A_1796 = vector.broadcast %mul3A_1795 : i32 to vector<16xi32>
    %mul3A_1797 = arith.muli %add3A_1794, %mul3A_1796 : vector<16xi32>
    %add3A_1798 = arith.constant 256 : i32
    %add3A_1799 = vector.broadcast %add3A_1798 : i32 to vector<16xi32>
    %add3A_1800 = arith.addi %mul3A_1797, %add3A_1799 : vector<16xi32>
    %add3A_1801 = arith.addi %add3A_1800, %get3A_1790 : vector<16xi32>
    %swap3A_1802 = arith.constant 320 : index
    %swap3A_1803 = tpu.vector_load %arg6[%swap3A_1802] {strides = array<i32>} : memref<512xi32, #tpu.memory_space<vmem>>, vector<16xi32>,
    %swap3A_1804 = vector.shape_cast %swap3A_1803 : vector<16xi32> to vector<16xi32>
    %swap3A_1805 = vector.shape_cast %add3A_1801 : vector<16xi32> to vector<16xi32>
    tpu.vector_store %arg6[%swap3A_1802], %swap3A_1805 {strides = array<i32>} : memref<512xi32, #tpu.memory_space<vmem>>, vector<16xi32>,
    %add3A_1806 = arith.constant 80 : i32
    %add3A_1807 = vector.broadcast %add3A_1806 : i32 to vector<16xi32>
    %add3A_1808 = arith.addi %iota3A, %add3A_1807 : vector<16xi32>
    %get3A_1809 = arith.constant 80 : index
    %get3A_1810 = tpu.vector_load %arg5[%get3A_1809] {strides = array<i32>} : memref<128xi32, #tpu.memory_space<vmem>>, vector<16xi32>,
    %get3A_1811 = vector.shape_cast %get3A_1810 : vector<16xi32> to vector<16xi32>
    %mul3A_1812 = arith.constant 128 : i32
    %mul3A_1813 = arith.muli %add3A_1364, %mul3A_1812 : i32
    %add3A_1814 = vector.broadcast %mul3A_1813 : i32 to vector<16xi32>
    %add3A_1815 = arith.addi %add3A_1814, %add3A_1808 : vector<16xi32>
    %mul3A_1816 = arith.constant 512 : i32
    %mul3A_1817 = vector.broadcast %mul3A_1816 : i32 to vector<16xi32>
    %mul3A_1818 = arith.muli %add3A_1815, %mul3A_1817 : vector<16xi32>
    %add3A_1819 = arith.constant 256 : i32
    %add3A_1820 = vector.broadcast %add3A_1819 : i32 to vector<16xi32>
    %add3A_1821 = arith.addi %mul3A_1818, %add3A_1820 : vector<16xi32>
    %add3A_1822 = arith.addi %add3A_1821, %get3A_1811 : vector<16xi32>
    %swap3A_1823 = arith.constant 336 : index
    %swap3A_1824 = tpu.vector_load %arg6[%swap3A_1823] {strides = array<i32>} : memref<512xi32, #tpu.memory_space<vmem>>, vector<16xi32>,
    %swap3A_1825 = vector.shape_cast %swap3A_1824 : vector<16xi32> to vector<16xi32>
    %swap3A_1826 = vector.shape_cast %add3A_1822 : vector<16xi32> to vector<16xi32>
    tpu.vector_store %arg6[%swap3A_1823], %swap3A_1826 {strides = array<i32>} : memref<512xi32, #tpu.memory_space<vmem>>, vector<16xi32>,
    %add3A_1827 = arith.constant 96 : i32
    %add3A_1828 = vector.broadcast %add3A_1827 : i32 to vector<16xi32>
    %add3A_1829 = arith.addi %iota3A, %add3A_1828 : vector<16xi32>
    %get3A_1830 = arith.constant 96 : index
    %get3A_1831 = tpu.vector_load %arg5[%get3A_1830] {strides = array<i32>} : memref<128xi32, #tpu.memory_space<vmem>>, vector<16xi32>,
    %get3A_1832 = vector.shape_cast %get3A_1831 : vector<16xi32> to vector<16xi32>
    %mul3A_1833 = arith.constant 128 : i32
    %mul3A_1834 = arith.muli %add3A_1364, %mul3A_1833 : i32
    %add3A_1835 = vector.broadcast %mul3A_1834 : i32 to vector<16xi32>
    %add3A_1836 = arith.addi %add3A_1835, %add3A_1829 : vector<16xi32>
    %mul3A_1837 = arith.constant 512 : i32
    %mul3A_1838 = vector.broadcast %mul3A_1837 : i32 to vector<16xi32>
    %mul3A_1839 = arith.muli %add3A_1836, %mul3A_1838 : vector<16xi32>
    %add3A_1840 = arith.constant 256 : i32
    %add3A_1841 = vector.broadcast %add3A_1840 : i32 to vector<16xi32>
    %add3A_1842 = arith.addi %mul3A_1839, %add3A_1841 : vector<16xi32>
    %add3A_1843 = arith.addi %add3A_1842, %get3A_1832 : vector<16xi32>
    %swap3A_1844 = arith.constant 352 : index
    %swap3A_1845 = tpu.vector_load %arg6[%swap3A_1844] {strides = array<i32>} : memref<512xi32, #tpu.memory_space<vmem>>, vector<16xi32>,
    %swap3A_1846 = vector.shape_cast %swap3A_1845 : vector<16xi32> to vector<16xi32>
    %swap3A_1847 = vector.shape_cast %add3A_1843 : vector<16xi32> to vector<16xi32>
    tpu.vector_store %arg6[%swap3A_1844], %swap3A_1847 {strides = array<i32>} : memref<512xi32, #tpu.memory_space<vmem>>, vector<16xi32>,
    %add3A_1848 = arith.constant 112 : i32
    %add3A_1849 = vector.broadcast %add3A_1848 : i32 to vector<16xi32>
    %add3A_1850 = arith.addi %iota3A, %add3A_1849 : vector<16xi32>
    %get3A_1851 = arith.constant 112 : index
    %get3A_1852 = tpu.vector_load %arg5[%get3A_1851] {strides = array<i32>} : memref<128xi32, #tpu.memory_space<vmem>>, vector<16xi32>,
    %get3A_1853 = vector.shape_cast %get3A_1852 : vector<16xi32> to vector<16xi32>
    %mul3A_1854 = arith.constant 128 : i32
    %mul3A_1855 = arith.muli %add3A_1364, %mul3A_1854 : i32
    %add3A_1856 = vector.broadcast %mul3A_1855 : i32 to vector<16xi32>
    %add3A_1857 = arith.addi %add3A_1856, %add3A_1850 : vector<16xi32>
    %mul3A_1858 = arith.constant 512 : i32
    %mul3A_1859 = vector.broadcast %mul3A_1858 : i32 to vector<16xi32>
    %mul3A_1860 = arith.muli %add3A_1857, %mul3A_1859 : vector<16xi32>
    %add3A_1861 = arith.constant 256 : i32
    %add3A_1862 = vector.broadcast %add3A_1861 : i32 to vector<16xi32>
    %add3A_1863 = arith.addi %mul3A_1860, %add3A_1862 : vector<16xi32>
    %add3A_1864 = arith.addi %add3A_1863, %get3A_1853 : vector<16xi32>
    %swap3A_1865 = arith.constant 368 : index
    %swap3A_1866 = tpu.vector_load %arg6[%swap3A_1865] {strides = array<i32>} : memref<512xi32, #tpu.memory_space<vmem>>, vector<16xi32>,
    %swap3A_1867 = vector.shape_cast %swap3A_1866 : vector<16xi32> to vector<16xi32>
    %swap3A_1868 = vector.shape_cast %add3A_1864 : vector<16xi32> to vector<16xi32>
    tpu.vector_store %arg6[%swap3A_1865], %swap3A_1868 {strides = array<i32>} : memref<512xi32, #tpu.memory_space<vmem>>, vector<16xi32>,
    %add3A_1869 = arith.constant 0 : i32
    %add3A_1870 = vector.broadcast %add3A_1869 : i32 to vector<16xi32>
    %add3A_1871 = arith.addi %iota3A, %add3A_1870 : vector<16xi32>
    %get3A_1872 = arith.constant 0 : index
    %get3A_1873 = tpu.vector_load %arg5[%get3A_1872] {strides = array<i32>} : memref<128xi32, #tpu.memory_space<vmem>>, vector<16xi32>,
    %get3A_1874 = vector.shape_cast %get3A_1873 : vector<16xi32> to vector<16xi32>
    %mul3A_1875 = arith.constant 128 : i32
    %mul3A_1876 = arith.muli %add3A_1364, %mul3A_1875 : i32
    %add3A_1877 = vector.broadcast %mul3A_1876 : i32 to vector<16xi32>
    %add3A_1878 = arith.addi %add3A_1877, %add3A_1871 : vector<16xi32>
    %mul3A_1879 = arith.constant 512 : i32
    %mul3A_1880 = vector.broadcast %mul3A_1879 : i32 to vector<16xi32>
    %mul3A_1881 = arith.muli %add3A_1878, %mul3A_1880 : vector<16xi32>
    %add3A_1882 = arith.constant 384 : i32
    %add3A_1883 = vector.broadcast %add3A_1882 : i32 to vector<16xi32>
    %add3A_1884 = arith.addi %mul3A_1881, %add3A_1883 : vector<16xi32>
    %add3A_1885 = arith.addi %add3A_1884, %get3A_1874 : vector<16xi32>
    %swap3A_1886 = arith.constant 384 : index
    %swap3A_1887 = tpu.vector_load %arg6[%swap3A_1886] {strides = array<i32>} : memref<512xi32, #tpu.memory_space<vmem>>, vector<16xi32>,
    %swap3A_1888 = vector.shape_cast %swap3A_1887 : vector<16xi32> to vector<16xi32>
    %swap3A_1889 = vector.shape_cast %add3A_1885 : vector<16xi32> to vector<16xi32>
    tpu.vector_store %arg6[%swap3A_1886], %swap3A_1889 {strides = array<i32>} : memref<512xi32, #tpu.memory_space<vmem>>, vector<16xi32>,
    %add3A_1890 = arith.constant 16 : i32
    %add3A_1891 = vector.broadcast %add3A_1890 : i32 to vector<16xi32>
    %add3A_1892 = arith.addi %iota3A, %add3A_1891 : vector<16xi32>
    %get3A_1893 = arith.constant 16 : index
    %get3A_1894 = tpu.vector_load %arg5[%get3A_1893] {strides = array<i32>} : memref<128xi32, #tpu.memory_space<vmem>>, vector<16xi32>,
    %get3A_1895 = vector.shape_cast %get3A_1894 : vector<16xi32> to vector<16xi32>
    %mul3A_1896 = arith.constant 128 : i32
    %mul3A_1897 = arith.muli %add3A_1364, %mul3A_1896 : i32
    %add3A_1898 = vector.broadcast %mul3A_1897 : i32 to vector<16xi32>
    %add3A_1899 = arith.addi %add3A_1898, %add3A_1892 : vector<16xi32>
    %mul3A_1900 = arith.constant 512 : i32
    %mul3A_1901 = vector.broadcast %mul3A_1900 : i32 to vector<16xi32>
    %mul3A_1902 = arith.muli %add3A_1899, %mul3A_1901 : vector<16xi32>
    %add3A_1903 = arith.constant 384 : i32
    %add3A_1904 = vector.broadcast %add3A_1903 : i32 to vector<16xi32>
    %add3A_1905 = arith.addi %mul3A_1902, %add3A_1904 : vector<16xi32>
    %add3A_1906 = arith.addi %add3A_1905, %get3A_1895 : vector<16xi32>
    %swap3A_1907 = arith.constant 400 : index
    %swap3A_1908 = tpu.vector_load %arg6[%swap3A_1907] {strides = array<i32>} : memref<512xi32, #tpu.memory_space<vmem>>, vector<16xi32>,
    %swap3A_1909 = vector.shape_cast %swap3A_1908 : vector<16xi32> to vector<16xi32>
    %swap3A_1910 = vector.shape_cast %add3A_1906 : vector<16xi32> to vector<16xi32>
    tpu.vector_store %arg6[%swap3A_1907], %swap3A_1910 {strides = array<i32>} : memref<512xi32, #tpu.memory_space<vmem>>, vector<16xi32>,
    %add3A_1911 = arith.constant 32 : i32
    %add3A_1912 = vector.broadcast %add3A_1911 : i32 to vector<16xi32>
    %add3A_1913 = arith.addi %iota3A, %add3A_1912 : vector<16xi32>
    %get3A_1914 = arith.constant 32 : index
    %get3A_1915 = tpu.vector_load %arg5[%get3A_1914] {strides = array<i32>} : memref<128xi32, #tpu.memory_space<vmem>>, vector<16xi32>,
    %get3A_1916 = vector.shape_cast %get3A_1915 : vector<16xi32> to vector<16xi32>
    %mul3A_1917 = arith.constant 128 : i32
    %mul3A_1918 = arith.muli %add3A_1364, %mul3A_1917 : i32
    %add3A_1919 = vector.broadcast %mul3A_1918 : i32 to vector<16xi32>
    %add3A_1920 = arith.addi %add3A_1919, %add3A_1913 : vector<16xi32>
    %mul3A_1921 = arith.constant 512 : i32
    %mul3A_1922 = vector.broadcast %mul3A_1921 : i32 to vector<16xi32>
    %mul3A_1923 = arith.muli %add3A_1920, %mul3A_1922 : vector<16xi32>
    %add3A_1924 = arith.constant 384 : i32
    %add3A_1925 = vector.broadcast %add3A_1924 : i32 to vector<16xi32>
    %add3A_1926 = arith.addi %mul3A_1923, %add3A_1925 : vector<16xi32>
    %add3A_1927 = arith.addi %add3A_1926, %get3A_1916 : vector<16xi32>
    %swap3A_1928 = arith.constant 416 : index
    %swap3A_1929 = tpu.vector_load %arg6[%swap3A_1928] {strides = array<i32>} : memref<512xi32, #tpu.memory_space<vmem>>, vector<16xi32>,
    %swap3A_1930 = vector.shape_cast %swap3A_1929 : vector<16xi32> to vector<16xi32>
    %swap3A_1931 = vector.shape_cast %add3A_1927 : vector<16xi32> to vector<16xi32>
    tpu.vector_store %arg6[%swap3A_1928], %swap3A_1931 {strides = array<i32>} : memref<512xi32, #tpu.memory_space<vmem>>, vector<16xi32>,
    %add3A_1932 = arith.constant 48 : i32
    %add3A_1933 = vector.broadcast %add3A_1932 : i32 to vector<16xi32>
    %add3A_1934 = arith.addi %iota3A, %add3A_1933 : vector<16xi32>
    %get3A_1935 = arith.constant 48 : index
    %get3A_1936 = tpu.vector_load %arg5[%get3A_1935] {strides = array<i32>} : memref<128xi32, #tpu.memory_space<vmem>>, vector<16xi32>,
    %get3A_1937 = vector.shape_cast %get3A_1936 : vector<16xi32> to vector<16xi32>
    %mul3A_1938 = arith.constant 128 : i32
    %mul3A_1939 = arith.muli %add3A_1364, %mul3A_1938 : i32
    %add3A_1940 = vector.broadcast %mul3A_1939 : i32 to vector<16xi32>
    %add3A_1941 = arith.addi %add3A_1940, %add3A_1934 : vector<16xi32>
    %mul3A_1942 = arith.constant 512 : i32
    %mul3A_1943 = vector.broadcast %mul3A_1942 : i32 to vector<16xi32>
    %mul3A_1944 = arith.muli %add3A_1941, %mul3A_1943 : vector<16xi32>
    %add3A_1945 = arith.constant 384 : i32
    %add3A_1946 = vector.broadcast %add3A_1945 : i32 to vector<16xi32>
    %add3A_1947 = arith.addi %mul3A_1944, %add3A_1946 : vector<16xi32>
    %add3A_1948 = arith.addi %add3A_1947, %get3A_1937 : vector<16xi32>
    %swap3A_1949 = arith.constant 432 : index
    %swap3A_1950 = tpu.vector_load %arg6[%swap3A_1949] {strides = array<i32>} : memref<512xi32, #tpu.memory_space<vmem>>, vector<16xi32>,
    %swap3A_1951 = vector.shape_cast %swap3A_1950 : vector<16xi32> to vector<16xi32>
    %swap3A_1952 = vector.shape_cast %add3A_1948 : vector<16xi32> to vector<16xi32>
    tpu.vector_store %arg6[%swap3A_1949], %swap3A_1952 {strides = array<i32>} : memref<512xi32, #tpu.memory_space<vmem>>, vector<16xi32>,
    %add3A_1953 = arith.constant 64 : i32
    %add3A_1954 = vector.broadcast %add3A_1953 : i32 to vector<16xi32>
    %add3A_1955 = arith.addi %iota3A, %add3A_1954 : vector<16xi32>
    %get3A_1956 = arith.constant 64 : index
    %get3A_1957 = tpu.vector_load %arg5[%get3A_1956] {strides = array<i32>} : memref<128xi32, #tpu.memory_space<vmem>>, vector<16xi32>,
    %get3A_1958 = vector.shape_cast %get3A_1957 : vector<16xi32> to vector<16xi32>
    %mul3A_1959 = arith.constant 128 : i32
    %mul3A_1960 = arith.muli %add3A_1364, %mul3A_1959 : i32
    %add3A_1961 = vector.broadcast %mul3A_1960 : i32 to vector<16xi32>
    %add3A_1962 = arith.addi %add3A_1961, %add3A_1955 : vector<16xi32>
    %mul3A_1963 = arith.constant 512 : i32
    %mul3A_1964 = vector.broadcast %mul3A_1963 : i32 to vector<16xi32>
    %mul3A_1965 = arith.muli %add3A_1962, %mul3A_1964 : vector<16xi32>
    %add3A_1966 = arith.constant 384 : i32
    %add3A_1967 = vector.broadcast %add3A_1966 : i32 to vector<16xi32>
    %add3A_1968 = arith.addi %mul3A_1965, %add3A_1967 : vector<16xi32>
    %add3A_1969 = arith.addi %add3A_1968, %get3A_1958 : vector<16xi32>
    %swap3A_1970 = arith.constant 448 : index
    %swap3A_1971 = tpu.vector_load %arg6[%swap3A_1970] {strides = array<i32>} : memref<512xi32, #tpu.memory_space<vmem>>, vector<16xi32>,
    %swap3A_1972 = vector.shape_cast %swap3A_1971 : vector<16xi32> to vector<16xi32>
    %swap3A_1973 = vector.shape_cast %add3A_1969 : vector<16xi32> to vector<16xi32>
    tpu.vector_store %arg6[%swap3A_1970], %swap3A_1973 {strides = array<i32>} : memref<512xi32, #tpu.memory_space<vmem>>, vector<16xi32>,
    %add3A_1974 = arith.constant 80 : i32
    %add3A_1975 = vector.broadcast %add3A_1974 : i32 to vector<16xi32>
    %add3A_1976 = arith.addi %iota3A, %add3A_1975 : vector<16xi32>
    %get3A_1977 = arith.constant 80 : index
    %get3A_1978 = tpu.vector_load %arg5[%get3A_1977] {strides = array<i32>} : memref<128xi32, #tpu.memory_space<vmem>>, vector<16xi32>,
    %get3A_1979 = vector.shape_cast %get3A_1978 : vector<16xi32> to vector<16xi32>
    %mul3A_1980 = arith.constant 128 : i32
    %mul3A_1981 = arith.muli %add3A_1364, %mul3A_1980 : i32
    %add3A_1982 = vector.broadcast %mul3A_1981 : i32 to vector<16xi32>
    %add3A_1983 = arith.addi %add3A_1982, %add3A_1976 : vector<16xi32>
    %mul3A_1984 = arith.constant 512 : i32
    %mul3A_1985 = vector.broadcast %mul3A_1984 : i32 to vector<16xi32>
    %mul3A_1986 = arith.muli %add3A_1983, %mul3A_1985 : vector<16xi32>
    %add3A_1987 = arith.constant 384 : i32
    %add3A_1988 = vector.broadcast %add3A_1987 : i32 to vector<16xi32>
    %add3A_1989 = arith.addi %mul3A_1986, %add3A_1988 : vector<16xi32>
    %add3A_1990 = arith.addi %add3A_1989, %get3A_1979 : vector<16xi32>
    %swap3A_1991 = arith.constant 464 : index
    %swap3A_1992 = tpu.vector_load %arg6[%swap3A_1991] {strides = array<i32>} : memref<512xi32, #tpu.memory_space<vmem>>, vector<16xi32>,
    %swap3A_1993 = vector.shape_cast %swap3A_1992 : vector<16xi32> to vector<16xi32>
    %swap3A_1994 = vector.shape_cast %add3A_1990 : vector<16xi32> to vector<16xi32>
    tpu.vector_store %arg6[%swap3A_1991], %swap3A_1994 {strides = array<i32>} : memref<512xi32, #tpu.memory_space<vmem>>, vector<16xi32>,
    %add3A_1995 = arith.constant 96 : i32
    %add3A_1996 = vector.broadcast %add3A_1995 : i32 to vector<16xi32>
    %add3A_1997 = arith.addi %iota3A, %add3A_1996 : vector<16xi32>
    %get3A_1998 = arith.constant 96 : index
    %get3A_1999 = tpu.vector_load %arg5[%get3A_1998] {strides = array<i32>} : memref<128xi32, #tpu.memory_space<vmem>>, vector<16xi32>,
    %get3A_2000 = vector.shape_cast %get3A_1999 : vector<16xi32> to vector<16xi32>
    %mul3A_2001 = arith.constant 128 : i32
    %mul3A_2002 = arith.muli %add3A_1364, %mul3A_2001 : i32
    %add3A_2003 = vector.broadcast %mul3A_2002 : i32 to vector<16xi32>
    %add3A_2004 = arith.addi %add3A_2003, %add3A_1997 : vector<16xi32>
    %mul3A_2005 = arith.constant 512 : i32
    %mul3A_2006 = vector.broadcast %mul3A_2005 : i32 to vector<16xi32>
    %mul3A_2007 = arith.muli %add3A_2004, %mul3A_2006 : vector<16xi32>
    %add3A_2008 = arith.constant 384 : i32
    %add3A_2009 = vector.broadcast %add3A_2008 : i32 to vector<16xi32>
    %add3A_2010 = arith.addi %mul3A_2007, %add3A_2009 : vector<16xi32>
    %add3A_2011 = arith.addi %add3A_2010, %get3A_2000 : vector<16xi32>
    %swap3A_2012 = arith.constant 480 : index
    %swap3A_2013 = tpu.vector_load %arg6[%swap3A_2012] {strides = array<i32>} : memref<512xi32, #tpu.memory_space<vmem>>, vector<16xi32>,
    %swap3A_2014 = vector.shape_cast %swap3A_2013 : vector<16xi32> to vector<16xi32>
    %swap3A_2015 = vector.shape_cast %add3A_2011 : vector<16xi32> to vector<16xi32>
    tpu.vector_store %arg6[%swap3A_2012], %swap3A_2015 {strides = array<i32>} : memref<512xi32, #tpu.memory_space<vmem>>, vector<16xi32>,
    %add3A_2016 = arith.constant 112 : i32
    %add3A_2017 = vector.broadcast %add3A_2016 : i32 to vector<16xi32>
    %add3A_2018 = arith.addi %iota3A, %add3A_2017 : vector<16xi32>
    %get3A_2019 = arith.constant 112 : index
    %get3A_2020 = tpu.vector_load %arg5[%get3A_2019] {strides = array<i32>} : memref<128xi32, #tpu.memory_space<vmem>>, vector<16xi32>,
    %get3A_2021 = vector.shape_cast %get3A_2020 : vector<16xi32> to vector<16xi32>
    %mul3A_2022 = arith.constant 128 : i32
    %mul3A_2023 = arith.muli %add3A_1364, %mul3A_2022 : i32
    %add3A_2024 = vector.broadcast %mul3A_2023 : i32 to vector<16xi32>
    %add3A_2025 = arith.addi %add3A_2024, %add3A_2018 : vector<16xi32>
    %mul3A_2026 = arith.constant 512 : i32
    %mul3A_2027 = vector.broadcast %mul3A_2026 : i32 to vector<16xi32>
    %mul3A_2028 = arith.muli %add3A_2025, %mul3A_2027 : vector<16xi32>
    %add3A_2029 = arith.constant 384 : i32
    %add3A_2030 = vector.broadcast %add3A_2029 : i32 to vector<16xi32>
    %add3A_2031 = arith.addi %mul3A_2028, %add3A_2030 : vector<16xi32>
    %add3A_2032 = arith.addi %add3A_2031, %get3A_2021 : vector<16xi32>
    %swap3A_2033 = arith.constant 496 : index
    %swap3A_2034 = tpu.vector_load %arg6[%swap3A_2033] {strides = array<i32>} : memref<512xi32, #tpu.memory_space<vmem>>, vector<16xi32>,
    %swap3A_2035 = vector.shape_cast %swap3A_2034 : vector<16xi32> to vector<16xi32>
    %swap3A_2036 = vector.shape_cast %add3A_2032 : vector<16xi32> to vector<16xi32>
    tpu.vector_store %arg6[%swap3A_2033], %swap3A_2036 {strides = array<i32>} : memref<512xi32, #tpu.memory_space<vmem>>, vector<16xi32>,
    %dma_start3A_2037 = arith.constant 0 : i32
    %dma_start3A_2038 = tpu.memref_slice %arg2[%dma_start3A_2037] : memref<8388608xf32, #tpu.memory_space<hbm>> -> memref<8388608xf32, #tpu.memory_space<hbm>>
    tpu.enqueue_indirect_dma source(%dma_start3A_2038 : memref<8388608xf32, #tpu.memory_space<hbm>>) target(%arg7 : memref<512xf32, #tpu.memory_space<vmem>>) offsets(%arg6 : memref<512xi32, #tpu.memory_space<vmem>>) semaphore(%arg8 : memref<!tpu.dma_semaphore, #tpu.memory_space<semaphore_mem>>)
    %dma_wait3A_2039 = arith.constant 0 : i32
    %dma_wait3A_2040 = tpu.memref_slice %arg2[%dma_wait3A_2039] : memref<8388608xf32, #tpu.memory_space<hbm>> -> memref<8388608xf32, #tpu.memory_space<hbm>>
    tpu.wait_indirect_dma semaphore(%arg8 : memref<!tpu.dma_semaphore, #tpu.memory_space<semaphore_mem>>) src(%dma_wait3A_2040 : memref<8388608xf32, #tpu.memory_space<hbm>>) dst(%arg7 : memref<512xf32, #tpu.memory_space<vmem>>)
    %mul3A_2041 = arith.constant 512 : i32
    %mul3A_2042 = arith.muli %add3A_1364, %mul3A_2041 : i32
    "tpu.region"() ({
      %run_scoped3A = tpu.sem_alloc : memref<!tpu.dma_semaphore, #tpu.memory_space<semaphore_mem>>
      %dma_start3A_2725 = tpu.memref_slice %arg4[%mul3A_2042] : memref<65536xf32, #tpu.memory_space<hbm>> -> memref<512xf32, #tpu.memory_space<hbm>>
      %dma_start3A_2726 = tpu.memref_slice %arg4[%mul3A_2042] : memref<65536xf32, #tpu.memory_space<hbm>> -> memref<512xf32, #tpu.memory_space<hbm>>
      tpu.enqueue_dma source(%arg7 : memref<512xf32, #tpu.memory_space<vmem>>) target(%dma_start3A_2726 : memref<512xf32, #tpu.memory_space<hbm>>) target_semaphore(%run_scoped3A : memref<!tpu.dma_semaphore, #tpu.memory_space<semaphore_mem>>)
      %dma_wait3A_2727 = tpu.memref_slice %arg4[%mul3A_2042] : memref<65536xf32, #tpu.memory_space<hbm>> -> memref<512xf32, #tpu.memory_space<hbm>>
      %dma_wait3A_2728 = tpu.memref_slice %arg4[%mul3A_2042] : memref<65536xf32, #tpu.memory_space<hbm>> -> memref<512xf32, #tpu.memory_space<hbm>>
      tpu.wait_dma2 semaphore(%run_scoped3A : memref<!tpu.dma_semaphore, #tpu.memory_space<semaphore_mem>>) src(%arg7 : memref<512xf32, #tpu.memory_space<vmem>>) dst(%dma_wait3A_2728 : memref<512xf32, #tpu.memory_space<hbm>>)
      tpu.yield
    }) : () -> ()
    %mul3A_2043 = arith.constant 4 : i32
    %mul3A_2044 = arith.muli %add3A, %mul3A_2043 : i32
    %add3A_2045 = arith.constant 3 : i32
    %add3A_2046 = arith.addi %mul3A_2044, %add3A_2045 : i32
    "tpu.region"() ({
      %run_scoped3A = tpu.sem_alloc : memref<!tpu.dma_semaphore, #tpu.memory_space<semaphore_mem>>
      %dma_start3A_2725 = arith.constant 0 : i32
      %dma_start3A_2726 = tpu.memref_slice %arg3[%add3A_2046, %dma_start3A_2725] : memref<128x128xi32, #tpu.memory_space<hbm>> -> memref<1x128xi32, #tpu.memory_space<hbm>>
      %dma_start3A_2727 = tpu.memref_squeeze %dma_start3A_2726 : memref<1x128xi32, #tpu.memory_space<hbm>> -> memref<128xi32, #tpu.memory_space<hbm>>
      %dma_start3A_2728 = arith.constant 0 : i32
      %dma_start3A_2729 = tpu.memref_slice %arg3[%add3A_2046, %dma_start3A_2728] : memref<128x128xi32, #tpu.memory_space<hbm>> -> memref<1x128xi32, #tpu.memory_space<hbm>>
      %dma_start3A_2730 = tpu.memref_squeeze %dma_start3A_2729 : memref<1x128xi32, #tpu.memory_space<hbm>> -> memref<128xi32, #tpu.memory_space<hbm>>
      tpu.enqueue_dma source(%dma_start3A_2730 : memref<128xi32, #tpu.memory_space<hbm>>) target(%arg5 : memref<128xi32, #tpu.memory_space<vmem>>) target_semaphore(%run_scoped3A : memref<!tpu.dma_semaphore, #tpu.memory_space<semaphore_mem>>)
      %dma_wait3A_2731 = arith.constant 0 : i32
      %dma_wait3A_2732 = tpu.memref_slice %arg3[%add3A_2046, %dma_wait3A_2731] : memref<128x128xi32, #tpu.memory_space<hbm>> -> memref<1x128xi32, #tpu.memory_space<hbm>>
      %dma_wait3A_2733 = tpu.memref_squeeze %dma_wait3A_2732 : memref<1x128xi32, #tpu.memory_space<hbm>> -> memref<128xi32, #tpu.memory_space<hbm>>
      %dma_wait3A_2734 = arith.constant 0 : i32
      %dma_wait3A_2735 = tpu.memref_slice %arg3[%add3A_2046, %dma_wait3A_2734] : memref<128x128xi32, #tpu.memory_space<hbm>> -> memref<1x128xi32, #tpu.memory_space<hbm>>
      %dma_wait3A_2736 = tpu.memref_squeeze %dma_wait3A_2735 : memref<1x128xi32, #tpu.memory_space<hbm>> -> memref<128xi32, #tpu.memory_space<hbm>>
      tpu.wait_dma2 semaphore(%run_scoped3A : memref<!tpu.dma_semaphore, #tpu.memory_space<semaphore_mem>>) src(%dma_wait3A_2736 : memref<128xi32, #tpu.memory_space<hbm>>) dst(%arg5 : memref<128xi32, #tpu.memory_space<vmem>>)
      tpu.yield
    }) : () -> ()
    %add3A_2047 = arith.constant 0 : i32
    %add3A_2048 = vector.broadcast %add3A_2047 : i32 to vector<16xi32>
    %add3A_2049 = arith.addi %iota3A, %add3A_2048 : vector<16xi32>
    %get3A_2050 = arith.constant 0 : index
    %get3A_2051 = tpu.vector_load %arg5[%get3A_2050] {strides = array<i32>} : memref<128xi32, #tpu.memory_space<vmem>>, vector<16xi32>,
    %get3A_2052 = vector.shape_cast %get3A_2051 : vector<16xi32> to vector<16xi32>
    %mul3A_2053 = arith.constant 128 : i32
    %mul3A_2054 = arith.muli %add3A_2046, %mul3A_2053 : i32
    %add3A_2055 = vector.broadcast %mul3A_2054 : i32 to vector<16xi32>
    %add3A_2056 = arith.addi %add3A_2055, %add3A_2049 : vector<16xi32>
    %mul3A_2057 = arith.constant 512 : i32
    %mul3A_2058 = vector.broadcast %mul3A_2057 : i32 to vector<16xi32>
    %mul3A_2059 = arith.muli %add3A_2056, %mul3A_2058 : vector<16xi32>
    %add3A_2060 = arith.constant 0 : i32
    %add3A_2061 = vector.broadcast %add3A_2060 : i32 to vector<16xi32>
    %add3A_2062 = arith.addi %mul3A_2059, %add3A_2061 : vector<16xi32>
    %add3A_2063 = arith.addi %add3A_2062, %get3A_2052 : vector<16xi32>
    %swap3A_2064 = arith.constant 0 : index
    %swap3A_2065 = tpu.vector_load %arg6[%swap3A_2064] {strides = array<i32>} : memref<512xi32, #tpu.memory_space<vmem>>, vector<16xi32>,
    %swap3A_2066 = vector.shape_cast %swap3A_2065 : vector<16xi32> to vector<16xi32>
    %swap3A_2067 = vector.shape_cast %add3A_2063 : vector<16xi32> to vector<16xi32>
    tpu.vector_store %arg6[%swap3A_2064], %swap3A_2067 {strides = array<i32>} : memref<512xi32, #tpu.memory_space<vmem>>, vector<16xi32>,
    %add3A_2068 = arith.constant 16 : i32
    %add3A_2069 = vector.broadcast %add3A_2068 : i32 to vector<16xi32>
    %add3A_2070 = arith.addi %iota3A, %add3A_2069 : vector<16xi32>
    %get3A_2071 = arith.constant 16 : index
    %get3A_2072 = tpu.vector_load %arg5[%get3A_2071] {strides = array<i32>} : memref<128xi32, #tpu.memory_space<vmem>>, vector<16xi32>,
    %get3A_2073 = vector.shape_cast %get3A_2072 : vector<16xi32> to vector<16xi32>
    %mul3A_2074 = arith.constant 128 : i32
    %mul3A_2075 = arith.muli %add3A_2046, %mul3A_2074 : i32
    %add3A_2076 = vector.broadcast %mul3A_2075 : i32 to vector<16xi32>
    %add3A_2077 = arith.addi %add3A_2076, %add3A_2070 : vector<16xi32>
    %mul3A_2078 = arith.constant 512 : i32
    %mul3A_2079 = vector.broadcast %mul3A_2078 : i32 to vector<16xi32>
    %mul3A_2080 = arith.muli %add3A_2077, %mul3A_2079 : vector<16xi32>
    %add3A_2081 = arith.constant 0 : i32
    %add3A_2082 = vector.broadcast %add3A_2081 : i32 to vector<16xi32>
    %add3A_2083 = arith.addi %mul3A_2080, %add3A_2082 : vector<16xi32>
    %add3A_2084 = arith.addi %add3A_2083, %get3A_2073 : vector<16xi32>
    %swap3A_2085 = arith.constant 16 : index
    %swap3A_2086 = tpu.vector_load %arg6[%swap3A_2085] {strides = array<i32>} : memref<512xi32, #tpu.memory_space<vmem>>, vector<16xi32>,
    %swap3A_2087 = vector.shape_cast %swap3A_2086 : vector<16xi32> to vector<16xi32>
    %swap3A_2088 = vector.shape_cast %add3A_2084 : vector<16xi32> to vector<16xi32>
    tpu.vector_store %arg6[%swap3A_2085], %swap3A_2088 {strides = array<i32>} : memref<512xi32, #tpu.memory_space<vmem>>, vector<16xi32>,
    %add3A_2089 = arith.constant 32 : i32
    %add3A_2090 = vector.broadcast %add3A_2089 : i32 to vector<16xi32>
    %add3A_2091 = arith.addi %iota3A, %add3A_2090 : vector<16xi32>
    %get3A_2092 = arith.constant 32 : index
    %get3A_2093 = tpu.vector_load %arg5[%get3A_2092] {strides = array<i32>} : memref<128xi32, #tpu.memory_space<vmem>>, vector<16xi32>,
    %get3A_2094 = vector.shape_cast %get3A_2093 : vector<16xi32> to vector<16xi32>
    %mul3A_2095 = arith.constant 128 : i32
    %mul3A_2096 = arith.muli %add3A_2046, %mul3A_2095 : i32
    %add3A_2097 = vector.broadcast %mul3A_2096 : i32 to vector<16xi32>
    %add3A_2098 = arith.addi %add3A_2097, %add3A_2091 : vector<16xi32>
    %mul3A_2099 = arith.constant 512 : i32
    %mul3A_2100 = vector.broadcast %mul3A_2099 : i32 to vector<16xi32>
    %mul3A_2101 = arith.muli %add3A_2098, %mul3A_2100 : vector<16xi32>
    %add3A_2102 = arith.constant 0 : i32
    %add3A_2103 = vector.broadcast %add3A_2102 : i32 to vector<16xi32>
    %add3A_2104 = arith.addi %mul3A_2101, %add3A_2103 : vector<16xi32>
    %add3A_2105 = arith.addi %add3A_2104, %get3A_2094 : vector<16xi32>
    %swap3A_2106 = arith.constant 32 : index
    %swap3A_2107 = tpu.vector_load %arg6[%swap3A_2106] {strides = array<i32>} : memref<512xi32, #tpu.memory_space<vmem>>, vector<16xi32>,
    %swap3A_2108 = vector.shape_cast %swap3A_2107 : vector<16xi32> to vector<16xi32>
    %swap3A_2109 = vector.shape_cast %add3A_2105 : vector<16xi32> to vector<16xi32>
    tpu.vector_store %arg6[%swap3A_2106], %swap3A_2109 {strides = array<i32>} : memref<512xi32, #tpu.memory_space<vmem>>, vector<16xi32>,
    %add3A_2110 = arith.constant 48 : i32
    %add3A_2111 = vector.broadcast %add3A_2110 : i32 to vector<16xi32>
    %add3A_2112 = arith.addi %iota3A, %add3A_2111 : vector<16xi32>
    %get3A_2113 = arith.constant 48 : index
    %get3A_2114 = tpu.vector_load %arg5[%get3A_2113] {strides = array<i32>} : memref<128xi32, #tpu.memory_space<vmem>>, vector<16xi32>,
    %get3A_2115 = vector.shape_cast %get3A_2114 : vector<16xi32> to vector<16xi32>
    %mul3A_2116 = arith.constant 128 : i32
    %mul3A_2117 = arith.muli %add3A_2046, %mul3A_2116 : i32
    %add3A_2118 = vector.broadcast %mul3A_2117 : i32 to vector<16xi32>
    %add3A_2119 = arith.addi %add3A_2118, %add3A_2112 : vector<16xi32>
    %mul3A_2120 = arith.constant 512 : i32
    %mul3A_2121 = vector.broadcast %mul3A_2120 : i32 to vector<16xi32>
    %mul3A_2122 = arith.muli %add3A_2119, %mul3A_2121 : vector<16xi32>
    %add3A_2123 = arith.constant 0 : i32
    %add3A_2124 = vector.broadcast %add3A_2123 : i32 to vector<16xi32>
    %add3A_2125 = arith.addi %mul3A_2122, %add3A_2124 : vector<16xi32>
    %add3A_2126 = arith.addi %add3A_2125, %get3A_2115 : vector<16xi32>
    %swap3A_2127 = arith.constant 48 : index
    %swap3A_2128 = tpu.vector_load %arg6[%swap3A_2127] {strides = array<i32>} : memref<512xi32, #tpu.memory_space<vmem>>, vector<16xi32>,
    %swap3A_2129 = vector.shape_cast %swap3A_2128 : vector<16xi32> to vector<16xi32>
    %swap3A_2130 = vector.shape_cast %add3A_2126 : vector<16xi32> to vector<16xi32>
    tpu.vector_store %arg6[%swap3A_2127], %swap3A_2130 {strides = array<i32>} : memref<512xi32, #tpu.memory_space<vmem>>, vector<16xi32>,
    %add3A_2131 = arith.constant 64 : i32
    %add3A_2132 = vector.broadcast %add3A_2131 : i32 to vector<16xi32>
    %add3A_2133 = arith.addi %iota3A, %add3A_2132 : vector<16xi32>
    %get3A_2134 = arith.constant 64 : index
    %get3A_2135 = tpu.vector_load %arg5[%get3A_2134] {strides = array<i32>} : memref<128xi32, #tpu.memory_space<vmem>>, vector<16xi32>,
    %get3A_2136 = vector.shape_cast %get3A_2135 : vector<16xi32> to vector<16xi32>
    %mul3A_2137 = arith.constant 128 : i32
    %mul3A_2138 = arith.muli %add3A_2046, %mul3A_2137 : i32
    %add3A_2139 = vector.broadcast %mul3A_2138 : i32 to vector<16xi32>
    %add3A_2140 = arith.addi %add3A_2139, %add3A_2133 : vector<16xi32>
    %mul3A_2141 = arith.constant 512 : i32
    %mul3A_2142 = vector.broadcast %mul3A_2141 : i32 to vector<16xi32>
    %mul3A_2143 = arith.muli %add3A_2140, %mul3A_2142 : vector<16xi32>
    %add3A_2144 = arith.constant 0 : i32
    %add3A_2145 = vector.broadcast %add3A_2144 : i32 to vector<16xi32>
    %add3A_2146 = arith.addi %mul3A_2143, %add3A_2145 : vector<16xi32>
    %add3A_2147 = arith.addi %add3A_2146, %get3A_2136 : vector<16xi32>
    %swap3A_2148 = arith.constant 64 : index
    %swap3A_2149 = tpu.vector_load %arg6[%swap3A_2148] {strides = array<i32>} : memref<512xi32, #tpu.memory_space<vmem>>, vector<16xi32>,
    %swap3A_2150 = vector.shape_cast %swap3A_2149 : vector<16xi32> to vector<16xi32>
    %swap3A_2151 = vector.shape_cast %add3A_2147 : vector<16xi32> to vector<16xi32>
    tpu.vector_store %arg6[%swap3A_2148], %swap3A_2151 {strides = array<i32>} : memref<512xi32, #tpu.memory_space<vmem>>, vector<16xi32>,
    %add3A_2152 = arith.constant 80 : i32
    %add3A_2153 = vector.broadcast %add3A_2152 : i32 to vector<16xi32>
    %add3A_2154 = arith.addi %iota3A, %add3A_2153 : vector<16xi32>
    %get3A_2155 = arith.constant 80 : index
    %get3A_2156 = tpu.vector_load %arg5[%get3A_2155] {strides = array<i32>} : memref<128xi32, #tpu.memory_space<vmem>>, vector<16xi32>,
    %get3A_2157 = vector.shape_cast %get3A_2156 : vector<16xi32> to vector<16xi32>
    %mul3A_2158 = arith.constant 128 : i32
    %mul3A_2159 = arith.muli %add3A_2046, %mul3A_2158 : i32
    %add3A_2160 = vector.broadcast %mul3A_2159 : i32 to vector<16xi32>
    %add3A_2161 = arith.addi %add3A_2160, %add3A_2154 : vector<16xi32>
    %mul3A_2162 = arith.constant 512 : i32
    %mul3A_2163 = vector.broadcast %mul3A_2162 : i32 to vector<16xi32>
    %mul3A_2164 = arith.muli %add3A_2161, %mul3A_2163 : vector<16xi32>
    %add3A_2165 = arith.constant 0 : i32
    %add3A_2166 = vector.broadcast %add3A_2165 : i32 to vector<16xi32>
    %add3A_2167 = arith.addi %mul3A_2164, %add3A_2166 : vector<16xi32>
    %add3A_2168 = arith.addi %add3A_2167, %get3A_2157 : vector<16xi32>
    %swap3A_2169 = arith.constant 80 : index
    %swap3A_2170 = tpu.vector_load %arg6[%swap3A_2169] {strides = array<i32>} : memref<512xi32, #tpu.memory_space<vmem>>, vector<16xi32>,
    %swap3A_2171 = vector.shape_cast %swap3A_2170 : vector<16xi32> to vector<16xi32>
    %swap3A_2172 = vector.shape_cast %add3A_2168 : vector<16xi32> to vector<16xi32>
    tpu.vector_store %arg6[%swap3A_2169], %swap3A_2172 {strides = array<i32>} : memref<512xi32, #tpu.memory_space<vmem>>, vector<16xi32>,
    %add3A_2173 = arith.constant 96 : i32
    %add3A_2174 = vector.broadcast %add3A_2173 : i32 to vector<16xi32>
    %add3A_2175 = arith.addi %iota3A, %add3A_2174 : vector<16xi32>
    %get3A_2176 = arith.constant 96 : index
    %get3A_2177 = tpu.vector_load %arg5[%get3A_2176] {strides = array<i32>} : memref<128xi32, #tpu.memory_space<vmem>>, vector<16xi32>,
    %get3A_2178 = vector.shape_cast %get3A_2177 : vector<16xi32> to vector<16xi32>
    %mul3A_2179 = arith.constant 128 : i32
    %mul3A_2180 = arith.muli %add3A_2046, %mul3A_2179 : i32
    %add3A_2181 = vector.broadcast %mul3A_2180 : i32 to vector<16xi32>
    %add3A_2182 = arith.addi %add3A_2181, %add3A_2175 : vector<16xi32>
    %mul3A_2183 = arith.constant 512 : i32
    %mul3A_2184 = vector.broadcast %mul3A_2183 : i32 to vector<16xi32>
    %mul3A_2185 = arith.muli %add3A_2182, %mul3A_2184 : vector<16xi32>
    %add3A_2186 = arith.constant 0 : i32
    %add3A_2187 = vector.broadcast %add3A_2186 : i32 to vector<16xi32>
    %add3A_2188 = arith.addi %mul3A_2185, %add3A_2187 : vector<16xi32>
    %add3A_2189 = arith.addi %add3A_2188, %get3A_2178 : vector<16xi32>
    %swap3A_2190 = arith.constant 96 : index
    %swap3A_2191 = tpu.vector_load %arg6[%swap3A_2190] {strides = array<i32>} : memref<512xi32, #tpu.memory_space<vmem>>, vector<16xi32>,
    %swap3A_2192 = vector.shape_cast %swap3A_2191 : vector<16xi32> to vector<16xi32>
    %swap3A_2193 = vector.shape_cast %add3A_2189 : vector<16xi32> to vector<16xi32>
    tpu.vector_store %arg6[%swap3A_2190], %swap3A_2193 {strides = array<i32>} : memref<512xi32, #tpu.memory_space<vmem>>, vector<16xi32>,
    %add3A_2194 = arith.constant 112 : i32
    %add3A_2195 = vector.broadcast %add3A_2194 : i32 to vector<16xi32>
    %add3A_2196 = arith.addi %iota3A, %add3A_2195 : vector<16xi32>
    %get3A_2197 = arith.constant 112 : index
    %get3A_2198 = tpu.vector_load %arg5[%get3A_2197] {strides = array<i32>} : memref<128xi32, #tpu.memory_space<vmem>>, vector<16xi32>,
    %get3A_2199 = vector.shape_cast %get3A_2198 : vector<16xi32> to vector<16xi32>
    %mul3A_2200 = arith.constant 128 : i32
    %mul3A_2201 = arith.muli %add3A_2046, %mul3A_2200 : i32
    %add3A_2202 = vector.broadcast %mul3A_2201 : i32 to vector<16xi32>
    %add3A_2203 = arith.addi %add3A_2202, %add3A_2196 : vector<16xi32>
    %mul3A_2204 = arith.constant 512 : i32
    %mul3A_2205 = vector.broadcast %mul3A_2204 : i32 to vector<16xi32>
    %mul3A_2206 = arith.muli %add3A_2203, %mul3A_2205 : vector<16xi32>
    %add3A_2207 = arith.constant 0 : i32
    %add3A_2208 = vector.broadcast %add3A_2207 : i32 to vector<16xi32>
    %add3A_2209 = arith.addi %mul3A_2206, %add3A_2208 : vector<16xi32>
    %add3A_2210 = arith.addi %add3A_2209, %get3A_2199 : vector<16xi32>
    %swap3A_2211 = arith.constant 112 : index
    %swap3A_2212 = tpu.vector_load %arg6[%swap3A_2211] {strides = array<i32>} : memref<512xi32, #tpu.memory_space<vmem>>, vector<16xi32>,
    %swap3A_2213 = vector.shape_cast %swap3A_2212 : vector<16xi32> to vector<16xi32>
    %swap3A_2214 = vector.shape_cast %add3A_2210 : vector<16xi32> to vector<16xi32>
    tpu.vector_store %arg6[%swap3A_2211], %swap3A_2214 {strides = array<i32>} : memref<512xi32, #tpu.memory_space<vmem>>, vector<16xi32>,
    %add3A_2215 = arith.constant 0 : i32
    %add3A_2216 = vector.broadcast %add3A_2215 : i32 to vector<16xi32>
    %add3A_2217 = arith.addi %iota3A, %add3A_2216 : vector<16xi32>
    %get3A_2218 = arith.constant 0 : index
    %get3A_2219 = tpu.vector_load %arg5[%get3A_2218] {strides = array<i32>} : memref<128xi32, #tpu.memory_space<vmem>>, vector<16xi32>,
    %get3A_2220 = vector.shape_cast %get3A_2219 : vector<16xi32> to vector<16xi32>
    %mul3A_2221 = arith.constant 128 : i32
    %mul3A_2222 = arith.muli %add3A_2046, %mul3A_2221 : i32
    %add3A_2223 = vector.broadcast %mul3A_2222 : i32 to vector<16xi32>
    %add3A_2224 = arith.addi %add3A_2223, %add3A_2217 : vector<16xi32>
    %mul3A_2225 = arith.constant 512 : i32
    %mul3A_2226 = vector.broadcast %mul3A_2225 : i32 to vector<16xi32>
    %mul3A_2227 = arith.muli %add3A_2224, %mul3A_2226 : vector<16xi32>
    %add3A_2228 = arith.constant 128 : i32
    %add3A_2229 = vector.broadcast %add3A_2228 : i32 to vector<16xi32>
    %add3A_2230 = arith.addi %mul3A_2227, %add3A_2229 : vector<16xi32>
    %add3A_2231 = arith.addi %add3A_2230, %get3A_2220 : vector<16xi32>
    %swap3A_2232 = arith.constant 128 : index
    %swap3A_2233 = tpu.vector_load %arg6[%swap3A_2232] {strides = array<i32>} : memref<512xi32, #tpu.memory_space<vmem>>, vector<16xi32>,
    %swap3A_2234 = vector.shape_cast %swap3A_2233 : vector<16xi32> to vector<16xi32>
    %swap3A_2235 = vector.shape_cast %add3A_2231 : vector<16xi32> to vector<16xi32>
    tpu.vector_store %arg6[%swap3A_2232], %swap3A_2235 {strides = array<i32>} : memref<512xi32, #tpu.memory_space<vmem>>, vector<16xi32>,
    %add3A_2236 = arith.constant 16 : i32
    %add3A_2237 = vector.broadcast %add3A_2236 : i32 to vector<16xi32>
    %add3A_2238 = arith.addi %iota3A, %add3A_2237 : vector<16xi32>
    %get3A_2239 = arith.constant 16 : index
    %get3A_2240 = tpu.vector_load %arg5[%get3A_2239] {strides = array<i32>} : memref<128xi32, #tpu.memory_space<vmem>>, vector<16xi32>,
    %get3A_2241 = vector.shape_cast %get3A_2240 : vector<16xi32> to vector<16xi32>
    %mul3A_2242 = arith.constant 128 : i32
    %mul3A_2243 = arith.muli %add3A_2046, %mul3A_2242 : i32
    %add3A_2244 = vector.broadcast %mul3A_2243 : i32 to vector<16xi32>
    %add3A_2245 = arith.addi %add3A_2244, %add3A_2238 : vector<16xi32>
    %mul3A_2246 = arith.constant 512 : i32
    %mul3A_2247 = vector.broadcast %mul3A_2246 : i32 to vector<16xi32>
    %mul3A_2248 = arith.muli %add3A_2245, %mul3A_2247 : vector<16xi32>
    %add3A_2249 = arith.constant 128 : i32
    %add3A_2250 = vector.broadcast %add3A_2249 : i32 to vector<16xi32>
    %add3A_2251 = arith.addi %mul3A_2248, %add3A_2250 : vector<16xi32>
    %add3A_2252 = arith.addi %add3A_2251, %get3A_2241 : vector<16xi32>
    %swap3A_2253 = arith.constant 144 : index
    %swap3A_2254 = tpu.vector_load %arg6[%swap3A_2253] {strides = array<i32>} : memref<512xi32, #tpu.memory_space<vmem>>, vector<16xi32>,
    %swap3A_2255 = vector.shape_cast %swap3A_2254 : vector<16xi32> to vector<16xi32>
    %swap3A_2256 = vector.shape_cast %add3A_2252 : vector<16xi32> to vector<16xi32>
    tpu.vector_store %arg6[%swap3A_2253], %swap3A_2256 {strides = array<i32>} : memref<512xi32, #tpu.memory_space<vmem>>, vector<16xi32>,
    %add3A_2257 = arith.constant 32 : i32
    %add3A_2258 = vector.broadcast %add3A_2257 : i32 to vector<16xi32>
    %add3A_2259 = arith.addi %iota3A, %add3A_2258 : vector<16xi32>
    %get3A_2260 = arith.constant 32 : index
    %get3A_2261 = tpu.vector_load %arg5[%get3A_2260] {strides = array<i32>} : memref<128xi32, #tpu.memory_space<vmem>>, vector<16xi32>,
    %get3A_2262 = vector.shape_cast %get3A_2261 : vector<16xi32> to vector<16xi32>
    %mul3A_2263 = arith.constant 128 : i32
    %mul3A_2264 = arith.muli %add3A_2046, %mul3A_2263 : i32
    %add3A_2265 = vector.broadcast %mul3A_2264 : i32 to vector<16xi32>
    %add3A_2266 = arith.addi %add3A_2265, %add3A_2259 : vector<16xi32>
    %mul3A_2267 = arith.constant 512 : i32
    %mul3A_2268 = vector.broadcast %mul3A_2267 : i32 to vector<16xi32>
    %mul3A_2269 = arith.muli %add3A_2266, %mul3A_2268 : vector<16xi32>
    %add3A_2270 = arith.constant 128 : i32
    %add3A_2271 = vector.broadcast %add3A_2270 : i32 to vector<16xi32>
    %add3A_2272 = arith.addi %mul3A_2269, %add3A_2271 : vector<16xi32>
    %add3A_2273 = arith.addi %add3A_2272, %get3A_2262 : vector<16xi32>
    %swap3A_2274 = arith.constant 160 : index
    %swap3A_2275 = tpu.vector_load %arg6[%swap3A_2274] {strides = array<i32>} : memref<512xi32, #tpu.memory_space<vmem>>, vector<16xi32>,
    %swap3A_2276 = vector.shape_cast %swap3A_2275 : vector<16xi32> to vector<16xi32>
    %swap3A_2277 = vector.shape_cast %add3A_2273 : vector<16xi32> to vector<16xi32>
    tpu.vector_store %arg6[%swap3A_2274], %swap3A_2277 {strides = array<i32>} : memref<512xi32, #tpu.memory_space<vmem>>, vector<16xi32>,
    %add3A_2278 = arith.constant 48 : i32
    %add3A_2279 = vector.broadcast %add3A_2278 : i32 to vector<16xi32>
    %add3A_2280 = arith.addi %iota3A, %add3A_2279 : vector<16xi32>
    %get3A_2281 = arith.constant 48 : index
    %get3A_2282 = tpu.vector_load %arg5[%get3A_2281] {strides = array<i32>} : memref<128xi32, #tpu.memory_space<vmem>>, vector<16xi32>,
    %get3A_2283 = vector.shape_cast %get3A_2282 : vector<16xi32> to vector<16xi32>
    %mul3A_2284 = arith.constant 128 : i32
    %mul3A_2285 = arith.muli %add3A_2046, %mul3A_2284 : i32
    %add3A_2286 = vector.broadcast %mul3A_2285 : i32 to vector<16xi32>
    %add3A_2287 = arith.addi %add3A_2286, %add3A_2280 : vector<16xi32>
    %mul3A_2288 = arith.constant 512 : i32
    %mul3A_2289 = vector.broadcast %mul3A_2288 : i32 to vector<16xi32>
    %mul3A_2290 = arith.muli %add3A_2287, %mul3A_2289 : vector<16xi32>
    %add3A_2291 = arith.constant 128 : i32
    %add3A_2292 = vector.broadcast %add3A_2291 : i32 to vector<16xi32>
    %add3A_2293 = arith.addi %mul3A_2290, %add3A_2292 : vector<16xi32>
    %add3A_2294 = arith.addi %add3A_2293, %get3A_2283 : vector<16xi32>
    %swap3A_2295 = arith.constant 176 : index
    %swap3A_2296 = tpu.vector_load %arg6[%swap3A_2295] {strides = array<i32>} : memref<512xi32, #tpu.memory_space<vmem>>, vector<16xi32>,
    %swap3A_2297 = vector.shape_cast %swap3A_2296 : vector<16xi32> to vector<16xi32>
    %swap3A_2298 = vector.shape_cast %add3A_2294 : vector<16xi32> to vector<16xi32>
    tpu.vector_store %arg6[%swap3A_2295], %swap3A_2298 {strides = array<i32>} : memref<512xi32, #tpu.memory_space<vmem>>, vector<16xi32>,
    %add3A_2299 = arith.constant 64 : i32
    %add3A_2300 = vector.broadcast %add3A_2299 : i32 to vector<16xi32>
    %add3A_2301 = arith.addi %iota3A, %add3A_2300 : vector<16xi32>
    %get3A_2302 = arith.constant 64 : index
    %get3A_2303 = tpu.vector_load %arg5[%get3A_2302] {strides = array<i32>} : memref<128xi32, #tpu.memory_space<vmem>>, vector<16xi32>,
    %get3A_2304 = vector.shape_cast %get3A_2303 : vector<16xi32> to vector<16xi32>
    %mul3A_2305 = arith.constant 128 : i32
    %mul3A_2306 = arith.muli %add3A_2046, %mul3A_2305 : i32
    %add3A_2307 = vector.broadcast %mul3A_2306 : i32 to vector<16xi32>
    %add3A_2308 = arith.addi %add3A_2307, %add3A_2301 : vector<16xi32>
    %mul3A_2309 = arith.constant 512 : i32
    %mul3A_2310 = vector.broadcast %mul3A_2309 : i32 to vector<16xi32>
    %mul3A_2311 = arith.muli %add3A_2308, %mul3A_2310 : vector<16xi32>
    %add3A_2312 = arith.constant 128 : i32
    %add3A_2313 = vector.broadcast %add3A_2312 : i32 to vector<16xi32>
    %add3A_2314 = arith.addi %mul3A_2311, %add3A_2313 : vector<16xi32>
    %add3A_2315 = arith.addi %add3A_2314, %get3A_2304 : vector<16xi32>
    %swap3A_2316 = arith.constant 192 : index
    %swap3A_2317 = tpu.vector_load %arg6[%swap3A_2316] {strides = array<i32>} : memref<512xi32, #tpu.memory_space<vmem>>, vector<16xi32>,
    %swap3A_2318 = vector.shape_cast %swap3A_2317 : vector<16xi32> to vector<16xi32>
    %swap3A_2319 = vector.shape_cast %add3A_2315 : vector<16xi32> to vector<16xi32>
    tpu.vector_store %arg6[%swap3A_2316], %swap3A_2319 {strides = array<i32>} : memref<512xi32, #tpu.memory_space<vmem>>, vector<16xi32>,
    %add3A_2320 = arith.constant 80 : i32
    %add3A_2321 = vector.broadcast %add3A_2320 : i32 to vector<16xi32>
    %add3A_2322 = arith.addi %iota3A, %add3A_2321 : vector<16xi32>
    %get3A_2323 = arith.constant 80 : index
    %get3A_2324 = tpu.vector_load %arg5[%get3A_2323] {strides = array<i32>} : memref<128xi32, #tpu.memory_space<vmem>>, vector<16xi32>,
    %get3A_2325 = vector.shape_cast %get3A_2324 : vector<16xi32> to vector<16xi32>
    %mul3A_2326 = arith.constant 128 : i32
    %mul3A_2327 = arith.muli %add3A_2046, %mul3A_2326 : i32
    %add3A_2328 = vector.broadcast %mul3A_2327 : i32 to vector<16xi32>
    %add3A_2329 = arith.addi %add3A_2328, %add3A_2322 : vector<16xi32>
    %mul3A_2330 = arith.constant 512 : i32
    %mul3A_2331 = vector.broadcast %mul3A_2330 : i32 to vector<16xi32>
    %mul3A_2332 = arith.muli %add3A_2329, %mul3A_2331 : vector<16xi32>
    %add3A_2333 = arith.constant 128 : i32
    %add3A_2334 = vector.broadcast %add3A_2333 : i32 to vector<16xi32>
    %add3A_2335 = arith.addi %mul3A_2332, %add3A_2334 : vector<16xi32>
    %add3A_2336 = arith.addi %add3A_2335, %get3A_2325 : vector<16xi32>
    %swap3A_2337 = arith.constant 208 : index
    %swap3A_2338 = tpu.vector_load %arg6[%swap3A_2337] {strides = array<i32>} : memref<512xi32, #tpu.memory_space<vmem>>, vector<16xi32>,
    %swap3A_2339 = vector.shape_cast %swap3A_2338 : vector<16xi32> to vector<16xi32>
    %swap3A_2340 = vector.shape_cast %add3A_2336 : vector<16xi32> to vector<16xi32>
    tpu.vector_store %arg6[%swap3A_2337], %swap3A_2340 {strides = array<i32>} : memref<512xi32, #tpu.memory_space<vmem>>, vector<16xi32>,
    %add3A_2341 = arith.constant 96 : i32
    %add3A_2342 = vector.broadcast %add3A_2341 : i32 to vector<16xi32>
    %add3A_2343 = arith.addi %iota3A, %add3A_2342 : vector<16xi32>
    %get3A_2344 = arith.constant 96 : index
    %get3A_2345 = tpu.vector_load %arg5[%get3A_2344] {strides = array<i32>} : memref<128xi32, #tpu.memory_space<vmem>>, vector<16xi32>,
    %get3A_2346 = vector.shape_cast %get3A_2345 : vector<16xi32> to vector<16xi32>
    %mul3A_2347 = arith.constant 128 : i32
    %mul3A_2348 = arith.muli %add3A_2046, %mul3A_2347 : i32
    %add3A_2349 = vector.broadcast %mul3A_2348 : i32 to vector<16xi32>
    %add3A_2350 = arith.addi %add3A_2349, %add3A_2343 : vector<16xi32>
    %mul3A_2351 = arith.constant 512 : i32
    %mul3A_2352 = vector.broadcast %mul3A_2351 : i32 to vector<16xi32>
    %mul3A_2353 = arith.muli %add3A_2350, %mul3A_2352 : vector<16xi32>
    %add3A_2354 = arith.constant 128 : i32
    %add3A_2355 = vector.broadcast %add3A_2354 : i32 to vector<16xi32>
    %add3A_2356 = arith.addi %mul3A_2353, %add3A_2355 : vector<16xi32>
    %add3A_2357 = arith.addi %add3A_2356, %get3A_2346 : vector<16xi32>
    %swap3A_2358 = arith.constant 224 : index
    %swap3A_2359 = tpu.vector_load %arg6[%swap3A_2358] {strides = array<i32>} : memref<512xi32, #tpu.memory_space<vmem>>, vector<16xi32>,
    %swap3A_2360 = vector.shape_cast %swap3A_2359 : vector<16xi32> to vector<16xi32>
    %swap3A_2361 = vector.shape_cast %add3A_2357 : vector<16xi32> to vector<16xi32>
    tpu.vector_store %arg6[%swap3A_2358], %swap3A_2361 {strides = array<i32>} : memref<512xi32, #tpu.memory_space<vmem>>, vector<16xi32>,
    %add3A_2362 = arith.constant 112 : i32
    %add3A_2363 = vector.broadcast %add3A_2362 : i32 to vector<16xi32>
    %add3A_2364 = arith.addi %iota3A, %add3A_2363 : vector<16xi32>
    %get3A_2365 = arith.constant 112 : index
    %get3A_2366 = tpu.vector_load %arg5[%get3A_2365] {strides = array<i32>} : memref<128xi32, #tpu.memory_space<vmem>>, vector<16xi32>,
    %get3A_2367 = vector.shape_cast %get3A_2366 : vector<16xi32> to vector<16xi32>
    %mul3A_2368 = arith.constant 128 : i32
    %mul3A_2369 = arith.muli %add3A_2046, %mul3A_2368 : i32
    %add3A_2370 = vector.broadcast %mul3A_2369 : i32 to vector<16xi32>
    %add3A_2371 = arith.addi %add3A_2370, %add3A_2364 : vector<16xi32>
    %mul3A_2372 = arith.constant 512 : i32
    %mul3A_2373 = vector.broadcast %mul3A_2372 : i32 to vector<16xi32>
    %mul3A_2374 = arith.muli %add3A_2371, %mul3A_2373 : vector<16xi32>
    %add3A_2375 = arith.constant 128 : i32
    %add3A_2376 = vector.broadcast %add3A_2375 : i32 to vector<16xi32>
    %add3A_2377 = arith.addi %mul3A_2374, %add3A_2376 : vector<16xi32>
    %add3A_2378 = arith.addi %add3A_2377, %get3A_2367 : vector<16xi32>
    %swap3A_2379 = arith.constant 240 : index
    %swap3A_2380 = tpu.vector_load %arg6[%swap3A_2379] {strides = array<i32>} : memref<512xi32, #tpu.memory_space<vmem>>, vector<16xi32>,
    %swap3A_2381 = vector.shape_cast %swap3A_2380 : vector<16xi32> to vector<16xi32>
    %swap3A_2382 = vector.shape_cast %add3A_2378 : vector<16xi32> to vector<16xi32>
    tpu.vector_store %arg6[%swap3A_2379], %swap3A_2382 {strides = array<i32>} : memref<512xi32, #tpu.memory_space<vmem>>, vector<16xi32>,
    %add3A_2383 = arith.constant 0 : i32
    %add3A_2384 = vector.broadcast %add3A_2383 : i32 to vector<16xi32>
    %add3A_2385 = arith.addi %iota3A, %add3A_2384 : vector<16xi32>
    %get3A_2386 = arith.constant 0 : index
    %get3A_2387 = tpu.vector_load %arg5[%get3A_2386] {strides = array<i32>} : memref<128xi32, #tpu.memory_space<vmem>>, vector<16xi32>,
    %get3A_2388 = vector.shape_cast %get3A_2387 : vector<16xi32> to vector<16xi32>
    %mul3A_2389 = arith.constant 128 : i32
    %mul3A_2390 = arith.muli %add3A_2046, %mul3A_2389 : i32
    %add3A_2391 = vector.broadcast %mul3A_2390 : i32 to vector<16xi32>
    %add3A_2392 = arith.addi %add3A_2391, %add3A_2385 : vector<16xi32>
    %mul3A_2393 = arith.constant 512 : i32
    %mul3A_2394 = vector.broadcast %mul3A_2393 : i32 to vector<16xi32>
    %mul3A_2395 = arith.muli %add3A_2392, %mul3A_2394 : vector<16xi32>
    %add3A_2396 = arith.constant 256 : i32
    %add3A_2397 = vector.broadcast %add3A_2396 : i32 to vector<16xi32>
    %add3A_2398 = arith.addi %mul3A_2395, %add3A_2397 : vector<16xi32>
    %add3A_2399 = arith.addi %add3A_2398, %get3A_2388 : vector<16xi32>
    %swap3A_2400 = arith.constant 256 : index
    %swap3A_2401 = tpu.vector_load %arg6[%swap3A_2400] {strides = array<i32>} : memref<512xi32, #tpu.memory_space<vmem>>, vector<16xi32>,
    %swap3A_2402 = vector.shape_cast %swap3A_2401 : vector<16xi32> to vector<16xi32>
    %swap3A_2403 = vector.shape_cast %add3A_2399 : vector<16xi32> to vector<16xi32>
    tpu.vector_store %arg6[%swap3A_2400], %swap3A_2403 {strides = array<i32>} : memref<512xi32, #tpu.memory_space<vmem>>, vector<16xi32>,
    %add3A_2404 = arith.constant 16 : i32
    %add3A_2405 = vector.broadcast %add3A_2404 : i32 to vector<16xi32>
    %add3A_2406 = arith.addi %iota3A, %add3A_2405 : vector<16xi32>
    %get3A_2407 = arith.constant 16 : index
    %get3A_2408 = tpu.vector_load %arg5[%get3A_2407] {strides = array<i32>} : memref<128xi32, #tpu.memory_space<vmem>>, vector<16xi32>,
    %get3A_2409 = vector.shape_cast %get3A_2408 : vector<16xi32> to vector<16xi32>
    %mul3A_2410 = arith.constant 128 : i32
    %mul3A_2411 = arith.muli %add3A_2046, %mul3A_2410 : i32
    %add3A_2412 = vector.broadcast %mul3A_2411 : i32 to vector<16xi32>
    %add3A_2413 = arith.addi %add3A_2412, %add3A_2406 : vector<16xi32>
    %mul3A_2414 = arith.constant 512 : i32
    %mul3A_2415 = vector.broadcast %mul3A_2414 : i32 to vector<16xi32>
    %mul3A_2416 = arith.muli %add3A_2413, %mul3A_2415 : vector<16xi32>
    %add3A_2417 = arith.constant 256 : i32
    %add3A_2418 = vector.broadcast %add3A_2417 : i32 to vector<16xi32>
    %add3A_2419 = arith.addi %mul3A_2416, %add3A_2418 : vector<16xi32>
    %add3A_2420 = arith.addi %add3A_2419, %get3A_2409 : vector<16xi32>
    %swap3A_2421 = arith.constant 272 : index
    %swap3A_2422 = tpu.vector_load %arg6[%swap3A_2421] {strides = array<i32>} : memref<512xi32, #tpu.memory_space<vmem>>, vector<16xi32>,
    %swap3A_2423 = vector.shape_cast %swap3A_2422 : vector<16xi32> to vector<16xi32>
    %swap3A_2424 = vector.shape_cast %add3A_2420 : vector<16xi32> to vector<16xi32>
    tpu.vector_store %arg6[%swap3A_2421], %swap3A_2424 {strides = array<i32>} : memref<512xi32, #tpu.memory_space<vmem>>, vector<16xi32>,
    %add3A_2425 = arith.constant 32 : i32
    %add3A_2426 = vector.broadcast %add3A_2425 : i32 to vector<16xi32>
    %add3A_2427 = arith.addi %iota3A, %add3A_2426 : vector<16xi32>
    %get3A_2428 = arith.constant 32 : index
    %get3A_2429 = tpu.vector_load %arg5[%get3A_2428] {strides = array<i32>} : memref<128xi32, #tpu.memory_space<vmem>>, vector<16xi32>,
    %get3A_2430 = vector.shape_cast %get3A_2429 : vector<16xi32> to vector<16xi32>
    %mul3A_2431 = arith.constant 128 : i32
    %mul3A_2432 = arith.muli %add3A_2046, %mul3A_2431 : i32
    %add3A_2433 = vector.broadcast %mul3A_2432 : i32 to vector<16xi32>
    %add3A_2434 = arith.addi %add3A_2433, %add3A_2427 : vector<16xi32>
    %mul3A_2435 = arith.constant 512 : i32
    %mul3A_2436 = vector.broadcast %mul3A_2435 : i32 to vector<16xi32>
    %mul3A_2437 = arith.muli %add3A_2434, %mul3A_2436 : vector<16xi32>
    %add3A_2438 = arith.constant 256 : i32
    %add3A_2439 = vector.broadcast %add3A_2438 : i32 to vector<16xi32>
    %add3A_2440 = arith.addi %mul3A_2437, %add3A_2439 : vector<16xi32>
    %add3A_2441 = arith.addi %add3A_2440, %get3A_2430 : vector<16xi32>
    %swap3A_2442 = arith.constant 288 : index
    %swap3A_2443 = tpu.vector_load %arg6[%swap3A_2442] {strides = array<i32>} : memref<512xi32, #tpu.memory_space<vmem>>, vector<16xi32>,
    %swap3A_2444 = vector.shape_cast %swap3A_2443 : vector<16xi32> to vector<16xi32>
    %swap3A_2445 = vector.shape_cast %add3A_2441 : vector<16xi32> to vector<16xi32>
    tpu.vector_store %arg6[%swap3A_2442], %swap3A_2445 {strides = array<i32>} : memref<512xi32, #tpu.memory_space<vmem>>, vector<16xi32>,
    %add3A_2446 = arith.constant 48 : i32
    %add3A_2447 = vector.broadcast %add3A_2446 : i32 to vector<16xi32>
    %add3A_2448 = arith.addi %iota3A, %add3A_2447 : vector<16xi32>
    %get3A_2449 = arith.constant 48 : index
    %get3A_2450 = tpu.vector_load %arg5[%get3A_2449] {strides = array<i32>} : memref<128xi32, #tpu.memory_space<vmem>>, vector<16xi32>,
    %get3A_2451 = vector.shape_cast %get3A_2450 : vector<16xi32> to vector<16xi32>
    %mul3A_2452 = arith.constant 128 : i32
    %mul3A_2453 = arith.muli %add3A_2046, %mul3A_2452 : i32
    %add3A_2454 = vector.broadcast %mul3A_2453 : i32 to vector<16xi32>
    %add3A_2455 = arith.addi %add3A_2454, %add3A_2448 : vector<16xi32>
    %mul3A_2456 = arith.constant 512 : i32
    %mul3A_2457 = vector.broadcast %mul3A_2456 : i32 to vector<16xi32>
    %mul3A_2458 = arith.muli %add3A_2455, %mul3A_2457 : vector<16xi32>
    %add3A_2459 = arith.constant 256 : i32
    %add3A_2460 = vector.broadcast %add3A_2459 : i32 to vector<16xi32>
    %add3A_2461 = arith.addi %mul3A_2458, %add3A_2460 : vector<16xi32>
    %add3A_2462 = arith.addi %add3A_2461, %get3A_2451 : vector<16xi32>
    %swap3A_2463 = arith.constant 304 : index
    %swap3A_2464 = tpu.vector_load %arg6[%swap3A_2463] {strides = array<i32>} : memref<512xi32, #tpu.memory_space<vmem>>, vector<16xi32>,
    %swap3A_2465 = vector.shape_cast %swap3A_2464 : vector<16xi32> to vector<16xi32>
    %swap3A_2466 = vector.shape_cast %add3A_2462 : vector<16xi32> to vector<16xi32>
    tpu.vector_store %arg6[%swap3A_2463], %swap3A_2466 {strides = array<i32>} : memref<512xi32, #tpu.memory_space<vmem>>, vector<16xi32>,
    %add3A_2467 = arith.constant 64 : i32
    %add3A_2468 = vector.broadcast %add3A_2467 : i32 to vector<16xi32>
    %add3A_2469 = arith.addi %iota3A, %add3A_2468 : vector<16xi32>
    %get3A_2470 = arith.constant 64 : index
    %get3A_2471 = tpu.vector_load %arg5[%get3A_2470] {strides = array<i32>} : memref<128xi32, #tpu.memory_space<vmem>>, vector<16xi32>,
    %get3A_2472 = vector.shape_cast %get3A_2471 : vector<16xi32> to vector<16xi32>
    %mul3A_2473 = arith.constant 128 : i32
    %mul3A_2474 = arith.muli %add3A_2046, %mul3A_2473 : i32
    %add3A_2475 = vector.broadcast %mul3A_2474 : i32 to vector<16xi32>
    %add3A_2476 = arith.addi %add3A_2475, %add3A_2469 : vector<16xi32>
    %mul3A_2477 = arith.constant 512 : i32
    %mul3A_2478 = vector.broadcast %mul3A_2477 : i32 to vector<16xi32>
    %mul3A_2479 = arith.muli %add3A_2476, %mul3A_2478 : vector<16xi32>
    %add3A_2480 = arith.constant 256 : i32
    %add3A_2481 = vector.broadcast %add3A_2480 : i32 to vector<16xi32>
    %add3A_2482 = arith.addi %mul3A_2479, %add3A_2481 : vector<16xi32>
    %add3A_2483 = arith.addi %add3A_2482, %get3A_2472 : vector<16xi32>
    %swap3A_2484 = arith.constant 320 : index
    %swap3A_2485 = tpu.vector_load %arg6[%swap3A_2484] {strides = array<i32>} : memref<512xi32, #tpu.memory_space<vmem>>, vector<16xi32>,
    %swap3A_2486 = vector.shape_cast %swap3A_2485 : vector<16xi32> to vector<16xi32>
    %swap3A_2487 = vector.shape_cast %add3A_2483 : vector<16xi32> to vector<16xi32>
    tpu.vector_store %arg6[%swap3A_2484], %swap3A_2487 {strides = array<i32>} : memref<512xi32, #tpu.memory_space<vmem>>, vector<16xi32>,
    %add3A_2488 = arith.constant 80 : i32
    %add3A_2489 = vector.broadcast %add3A_2488 : i32 to vector<16xi32>
    %add3A_2490 = arith.addi %iota3A, %add3A_2489 : vector<16xi32>
    %get3A_2491 = arith.constant 80 : index
    %get3A_2492 = tpu.vector_load %arg5[%get3A_2491] {strides = array<i32>} : memref<128xi32, #tpu.memory_space<vmem>>, vector<16xi32>,
    %get3A_2493 = vector.shape_cast %get3A_2492 : vector<16xi32> to vector<16xi32>
    %mul3A_2494 = arith.constant 128 : i32
    %mul3A_2495 = arith.muli %add3A_2046, %mul3A_2494 : i32
    %add3A_2496 = vector.broadcast %mul3A_2495 : i32 to vector<16xi32>
    %add3A_2497 = arith.addi %add3A_2496, %add3A_2490 : vector<16xi32>
    %mul3A_2498 = arith.constant 512 : i32
    %mul3A_2499 = vector.broadcast %mul3A_2498 : i32 to vector<16xi32>
    %mul3A_2500 = arith.muli %add3A_2497, %mul3A_2499 : vector<16xi32>
    %add3A_2501 = arith.constant 256 : i32
    %add3A_2502 = vector.broadcast %add3A_2501 : i32 to vector<16xi32>
    %add3A_2503 = arith.addi %mul3A_2500, %add3A_2502 : vector<16xi32>
    %add3A_2504 = arith.addi %add3A_2503, %get3A_2493 : vector<16xi32>
    %swap3A_2505 = arith.constant 336 : index
    %swap3A_2506 = tpu.vector_load %arg6[%swap3A_2505] {strides = array<i32>} : memref<512xi32, #tpu.memory_space<vmem>>, vector<16xi32>,
    %swap3A_2507 = vector.shape_cast %swap3A_2506 : vector<16xi32> to vector<16xi32>
    %swap3A_2508 = vector.shape_cast %add3A_2504 : vector<16xi32> to vector<16xi32>
    tpu.vector_store %arg6[%swap3A_2505], %swap3A_2508 {strides = array<i32>} : memref<512xi32, #tpu.memory_space<vmem>>, vector<16xi32>,
    %add3A_2509 = arith.constant 96 : i32
    %add3A_2510 = vector.broadcast %add3A_2509 : i32 to vector<16xi32>
    %add3A_2511 = arith.addi %iota3A, %add3A_2510 : vector<16xi32>
    %get3A_2512 = arith.constant 96 : index
    %get3A_2513 = tpu.vector_load %arg5[%get3A_2512] {strides = array<i32>} : memref<128xi32, #tpu.memory_space<vmem>>, vector<16xi32>,
    %get3A_2514 = vector.shape_cast %get3A_2513 : vector<16xi32> to vector<16xi32>
    %mul3A_2515 = arith.constant 128 : i32
    %mul3A_2516 = arith.muli %add3A_2046, %mul3A_2515 : i32
    %add3A_2517 = vector.broadcast %mul3A_2516 : i32 to vector<16xi32>
    %add3A_2518 = arith.addi %add3A_2517, %add3A_2511 : vector<16xi32>
    %mul3A_2519 = arith.constant 512 : i32
    %mul3A_2520 = vector.broadcast %mul3A_2519 : i32 to vector<16xi32>
    %mul3A_2521 = arith.muli %add3A_2518, %mul3A_2520 : vector<16xi32>
    %add3A_2522 = arith.constant 256 : i32
    %add3A_2523 = vector.broadcast %add3A_2522 : i32 to vector<16xi32>
    %add3A_2524 = arith.addi %mul3A_2521, %add3A_2523 : vector<16xi32>
    %add3A_2525 = arith.addi %add3A_2524, %get3A_2514 : vector<16xi32>
    %swap3A_2526 = arith.constant 352 : index
    %swap3A_2527 = tpu.vector_load %arg6[%swap3A_2526] {strides = array<i32>} : memref<512xi32, #tpu.memory_space<vmem>>, vector<16xi32>,
    %swap3A_2528 = vector.shape_cast %swap3A_2527 : vector<16xi32> to vector<16xi32>
    %swap3A_2529 = vector.shape_cast %add3A_2525 : vector<16xi32> to vector<16xi32>
    tpu.vector_store %arg6[%swap3A_2526], %swap3A_2529 {strides = array<i32>} : memref<512xi32, #tpu.memory_space<vmem>>, vector<16xi32>,
    %add3A_2530 = arith.constant 112 : i32
    %add3A_2531 = vector.broadcast %add3A_2530 : i32 to vector<16xi32>
    %add3A_2532 = arith.addi %iota3A, %add3A_2531 : vector<16xi32>
    %get3A_2533 = arith.constant 112 : index
    %get3A_2534 = tpu.vector_load %arg5[%get3A_2533] {strides = array<i32>} : memref<128xi32, #tpu.memory_space<vmem>>, vector<16xi32>,
    %get3A_2535 = vector.shape_cast %get3A_2534 : vector<16xi32> to vector<16xi32>
    %mul3A_2536 = arith.constant 128 : i32
    %mul3A_2537 = arith.muli %add3A_2046, %mul3A_2536 : i32
    %add3A_2538 = vector.broadcast %mul3A_2537 : i32 to vector<16xi32>
    %add3A_2539 = arith.addi %add3A_2538, %add3A_2532 : vector<16xi32>
    %mul3A_2540 = arith.constant 512 : i32
    %mul3A_2541 = vector.broadcast %mul3A_2540 : i32 to vector<16xi32>
    %mul3A_2542 = arith.muli %add3A_2539, %mul3A_2541 : vector<16xi32>
    %add3A_2543 = arith.constant 256 : i32
    %add3A_2544 = vector.broadcast %add3A_2543 : i32 to vector<16xi32>
    %add3A_2545 = arith.addi %mul3A_2542, %add3A_2544 : vector<16xi32>
    %add3A_2546 = arith.addi %add3A_2545, %get3A_2535 : vector<16xi32>
    %swap3A_2547 = arith.constant 368 : index
    %swap3A_2548 = tpu.vector_load %arg6[%swap3A_2547] {strides = array<i32>} : memref<512xi32, #tpu.memory_space<vmem>>, vector<16xi32>,
    %swap3A_2549 = vector.shape_cast %swap3A_2548 : vector<16xi32> to vector<16xi32>
    %swap3A_2550 = vector.shape_cast %add3A_2546 : vector<16xi32> to vector<16xi32>
    tpu.vector_store %arg6[%swap3A_2547], %swap3A_2550 {strides = array<i32>} : memref<512xi32, #tpu.memory_space<vmem>>, vector<16xi32>,
    %add3A_2551 = arith.constant 0 : i32
    %add3A_2552 = vector.broadcast %add3A_2551 : i32 to vector<16xi32>
    %add3A_2553 = arith.addi %iota3A, %add3A_2552 : vector<16xi32>
    %get3A_2554 = arith.constant 0 : index
    %get3A_2555 = tpu.vector_load %arg5[%get3A_2554] {strides = array<i32>} : memref<128xi32, #tpu.memory_space<vmem>>, vector<16xi32>,
    %get3A_2556 = vector.shape_cast %get3A_2555 : vector<16xi32> to vector<16xi32>
    %mul3A_2557 = arith.constant 128 : i32
    %mul3A_2558 = arith.muli %add3A_2046, %mul3A_2557 : i32
    %add3A_2559 = vector.broadcast %mul3A_2558 : i32 to vector<16xi32>
    %add3A_2560 = arith.addi %add3A_2559, %add3A_2553 : vector<16xi32>
    %mul3A_2561 = arith.constant 512 : i32
    %mul3A_2562 = vector.broadcast %mul3A_2561 : i32 to vector<16xi32>
    %mul3A_2563 = arith.muli %add3A_2560, %mul3A_2562 : vector<16xi32>
    %add3A_2564 = arith.constant 384 : i32
    %add3A_2565 = vector.broadcast %add3A_2564 : i32 to vector<16xi32>
    %add3A_2566 = arith.addi %mul3A_2563, %add3A_2565 : vector<16xi32>
    %add3A_2567 = arith.addi %add3A_2566, %get3A_2556 : vector<16xi32>
    %swap3A_2568 = arith.constant 384 : index
    %swap3A_2569 = tpu.vector_load %arg6[%swap3A_2568] {strides = array<i32>} : memref<512xi32, #tpu.memory_space<vmem>>, vector<16xi32>,
    %swap3A_2570 = vector.shape_cast %swap3A_2569 : vector<16xi32> to vector<16xi32>
    %swap3A_2571 = vector.shape_cast %add3A_2567 : vector<16xi32> to vector<16xi32>
    tpu.vector_store %arg6[%swap3A_2568], %swap3A_2571 {strides = array<i32>} : memref<512xi32, #tpu.memory_space<vmem>>, vector<16xi32>,
    %add3A_2572 = arith.constant 16 : i32
    %add3A_2573 = vector.broadcast %add3A_2572 : i32 to vector<16xi32>
    %add3A_2574 = arith.addi %iota3A, %add3A_2573 : vector<16xi32>
    %get3A_2575 = arith.constant 16 : index
    %get3A_2576 = tpu.vector_load %arg5[%get3A_2575] {strides = array<i32>} : memref<128xi32, #tpu.memory_space<vmem>>, vector<16xi32>,
    %get3A_2577 = vector.shape_cast %get3A_2576 : vector<16xi32> to vector<16xi32>
    %mul3A_2578 = arith.constant 128 : i32
    %mul3A_2579 = arith.muli %add3A_2046, %mul3A_2578 : i32
    %add3A_2580 = vector.broadcast %mul3A_2579 : i32 to vector<16xi32>
    %add3A_2581 = arith.addi %add3A_2580, %add3A_2574 : vector<16xi32>
    %mul3A_2582 = arith.constant 512 : i32
    %mul3A_2583 = vector.broadcast %mul3A_2582 : i32 to vector<16xi32>
    %mul3A_2584 = arith.muli %add3A_2581, %mul3A_2583 : vector<16xi32>
    %add3A_2585 = arith.constant 384 : i32
    %add3A_2586 = vector.broadcast %add3A_2585 : i32 to vector<16xi32>
    %add3A_2587 = arith.addi %mul3A_2584, %add3A_2586 : vector<16xi32>
    %add3A_2588 = arith.addi %add3A_2587, %get3A_2577 : vector<16xi32>
    %swap3A_2589 = arith.constant 400 : index
    %swap3A_2590 = tpu.vector_load %arg6[%swap3A_2589] {strides = array<i32>} : memref<512xi32, #tpu.memory_space<vmem>>, vector<16xi32>,
    %swap3A_2591 = vector.shape_cast %swap3A_2590 : vector<16xi32> to vector<16xi32>
    %swap3A_2592 = vector.shape_cast %add3A_2588 : vector<16xi32> to vector<16xi32>
    tpu.vector_store %arg6[%swap3A_2589], %swap3A_2592 {strides = array<i32>} : memref<512xi32, #tpu.memory_space<vmem>>, vector<16xi32>,
    %add3A_2593 = arith.constant 32 : i32
    %add3A_2594 = vector.broadcast %add3A_2593 : i32 to vector<16xi32>
    %add3A_2595 = arith.addi %iota3A, %add3A_2594 : vector<16xi32>
    %get3A_2596 = arith.constant 32 : index
    %get3A_2597 = tpu.vector_load %arg5[%get3A_2596] {strides = array<i32>} : memref<128xi32, #tpu.memory_space<vmem>>, vector<16xi32>,
    %get3A_2598 = vector.shape_cast %get3A_2597 : vector<16xi32> to vector<16xi32>
    %mul3A_2599 = arith.constant 128 : i32
    %mul3A_2600 = arith.muli %add3A_2046, %mul3A_2599 : i32
    %add3A_2601 = vector.broadcast %mul3A_2600 : i32 to vector<16xi32>
    %add3A_2602 = arith.addi %add3A_2601, %add3A_2595 : vector<16xi32>
    %mul3A_2603 = arith.constant 512 : i32
    %mul3A_2604 = vector.broadcast %mul3A_2603 : i32 to vector<16xi32>
    %mul3A_2605 = arith.muli %add3A_2602, %mul3A_2604 : vector<16xi32>
    %add3A_2606 = arith.constant 384 : i32
    %add3A_2607 = vector.broadcast %add3A_2606 : i32 to vector<16xi32>
    %add3A_2608 = arith.addi %mul3A_2605, %add3A_2607 : vector<16xi32>
    %add3A_2609 = arith.addi %add3A_2608, %get3A_2598 : vector<16xi32>
    %swap3A_2610 = arith.constant 416 : index
    %swap3A_2611 = tpu.vector_load %arg6[%swap3A_2610] {strides = array<i32>} : memref<512xi32, #tpu.memory_space<vmem>>, vector<16xi32>,
    %swap3A_2612 = vector.shape_cast %swap3A_2611 : vector<16xi32> to vector<16xi32>
    %swap3A_2613 = vector.shape_cast %add3A_2609 : vector<16xi32> to vector<16xi32>
    tpu.vector_store %arg6[%swap3A_2610], %swap3A_2613 {strides = array<i32>} : memref<512xi32, #tpu.memory_space<vmem>>, vector<16xi32>,
    %add3A_2614 = arith.constant 48 : i32
    %add3A_2615 = vector.broadcast %add3A_2614 : i32 to vector<16xi32>
    %add3A_2616 = arith.addi %iota3A, %add3A_2615 : vector<16xi32>
    %get3A_2617 = arith.constant 48 : index
    %get3A_2618 = tpu.vector_load %arg5[%get3A_2617] {strides = array<i32>} : memref<128xi32, #tpu.memory_space<vmem>>, vector<16xi32>,
    %get3A_2619 = vector.shape_cast %get3A_2618 : vector<16xi32> to vector<16xi32>
    %mul3A_2620 = arith.constant 128 : i32
    %mul3A_2621 = arith.muli %add3A_2046, %mul3A_2620 : i32
    %add3A_2622 = vector.broadcast %mul3A_2621 : i32 to vector<16xi32>
    %add3A_2623 = arith.addi %add3A_2622, %add3A_2616 : vector<16xi32>
    %mul3A_2624 = arith.constant 512 : i32
    %mul3A_2625 = vector.broadcast %mul3A_2624 : i32 to vector<16xi32>
    %mul3A_2626 = arith.muli %add3A_2623, %mul3A_2625 : vector<16xi32>
    %add3A_2627 = arith.constant 384 : i32
    %add3A_2628 = vector.broadcast %add3A_2627 : i32 to vector<16xi32>
    %add3A_2629 = arith.addi %mul3A_2626, %add3A_2628 : vector<16xi32>
    %add3A_2630 = arith.addi %add3A_2629, %get3A_2619 : vector<16xi32>
    %swap3A_2631 = arith.constant 432 : index
    %swap3A_2632 = tpu.vector_load %arg6[%swap3A_2631] {strides = array<i32>} : memref<512xi32, #tpu.memory_space<vmem>>, vector<16xi32>,
    %swap3A_2633 = vector.shape_cast %swap3A_2632 : vector<16xi32> to vector<16xi32>
    %swap3A_2634 = vector.shape_cast %add3A_2630 : vector<16xi32> to vector<16xi32>
    tpu.vector_store %arg6[%swap3A_2631], %swap3A_2634 {strides = array<i32>} : memref<512xi32, #tpu.memory_space<vmem>>, vector<16xi32>,
    %add3A_2635 = arith.constant 64 : i32
    %add3A_2636 = vector.broadcast %add3A_2635 : i32 to vector<16xi32>
    %add3A_2637 = arith.addi %iota3A, %add3A_2636 : vector<16xi32>
    %get3A_2638 = arith.constant 64 : index
    %get3A_2639 = tpu.vector_load %arg5[%get3A_2638] {strides = array<i32>} : memref<128xi32, #tpu.memory_space<vmem>>, vector<16xi32>,
    %get3A_2640 = vector.shape_cast %get3A_2639 : vector<16xi32> to vector<16xi32>
    %mul3A_2641 = arith.constant 128 : i32
    %mul3A_2642 = arith.muli %add3A_2046, %mul3A_2641 : i32
    %add3A_2643 = vector.broadcast %mul3A_2642 : i32 to vector<16xi32>
    %add3A_2644 = arith.addi %add3A_2643, %add3A_2637 : vector<16xi32>
    %mul3A_2645 = arith.constant 512 : i32
    %mul3A_2646 = vector.broadcast %mul3A_2645 : i32 to vector<16xi32>
    %mul3A_2647 = arith.muli %add3A_2644, %mul3A_2646 : vector<16xi32>
    %add3A_2648 = arith.constant 384 : i32
    %add3A_2649 = vector.broadcast %add3A_2648 : i32 to vector<16xi32>
    %add3A_2650 = arith.addi %mul3A_2647, %add3A_2649 : vector<16xi32>
    %add3A_2651 = arith.addi %add3A_2650, %get3A_2640 : vector<16xi32>
    %swap3A_2652 = arith.constant 448 : index
    %swap3A_2653 = tpu.vector_load %arg6[%swap3A_2652] {strides = array<i32>} : memref<512xi32, #tpu.memory_space<vmem>>, vector<16xi32>,
    %swap3A_2654 = vector.shape_cast %swap3A_2653 : vector<16xi32> to vector<16xi32>
    %swap3A_2655 = vector.shape_cast %add3A_2651 : vector<16xi32> to vector<16xi32>
    tpu.vector_store %arg6[%swap3A_2652], %swap3A_2655 {strides = array<i32>} : memref<512xi32, #tpu.memory_space<vmem>>, vector<16xi32>,
    %add3A_2656 = arith.constant 80 : i32
    %add3A_2657 = vector.broadcast %add3A_2656 : i32 to vector<16xi32>
    %add3A_2658 = arith.addi %iota3A, %add3A_2657 : vector<16xi32>
    %get3A_2659 = arith.constant 80 : index
    %get3A_2660 = tpu.vector_load %arg5[%get3A_2659] {strides = array<i32>} : memref<128xi32, #tpu.memory_space<vmem>>, vector<16xi32>,
    %get3A_2661 = vector.shape_cast %get3A_2660 : vector<16xi32> to vector<16xi32>
    %mul3A_2662 = arith.constant 128 : i32
    %mul3A_2663 = arith.muli %add3A_2046, %mul3A_2662 : i32
    %add3A_2664 = vector.broadcast %mul3A_2663 : i32 to vector<16xi32>
    %add3A_2665 = arith.addi %add3A_2664, %add3A_2658 : vector<16xi32>
    %mul3A_2666 = arith.constant 512 : i32
    %mul3A_2667 = vector.broadcast %mul3A_2666 : i32 to vector<16xi32>
    %mul3A_2668 = arith.muli %add3A_2665, %mul3A_2667 : vector<16xi32>
    %add3A_2669 = arith.constant 384 : i32
    %add3A_2670 = vector.broadcast %add3A_2669 : i32 to vector<16xi32>
    %add3A_2671 = arith.addi %mul3A_2668, %add3A_2670 : vector<16xi32>
    %add3A_2672 = arith.addi %add3A_2671, %get3A_2661 : vector<16xi32>
    %swap3A_2673 = arith.constant 464 : index
    %swap3A_2674 = tpu.vector_load %arg6[%swap3A_2673] {strides = array<i32>} : memref<512xi32, #tpu.memory_space<vmem>>, vector<16xi32>,
    %swap3A_2675 = vector.shape_cast %swap3A_2674 : vector<16xi32> to vector<16xi32>
    %swap3A_2676 = vector.shape_cast %add3A_2672 : vector<16xi32> to vector<16xi32>
    tpu.vector_store %arg6[%swap3A_2673], %swap3A_2676 {strides = array<i32>} : memref<512xi32, #tpu.memory_space<vmem>>, vector<16xi32>,
    %add3A_2677 = arith.constant 96 : i32
    %add3A_2678 = vector.broadcast %add3A_2677 : i32 to vector<16xi32>
    %add3A_2679 = arith.addi %iota3A, %add3A_2678 : vector<16xi32>
    %get3A_2680 = arith.constant 96 : index
    %get3A_2681 = tpu.vector_load %arg5[%get3A_2680] {strides = array<i32>} : memref<128xi32, #tpu.memory_space<vmem>>, vector<16xi32>,
    %get3A_2682 = vector.shape_cast %get3A_2681 : vector<16xi32> to vector<16xi32>
    %mul3A_2683 = arith.constant 128 : i32
    %mul3A_2684 = arith.muli %add3A_2046, %mul3A_2683 : i32
    %add3A_2685 = vector.broadcast %mul3A_2684 : i32 to vector<16xi32>
    %add3A_2686 = arith.addi %add3A_2685, %add3A_2679 : vector<16xi32>
    %mul3A_2687 = arith.constant 512 : i32
    %mul3A_2688 = vector.broadcast %mul3A_2687 : i32 to vector<16xi32>
    %mul3A_2689 = arith.muli %add3A_2686, %mul3A_2688 : vector<16xi32>
    %add3A_2690 = arith.constant 384 : i32
    %add3A_2691 = vector.broadcast %add3A_2690 : i32 to vector<16xi32>
    %add3A_2692 = arith.addi %mul3A_2689, %add3A_2691 : vector<16xi32>
    %add3A_2693 = arith.addi %add3A_2692, %get3A_2682 : vector<16xi32>
    %swap3A_2694 = arith.constant 480 : index
    %swap3A_2695 = tpu.vector_load %arg6[%swap3A_2694] {strides = array<i32>} : memref<512xi32, #tpu.memory_space<vmem>>, vector<16xi32>,
    %swap3A_2696 = vector.shape_cast %swap3A_2695 : vector<16xi32> to vector<16xi32>
    %swap3A_2697 = vector.shape_cast %add3A_2693 : vector<16xi32> to vector<16xi32>
    tpu.vector_store %arg6[%swap3A_2694], %swap3A_2697 {strides = array<i32>} : memref<512xi32, #tpu.memory_space<vmem>>, vector<16xi32>,
    %add3A_2698 = arith.constant 112 : i32
    %add3A_2699 = vector.broadcast %add3A_2698 : i32 to vector<16xi32>
    %add3A_2700 = arith.addi %iota3A, %add3A_2699 : vector<16xi32>
    %get3A_2701 = arith.constant 112 : index
    %get3A_2702 = tpu.vector_load %arg5[%get3A_2701] {strides = array<i32>} : memref<128xi32, #tpu.memory_space<vmem>>, vector<16xi32>,
    %get3A_2703 = vector.shape_cast %get3A_2702 : vector<16xi32> to vector<16xi32>
    %mul3A_2704 = arith.constant 128 : i32
    %mul3A_2705 = arith.muli %add3A_2046, %mul3A_2704 : i32
    %add3A_2706 = vector.broadcast %mul3A_2705 : i32 to vector<16xi32>
    %add3A_2707 = arith.addi %add3A_2706, %add3A_2700 : vector<16xi32>
    %mul3A_2708 = arith.constant 512 : i32
    %mul3A_2709 = vector.broadcast %mul3A_2708 : i32 to vector<16xi32>
    %mul3A_2710 = arith.muli %add3A_2707, %mul3A_2709 : vector<16xi32>
    %add3A_2711 = arith.constant 384 : i32
    %add3A_2712 = vector.broadcast %add3A_2711 : i32 to vector<16xi32>
    %add3A_2713 = arith.addi %mul3A_2710, %add3A_2712 : vector<16xi32>
    %add3A_2714 = arith.addi %add3A_2713, %get3A_2703 : vector<16xi32>
    %swap3A_2715 = arith.constant 496 : index
    %swap3A_2716 = tpu.vector_load %arg6[%swap3A_2715] {strides = array<i32>} : memref<512xi32, #tpu.memory_space<vmem>>, vector<16xi32>,
    %swap3A_2717 = vector.shape_cast %swap3A_2716 : vector<16xi32> to vector<16xi32>
    %swap3A_2718 = vector.shape_cast %add3A_2714 : vector<16xi32> to vector<16xi32>
    tpu.vector_store %arg6[%swap3A_2715], %swap3A_2718 {strides = array<i32>} : memref<512xi32, #tpu.memory_space<vmem>>, vector<16xi32>,
    %dma_start3A_2719 = arith.constant 0 : i32
    %dma_start3A_2720 = tpu.memref_slice %arg2[%dma_start3A_2719] : memref<8388608xf32, #tpu.memory_space<hbm>> -> memref<8388608xf32, #tpu.memory_space<hbm>>
    tpu.enqueue_indirect_dma source(%dma_start3A_2720 : memref<8388608xf32, #tpu.memory_space<hbm>>) target(%arg7 : memref<512xf32, #tpu.memory_space<vmem>>) offsets(%arg6 : memref<512xi32, #tpu.memory_space<vmem>>) semaphore(%arg8 : memref<!tpu.dma_semaphore, #tpu.memory_space<semaphore_mem>>)
    %dma_wait3A_2721 = arith.constant 0 : i32
    %dma_wait3A_2722 = tpu.memref_slice %arg2[%dma_wait3A_2721] : memref<8388608xf32, #tpu.memory_space<hbm>> -> memref<8388608xf32, #tpu.memory_space<hbm>>
    tpu.wait_indirect_dma semaphore(%arg8 : memref<!tpu.dma_semaphore, #tpu.memory_space<semaphore_mem>>) src(%dma_wait3A_2722 : memref<8388608xf32, #tpu.memory_space<hbm>>) dst(%arg7 : memref<512xf32, #tpu.memory_space<vmem>>)
    %mul3A_2723 = arith.constant 512 : i32
    %mul3A_2724 = arith.muli %add3A_2046, %mul3A_2723 : i32
    "tpu.region"() ({
      %run_scoped3A = tpu.sem_alloc : memref<!tpu.dma_semaphore, #tpu.memory_space<semaphore_mem>>
      %dma_start3A_2725 = tpu.memref_slice %arg4[%mul3A_2724] : memref<65536xf32, #tpu.memory_space<hbm>> -> memref<512xf32, #tpu.memory_space<hbm>>
      %dma_start3A_2726 = tpu.memref_slice %arg4[%mul3A_2724] : memref<65536xf32, #tpu.memory_space<hbm>> -> memref<512xf32, #tpu.memory_space<hbm>>
      tpu.enqueue_dma source(%arg7 : memref<512xf32, #tpu.memory_space<vmem>>) target(%dma_start3A_2726 : memref<512xf32, #tpu.memory_space<hbm>>) target_semaphore(%run_scoped3A : memref<!tpu.dma_semaphore, #tpu.memory_space<semaphore_mem>>)
      %dma_wait3A_2727 = tpu.memref_slice %arg4[%mul3A_2724] : memref<65536xf32, #tpu.memory_space<hbm>> -> memref<512xf32, #tpu.memory_space<hbm>>
      %dma_wait3A_2728 = tpu.memref_slice %arg4[%mul3A_2724] : memref<65536xf32, #tpu.memory_space<hbm>> -> memref<512xf32, #tpu.memory_space<hbm>>
      tpu.wait_dma2 semaphore(%run_scoped3A : memref<!tpu.dma_semaphore, #tpu.memory_space<semaphore_mem>>) src(%arg7 : memref<512xf32, #tpu.memory_space<vmem>>) dst(%dma_wait3A_2728 : memref<512xf32, #tpu.memory_space<hbm>>)
      tpu.yield
    }) : () -> ()
    return
  }
}

module attributes {stable_mosaic.version = 14 : i64} {
  func.func @_tc_body(%arg0: i32, %arg1: memref<8192x128xf32, #tpu.memory_space<vmem>>, %arg2: memref<64x128xf32, #tpu.memory_space<vmem>>, %arg3: memref<16x128xi32, #tpu.memory_space<vmem>>) attributes {dimension_semantics = [#tpu.dimension_semantics<arbitrary>], iteration_bounds = array<i64: 8>, scalar_prefetch = 0 : i64, scratch_operands = 0 : i64, tpu.core_type = #tpu.core_type<tc>, window_params = [{transform_indices = @transform_0, window_bounds = array<i64: 8192, 128>}, {transform_indices = @transform_1, window_bounds = array<i64: 64, 128>}, {transform_indices = @transform_2, window_bounds = array<i64: 16, 128>}]} {
    %get3A = arith.constant 0 : index
    %get3A_0 = arith.constant 0 : index
    %get3A_1 = vector.load %arg1[%get3A, %get3A_0] : memref<8192x128xf32, #tpu.memory_space<vmem>>, vector<8192x128xf32>
    %reshape3A = vector.shape_cast %get3A_1 : vector<8192x128xf32> to vector<2048x512xf32>
    %slice3A = vector.extract_strided_slice %reshape3A {offsets = [0, 0], sizes = [2048, 128], strides = [1, 1]} : vector<2048x512xf32> to vector<2048x128xf32>
    %slice3A_2 = vector.extract_strided_slice %reshape3A {offsets = [0, 128], sizes = [2048, 128], strides = [1, 1]} : vector<2048x512xf32> to vector<2048x128xf32>
    %slice3A_3 = vector.extract_strided_slice %reshape3A {offsets = [0, 256], sizes = [2048, 128], strides = [1, 1]} : vector<2048x512xf32> to vector<2048x128xf32>
    %slice3A_4 = vector.extract_strided_slice %reshape3A {offsets = [0, 384], sizes = [2048, 128], strides = [1, 1]} : vector<2048x512xf32> to vector<2048x128xf32>
    %get3A_5 = arith.constant 0 : index
    %get3A_6 = arith.constant 0 : index
    %get3A_7 = vector.load %arg2[%get3A_5, %get3A_6] : memref<64x128xf32, #tpu.memory_space<vmem>>, vector<64x128xf32>
    %transpose3A = tpu.transpose %get3A_7, [1, 0] : vector<64x128xf32> -> vector<128x64xf32>
    %slice3A_8 = vector.extract_strided_slice %transpose3A {offsets = [0, 0], sizes = [128, 4], strides = [1, 1]} : vector<128x64xf32> to vector<128x4xf32>
    %slice3A_9 = vector.extract_strided_slice %transpose3A {offsets = [0, 4], sizes = [128, 4], strides = [1, 1]} : vector<128x64xf32> to vector<128x4xf32>
    %slice3A_10 = vector.extract_strided_slice %transpose3A {offsets = [0, 8], sizes = [128, 4], strides = [1, 1]} : vector<128x64xf32> to vector<128x4xf32>
    %slice3A_11 = vector.extract_strided_slice %transpose3A {offsets = [0, 12], sizes = [128, 4], strides = [1, 1]} : vector<128x64xf32> to vector<128x4xf32>
    %slice3A_12 = vector.extract_strided_slice %transpose3A {offsets = [0, 16], sizes = [128, 4], strides = [1, 1]} : vector<128x64xf32> to vector<128x4xf32>
    %slice3A_13 = vector.extract_strided_slice %transpose3A {offsets = [0, 20], sizes = [128, 4], strides = [1, 1]} : vector<128x64xf32> to vector<128x4xf32>
    %slice3A_14 = vector.extract_strided_slice %transpose3A {offsets = [0, 24], sizes = [128, 4], strides = [1, 1]} : vector<128x64xf32> to vector<128x4xf32>
    %slice3A_15 = vector.extract_strided_slice %transpose3A {offsets = [0, 28], sizes = [128, 4], strides = [1, 1]} : vector<128x64xf32> to vector<128x4xf32>
    %slice3A_16 = vector.extract_strided_slice %transpose3A {offsets = [0, 32], sizes = [128, 4], strides = [1, 1]} : vector<128x64xf32> to vector<128x4xf32>
    %slice3A_17 = vector.extract_strided_slice %transpose3A {offsets = [0, 36], sizes = [128, 4], strides = [1, 1]} : vector<128x64xf32> to vector<128x4xf32>
    %slice3A_18 = vector.extract_strided_slice %transpose3A {offsets = [0, 40], sizes = [128, 4], strides = [1, 1]} : vector<128x64xf32> to vector<128x4xf32>
    %slice3A_19 = vector.extract_strided_slice %transpose3A {offsets = [0, 44], sizes = [128, 4], strides = [1, 1]} : vector<128x64xf32> to vector<128x4xf32>
    %slice3A_20 = vector.extract_strided_slice %transpose3A {offsets = [0, 48], sizes = [128, 4], strides = [1, 1]} : vector<128x64xf32> to vector<128x4xf32>
    %slice3A_21 = vector.extract_strided_slice %transpose3A {offsets = [0, 52], sizes = [128, 4], strides = [1, 1]} : vector<128x64xf32> to vector<128x4xf32>
    %slice3A_22 = vector.extract_strided_slice %transpose3A {offsets = [0, 56], sizes = [128, 4], strides = [1, 1]} : vector<128x64xf32> to vector<128x4xf32>
    %slice3A_23 = vector.extract_strided_slice %transpose3A {offsets = [0, 60], sizes = [128, 4], strides = [1, 1]} : vector<128x64xf32> to vector<128x4xf32>
    %concatenate3A = tpu.concatenate %slice3A_8, %slice3A_9, %slice3A_10, %slice3A_11, %slice3A_12, %slice3A_13, %slice3A_14, %slice3A_15, %slice3A_16, %slice3A_17, %slice3A_18, %slice3A_19, %slice3A_20, %slice3A_21, %slice3A_22, %slice3A_23 in 0 : vector<128x4xf32>, vector<128x4xf32>, vector<128x4xf32>, vector<128x4xf32>, vector<128x4xf32>, vector<128x4xf32>, vector<128x4xf32>, vector<128x4xf32>, vector<128x4xf32>, vector<128x4xf32>, vector<128x4xf32>, vector<128x4xf32>, vector<128x4xf32>, vector<128x4xf32>, vector<128x4xf32>, vector<128x4xf32> -> vector<2048x4xf32>
    %slice3A_24 = vector.extract_strided_slice %concatenate3A {offsets = [0, 0], sizes = [2048, 1], strides = [1, 1]} : vector<2048x4xf32> to vector<2048x1xf32>
    %mul3A = vector.broadcast %slice3A_24 : vector<2048x1xf32> to vector<2048x128xf32>
    %mul3A_25 = arith.mulf %slice3A, %mul3A : vector<2048x128xf32>
    %slice3A_26 = vector.extract_strided_slice %concatenate3A {offsets = [0, 1], sizes = [2048, 1], strides = [1, 1]} : vector<2048x4xf32> to vector<2048x1xf32>
    %mul3A_27 = vector.broadcast %slice3A_26 : vector<2048x1xf32> to vector<2048x128xf32>
    %mul3A_28 = arith.mulf %slice3A_2, %mul3A_27 : vector<2048x128xf32>
    %add3A = arith.addf %mul3A_25, %mul3A_28 : vector<2048x128xf32>
    %slice3A_29 = vector.extract_strided_slice %concatenate3A {offsets = [0, 2], sizes = [2048, 1], strides = [1, 1]} : vector<2048x4xf32> to vector<2048x1xf32>
    %mul3A_30 = vector.broadcast %slice3A_29 : vector<2048x1xf32> to vector<2048x128xf32>
    %mul3A_31 = arith.mulf %slice3A_3, %mul3A_30 : vector<2048x128xf32>
    %add3A_32 = arith.addf %add3A, %mul3A_31 : vector<2048x128xf32>
    %slice3A_33 = vector.extract_strided_slice %concatenate3A {offsets = [0, 3], sizes = [2048, 1], strides = [1, 1]} : vector<2048x4xf32> to vector<2048x1xf32>
    %mul3A_34 = vector.broadcast %slice3A_33 : vector<2048x1xf32> to vector<2048x128xf32>
    %mul3A_35 = arith.mulf %slice3A_4, %mul3A_34 : vector<2048x128xf32>
    %add3A_36 = arith.addf %add3A_32, %mul3A_35 : vector<2048x128xf32>
    %argmax3A = tpu.reduce_index %add3A_36 {axis = 1 : i32, kind = #tpu.reduction_kind<arg_max>} : vector<2048x128xf32> -> vector<2048xi32>
    %broadcast_in_dim3A = vector.shape_cast %argmax3A : vector<2048xi32> to vector<2048x1xi32>
    %transpose3A_37 = tpu.transpose %broadcast_in_dim3A, [1, 0] : vector<2048x1xi32> -> vector<1x2048xi32>
    %reshape3A_38 = vector.shape_cast %transpose3A_37 : vector<1x2048xi32> to vector<16x128xi32>
    %swap3A = arith.constant 0 : index
    %swap3A_39 = arith.constant 0 : index
    %swap3A_40 = vector.load %arg3[%swap3A, %swap3A_39] : memref<16x128xi32, #tpu.memory_space<vmem>>, vector<16x128xi32>
    tpu.vector_store %arg3[%swap3A, %swap3A_39], %reshape3A_38 {strides = array<i32>} : memref<16x128xi32, #tpu.memory_space<vmem>>, vector<16x128xi32>,
    return
  }
  func.func @transform_0(%arg0: i32) -> (i32, i32) {
    %c0_i32 = arith.constant 0 : i32
    %c0_i32_0 = arith.constant 0 : i32
    return %arg0, %c0_i32 : i32, i32
  }
  func.func @transform_1(%arg0: i32) -> (i32, i32) {
    %c0_i32 = arith.constant 0 : i32
    %c0_i32_0 = arith.constant 0 : i32
    return %arg0, %c0_i32 : i32, i32
  }
  func.func @transform_2(%arg0: i32) -> (i32, i32) {
    %c0_i32 = arith.constant 0 : i32
    %c0_i32_0 = arith.constant 0 : i32
    return %arg0, %c0_i32 : i32, i32
  }
}

</mosaic_0001>

<sc_bundles>
// kernel: kernel.4.cloned.1.call-start
scs
__scs_entry_jumppad:
0x0: {  	(pc) =	sbr.rel $0x88, $3  }
0x1: {  	(tag) =	ssettag $0x0;
	lr =	simm.s32 $0x1  }
0x2: {  	[smem:$0x3F9F] =	sst lr;
	_ =	strace $0xD0000000  }
0x3: {  	_ = 	snop  }
0x4: {  	_ = 	snop  }
0x5: {  	_ = 	snop  }
0x6: {  	_ = 	snop  }
0x7: {  	_ = 	snop  }
__scs_overlays_trampoline_lowered:
0x8: {  	[smem:$0x3FAE] =	sst s0  }
0x9: {  	[smem:$0x3FAF] =	sst s1  }
0xa: {  	[smem:$0x3FB0] =	sst s2  }
0xb: {  	[smem:$0x3FB1] =	sst s3  }
0xc: {  	[smem:$0x3FB2] =	sst s4  }
0xd: {  	[smem:$0x3FB3] =	sst s5  }
0xe: {  	[smem:$0x3FB4] =	sst s6  }
0xf: {  	[smem:$0x3FB5] =	sst s7  }
0x10: {  	[smem:$0x3FB6] =	sst s8  }
0x11: {  	[smem:$0x3FB7] =	sst s9;
	s0 =	simm.s32 @!p0 $0x0  }
0x12: {  	s1 =	sld [smem:$0x3F9D];
	s0 =	simm.s32 @p0 $0x1  }
0x13: {  	[smem:$0x3FB8] =	sst s0;
	s0 =	simm.s32 @!p1 $0x0  }
0x14: {  	s2 =	sld [smem:$0x3F9C];
	s0 =	simm.s32 @p1 $0x1  }
0x15: {  	[smem:$0x3FB9] =	sst s0;
	s0 =	simm.s32 @!p2 $0x0  }
0x16: {  	s3 =	sld [smem:$0x3FDB];
	s0 =	simm.s32 @p2 $0x1  }
0x17: {  	s4 =	simm.s32 $0x1BF5;
	[smem:$0x3FBB] =	sst s0  }
0x18: {  	s0 =	sld [smem:$0x3F9E];
	_ =	swait.ge [sflag:s4], $0x0  }
0x19: {  	s7 =	sld [smem:$0x3F9F]  }
0x1a: {  	s8 =	sadd.s32 $0xFFFFE003, lr  }
0x1b: {  	s9 =	sadd.s32 $0xFFFFFEF7, lr;
	s5 =	simm.s32 $0xFFFFFFFF;
	p2 =	slt.u32 s8, $0xFFFFF086  }
0x1c: {  	p1 =	slt.u32 s9, $0xF7A;
	s5 =	simm.s32 @!p2 $0x0  }
0x1d: {  	s5 =	simm.s32 @p1 $0x1;
	p0 =	seq.s32 s7, s2  }
0x1e: {  	s7 =	smul.u32 @!p0 $0xF7A, s2;
	p2 =	seq.s32 @!p0 s5, $0x0  }
0x1f: {  	s9 =	smul.u32 $0xF7A, s1;
	s8 =	simm.s32 @!p0 $0x1BF5;
	p2 =	por !p2, p0  }
0x20: {  	[sflag:s8] =	ssyncset.s32 @!p0 $0xFFFFF086;
	s6 =	sadd.s32 @!p0 s3, s7;
	s7 =	simm.s32 @!p0 $0x108  }
0x21: {  	s3 =	sadd.s32 s3, s9;
	s6 =	sadd.s32 @!p0 $0x88, s6;
	s7 =	simm.s32 @p2 $0x1082  }
0x22: {  	[simem:s7], [sflag:s8] =	dma.local @!p0 [hbm:s6], $0xF7A  }
0x23: {  	s9 =	sor.u32 $0xD0000000, s2;
	s6 =	simm.s32 $0x108;
	_ =	swait.ge @!p0 [sflag:s8], $0x0  }
0x24: {  	s3 =	sadd.s32 $0x88, s3;
	s6 =	simm.s32 @!p1 $0x1082;
	[sflag:s4] =	ssyncset.s32 $0xFFFFF086  }
0x25: {  	[simem:s6], [sflag:s4] =	dma.local [hbm:s3], $0xF7A  }
0x26: {  	[smem:$0x3F9F] =	sst s1;
	(tag) =	ssettag s2;
	_ =	strace s9  }
0x27: {  	s1 =	sld [smem:$0x3FAF]  }
0x28: {  	s2 =	sld [smem:$0x3FB0]  }
0x29: {  	s4 =	sld [smem:$0x3FB2]  }
0x2a: {  	p0 =	seq.s32 s5, $0x0;
	s5 =	sld [smem:$0x3FB3]  }
0x2b: {  	s6 =	sld [smem:$0x3FB4]  }
0x2c: {  	s7 =	sld [smem:$0x3FB5]  }
0x2d: {  	s3 =	simm.s32 $0x108;
	s8 =	sld [smem:$0x3FB6]  }
0x2e: {  	s3 =	simm.s32 @!p0 $0x1082;
	s9 =	sld [smem:$0x3FB7]  }
0x2f: {  	lr =	sadd.s32 s0, s3;
	s0 =	sld [smem:$0x3FAE]  }
0x30: {  	s3 =	sld [smem:$0x3FB1]  }
0x31: {  	[smem:$0x3FBA] =	sst s10  }
0x32: {  	s10 =	sld [smem:$0x3FB8];
	_ =	sdelay $0x3  }
0x33: {  	p0 =	seq.s32 s10, $0x1;
	s10 =	sld [smem:$0x3FBA];
	_ =	sdelay $0x3  }
0x34: {  	[smem:$0x3FBA] =	sst s10  }
0x35: {  	s10 =	sld [smem:$0x3FB9];
	_ =	sdelay $0x3  }
0x36: {  	p1 =	seq.s32 s10, $0x1;
	s10 =	sld [smem:$0x3FBA];
	_ =	sdelay $0x3  }
0x37: {  	[smem:$0x3FBA] =	sst s10  }
0x38: {  	s10 =	sld [smem:$0x3FBB]  }
0x39: {  	_ = 	snop;
	(pc) =	sbr.ind lr, $3  }
0x3a: {  	_ = 	snop  }
0x3b: {  	_ = 	snop  }
0x3c: {  	p2 =	seq.s32 s10, $0x1;
	s10 =	sld [smem:$0x3FBA]  }
0x3d: {  	_ =	shalt  }
0x3e: {  	_ =	shalt  }
0x3f: {  	_ =	shalt  }
0x40: {  	_ =	shalt  }
0x41: {  	_ =	shalt  }
0x42: {  	_ =	shalt  }
0x43: {  	_ =	shalt  }
0x44: {  	_ =	shalt  }
0x45: {  	_ =	shalt  }
0x46: {  	_ =	shalt  }
0x47: {  	_ =	shalt  }
0x48: {  	_ =	shalt  }
0x49: {  	_ =	shalt  }
0x4a: {  	_ =	shalt  }
0x4b: {  	_ =	shalt  }
0x4c: {  	_ =	shalt  }
0x4d: {  	_ =	shalt  }
0x4e: {  	_ =	shalt  }
0x4f: {  	_ =	shalt  }
0x50: {  	_ =	shalt  }
0x51: {  	_ =	shalt  }
0x52: {  	_ =	shalt  }
0x53: {  	_ =	shalt  }
0x54: {  	_ =	shalt  }
0x55: {  	_ =	shalt  }
0x56: {  	_ =	shalt  }
0x57: {  	_ =	shalt  }
0x58: {  	_ =	shalt  }
0x59: {  	_ =	shalt  }
0x5a: {  	_ =	shalt  }
0x5b: {  	_ =	shalt  }
0x5c: {  	_ =	shalt  }
0x5d: {  	_ =	shalt  }
0x5e: {  	_ =	shalt  }
0x5f: {  	_ =	shalt  }
0x60: {  	_ =	shalt  }
0x61: {  	_ =	shalt  }
0x62: {  	_ =	shalt  }
0x63: {  	_ =	shalt  }
0x64: {  	_ =	shalt  }
0x65: {  	_ =	shalt  }
0x66: {  	_ =	shalt  }
0x67: {  	_ =	shalt  }
0x68: {  	_ =	shalt  }
0x69: {  	_ =	shalt  }
0x6a: {  	_ =	shalt  }
0x6b: {  	_ =	shalt  }
0x6c: {  	_ =	shalt  }
0x6d: {  	_ =	shalt  }
0x6e: {  	_ =	shalt  }
0x6f: {  	_ =	shalt  }
0x70: {  	_ =	shalt  }
0x71: {  	_ =	shalt  }
0x72: {  	_ =	shalt  }
0x73: {  	_ =	shalt  }
0x74: {  	_ =	shalt  }
0x75: {  	_ =	shalt  }
0x76: {  	_ =	shalt  }
0x77: {  	_ =	shalt  }
0x78: {  	_ =	shalt  }
0x79: {  	_ =	shalt  }
0x7a: {  	_ =	shalt  }
0x7b: {  	_ =	shalt  }
0x7c: {  	_ =	shalt  }
0x7d: {  	_ =	shalt  }
0x7e: {  	_ =	shalt  }
0x7f: {  	_ =	shalt  }
0x80: {  	_ =	shalt  }
0x81: {  	_ =	shalt  }
0x82: {  	_ =	shalt  }
0x83: {  	_ =	shalt  }
0x84: {  	_ =	shalt  }
0x85: {  	_ =	shalt  }
0x86: {  	_ =	shalt  }
0x87: {  	_ =	shalt  }
.Lfunc_end0:
.L_simem_size_0:
called_computation_lowered:
.L_overlay_start_0:
0x88: {  	s2 =	sld [smem:$0x3FD9]  }
0x89: {  	s3 =	sld [smem:$0x3FFE];
	_ =	sdelay $0x1  }
0x8a: {  	s1 =	srdreg.scid  }
0x8b: {  	s0 =	sand.u32 $0x1, s1  }
0x8c: {  	s17 =	sshll.u32 s0, $0xA;
	s2 =	sadd.s32 s3, s2  }
0x8d: {  	s2 =	sadd.s32 s2, s17  }
0x8e: {  	[smem:$0x3FC6] =	sst s2  }
0x8f: {  	_ = 	snop  }
0x90: {  	s2 =	sld [smem:$0x3FC9]  }
0x91: {  	s18 =	sld [smem:$0x3FD0];
	(tm) =	ssettm $0x1  }
0x92: {  	s4 =	sld [smem:$0x3FFB];
	_ =	sdelay $0x3  }
0x93: {  	_ =	strace s4  }
0x94: {  	s4 =	sld [smem:$0x3FFC];
	_ =	sdelay $0x3  }
0x95: {  	_ =	strace s4  }
0x96: {  	s4 =	sld [smem:$0x3FFD];
	_ =	sdelay $0x3  }
0x97: {  	_ =	strace s4  }
0x98: {  	_ =	strace $0x8FFFFFFF  }
0x99: {  	s19 =	sld [smem:$0x3FDB];
	_ =	sdelay $0x1  }
0x9a: {  	s5 =	simm.s32 $_scs_section_size  }
0x9b: {  	s6 =	simm.s32 $_size__tile_overlayer_lowered;
	s7 =	simm.s32 $_tile_overlayer_lowered  }
0x9c: {  	s22 =	simm.s32 $0x1BFF;
	s21 =	sshll.u32 s7, $0x1;
	s4 =	sadd.s32 s5, s19  }
0x9d: {  	s8 =	simm.s32 $0x0;
	s20 =	sshll.u32 s6, $0x1;
	s6 =	sadd.s32 s21, s4  }
0x9e: {  	[timem:s8], [sflag:s22] =	dma.local [hbm:s6], s20  }
0x9f: {  	_ =	swait.ge [sflag:s22], s20  }
0xa0: {  	s5 =	ssub.s32 $0x0, s20;
	[sflag:s22] =	ssyncset.done $0x0  }
0xa1: {  	[sflag:s22] =	ssyncadd.s32 s5;
	_ =	sdelay $0x1  }
0xa2: {  	s23 =	simm.s32 $0x1B8B  }
0xa3: {  	_ =	swait.ge [sflag:s23], $0x1  }
0xa4: {  	[sflag:s23] =	ssyncset.done $0x0  }
0xa5: {  	s25 =	simm.s32 $0x1B8E;
	s24 =	sld [smem:$0x3FFE];
	[sflag:s23] =	ssyncadd.s32 $0xFFFFFFFF  }
0xa6: {  	s26 =	simm.s32 $execute0_lowered;
	[smem:$0x3FD2] =	sst s25  }
0xa7: {  	s6 =	sshll.u32 s26, $0x1;
	_ =	strace $0x80000046;
	[dreg:$0x1] =	wrdreg $0xFFFFFFFF  }
0xa8: {  	s28 =	simm.s32 $_size_execute0_lowered;
	s4 =	sadd.s32 s4, s6;
	[dreg:$0x0] =	wrdreg $0x0  }
0xa9: {  	s6 =	sshll.u32 s28, $0x1;
	[dreg:$0x2] =	wrdreg s4  }
0xaa: {  	[dreg:$0x3] =	wrdreg s6  }
0xab: {  	[dreg:$0x4] =	wrdreg $0xC0  }
0xac: {  	_ =	task [dreg:s8], $0x5FFFF  }
0xad: {  	[dreg:$0x1] =	wrdreg $0xFFFFFFFF  }
0xae: {  	[dreg:$0x0] =	wrdreg $0x60  }
0xaf: {  	[dreg:$0x2] =	wrdreg s2  }
0xb0: {  	[dreg:$0x3] =	wrdreg s24  }
0xb1: {  	[dreg:$0x4] =	wrdreg s18  }
0xb2: {  	[dreg:$0x5] =	wrdreg $0x9  }
0xb3: {  	_ =	task.clear_ibuf [dreg:s8], $0x6FFFF;
	_ =	strace $0x90000046  }
0xb4: {  	s29 =	simm.s32 $0x9;
	_ =	strace $0x80000048  }
0xb5: {  	_ =	swait.ge [sflag:s29], $0x1  }
0xb6: {  	[sflag:s29] =	ssyncadd.s32 $0xFFFFFFFF  }
0xb7: {  	_ =	strace $0x90000048  }
0xb8: {  	_ =	sfence  }
0xb9: {  	s30 =	sld [smem:$0x0];
	_ =	sdelay $0x2  }
0xba: {  	s31 =	sshll.u32 s1, $0xD;
	s1 =	sshrl.u32 s1, $0x2  }
0xbb: {  	s3 =	sand.u32 $0x4000, s31;
	s1 =	sadd.s32 s1, s30  }
0xbc: {  	s0 =	sor.u32 s3, s0;
	s1 =	sshll.u32 s1, $0x11  }
0xbd: {  	s0 =	sor.u32 s1, s0  }
0xbe: {  	s0 =	sadd.s32 $0x8F2B, s0  }
0xbf: {  	[sflag:s0] =	ssyncadd.remote.s32 $0x1  }
0xc0: {  	_ =	sfence.sel $0xFFFF  }
0xc1: {  	[dreg:$0x0] =	wrdreg $0xFFFFFFFF;
	(pc) =	sbr.abs _section_cstart, $3  }
0xc2: {  	[dreg:$0x1] =	wrdreg $0xFFFFFFFF  }
0xc3: {  	_ =	task.clear_ibuf [dreg:s8], $0x2FFFF;
	_ =	strace $0x9FFFFFFF  }
0xc4: {  	(tm) =	ssettm $0x7FFFFFFF  }
0xc5: {  	_ =	shalt  }
tec
execute0_lowered:
.L_overlay_start_1:
0x0: {  	(tag) =	ssettag $0x1  }
0x1: {  	s1 =	srdreg.scid;
	s0 =	stileid.u32  }
0x2: {  	s4 =	sand.u32 $0x1, s1;
	s26 =	sshll.u32 s0, $0x1  }
0x3: {  	s5 =	sor.u32 s4, s26  }
0x4: {  	v0 =	vlaneseq.u32;
	s6 =	sshll.u32 s5, $0x9  }
0x5: {  	v0 =	vmul.u32 $0x200, v0;
	v1 =	vmov s6  }
0x6: {  	v1 =	vshll.u32 v1, $0x9  }
0x7: {  	v6 =	vor.u32 $0x2000, v0;
	v9 =	vor.u32 v0, v1  }
0x8: {  	v8 =	vor.u32 $0x4000, v0;
	v10 =	vor.u32 v6, v1;
	[tilespmem:$0x1FCA0] =	vst v9  }
0x9: {  	v7 =	vor.u32 $0x6000, v0;
	v11 =	vor.u32 v8, v1;
	[tilespmem:$0x1FCC0] =	vst v10  }
0xa: {  	v5 =	vor.u32 $0x8000, v0;
	v12 =	vor.u32 v7, v1;
	[tilespmem:$0x1FCE0] =	vst v11  }
0xb: {  	v4 =	vor.u32 $0xA000, v0;
	v13 =	vor.u32 v5, v1;
	[tilespmem:$0x1FD00] =	vst v12  }
0xc: {  	v3 =	vor.u32 $0xC000, v0;
	v14 =	vor.u32 v4, v1;
	[tilespmem:$0x1FD20] =	vst v13  }
0xd: {  	v2 =	vor.u32 $0xE000, v0;
	v15 =	vor.u32 v3, v1;
	[tilespmem:$0x1FD40] =	vst v14  }
0xe: {  	v16 =	vor.u32 v2, v1;
	[tilespmem:$0x1FD60] =	vst v15  }
0xf: {  	v1 =	vor.u32 $0x80, v9;
	[tilespmem:$0x1FD80] =	vst v16  }
0x10: {  	[tilespmem:$0x1FBA0] =	vst v1;
	v1 =	vor.u32 $0x80, v10  }
0x11: {  	[tilespmem:$0x1FBB0] =	vst v1;
	v1 =	vor.u32 $0x80, v11  }
0x12: {  	[tilespmem:$0x1FBC0] =	vst v1;
	v1 =	vor.u32 $0x80, v12  }
0x13: {  	[tilespmem:$0x1FBD0] =	vst v1;
	v1 =	vor.u32 $0x80, v13  }
0x14: {  	[tilespmem:$0x1FBE0] =	vst v1;
	v1 =	vor.u32 $0x80, v14  }
0x15: {  	[tilespmem:$0x1FBF0] =	vst v1;
	v1 =	vor.u32 $0x80, v15  }
0x16: {  	[tilespmem:$0x1FC00] =	vst v1;
	v1 =	vor.u32 $0x80, v16  }
0x17: {  	[tilespmem:$0x1FC10] =	vst v1;
	v1 =	vor.u32 $0x100, v9  }
0x18: {  	[tilespmem:$0x1FC20] =	vst v1;
	v1 =	vor.u32 $0x100, v10  }
0x19: {  	[tilespmem:$0x1FC30] =	vst v1;
	v1 =	vor.u32 $0x100, v11  }
0x1a: {  	[tilespmem:$0x1FC40] =	vst v1;
	v1 =	vor.u32 $0x100, v12  }
0x1b: {  	[tilespmem:$0x1FC50] =	vst v1;
	v1 =	vor.u32 $0x100, v13  }
0x1c: {  	[tilespmem:$0x1FC60] =	vst v1;
	v1 =	vor.u32 $0x100, v14  }
0x1d: {  	[tilespmem:$0x1FC70] =	vst v1;
	v1 =	vor.u32 $0x100, v15  }
0x1e: {  	[tilespmem:$0x1FC80] =	vst v1;
	v1 =	vor.u32 $0x100, v16  }
0x1f: {  	[tilespmem:$0x1FC90] =	vst v1;
	v1 =	vor.u32 $0x180, v9  }
0x20: {  	v9 =	vor.u32 $0x180, v13;
	[tilespmem:$0x1FCB0] =	vst v1  }
0x21: {  	v1 =	vor.u32 $0x180, v10;
	[tilespmem:$0x1FD30] =	vst v9  }
0x22: {  	s1 =	sshll.u32 s5, $0x2;
	v9 =	vor.u32 $0x180, v14;
	[tilespmem:$0x1FCD0] =	vst v1  }
0x23: {  	s7 =	sor.u32 $0x1, s1;
	v1 =	vor.u32 $0x180, v11;
	[tilespmem:$0x1FD50] =	vst v9  }
0x24: {  	s8 =	sshll.u32 s7, $0x7;
	[tilespmem:$0x1FCF0] =	vst v1;
	v1 =	vor.u32 $0x180, v12  }
0x25: {  	v9 =	vor.u32 $0x180, v15;
	[tilespmem:$0x1FD10] =	vst v1;
	v1 =	vmov s8  }
0x26: {  	[tilespmem:$0x1FD70] =	vst v9;
	v9 =	vor.u32 $0x180, v16;
	v1 =	vshll.u32 v1, $0x9  }
0x27: {  	[tilespmem:$0x1FD90] =	vst v9;
	v10 =	vor.u32 v0, v1  }
0x28: {  	v11 =	vor.u32 v6, v1;
	[tilespmem:$0x1FEA0] =	vst v10  }
0x29: {  	v12 =	vor.u32 v8, v1;
	[tilespmem:$0x1FEC0] =	vst v11  }
0x2a: {  	v13 =	vor.u32 v7, v1;
	v14 =	vor.u32 v5, v1;
	v15 =	vor.u32 v4, v1;
	[tilespmem:$0x1FEE0] =	vst v12  }
0x2b: {  	v16 =	vor.u32 v3, v1;
	v17 =	vor.u32 v2, v1;
	v1 =	vor.u32 $0x80, v10;
	[tilespmem:$0x1FF00] =	vst v13  }
0x2c: {  	v9 =	vor.u32 $0x80, v14;
	[tilespmem:$0x1FDA0] =	vst v1  }
0x2d: {  	v1 =	vor.u32 $0x80, v11;
	[tilespmem:$0x1FDE0] =	vst v9  }
0x2e: {  	v9 =	vor.u32 $0x80, v15;
	[tilespmem:$0x1FDB0] =	vst v1  }
0x2f: {  	v1 =	vor.u32 $0x80, v12;
	[tilespmem:$0x1FDF0] =	vst v9  }
0x30: {  	s10 =	sshllo.u32 s5, $0x2;
	s9 =	sor.u32 $0x2, s1;
	v9 =	vor.u32 $0x80, v16;
	[tilespmem:$0x1FDC0] =	vst v1  }
0x31: {  	s11 =	sshll.u32 s10, $0x7;
	s12 =	sshll.u32 s9, $0x7;
	v1 =	vor.u32 $0x80, v13;
	[tilespmem:$0x1FE00] =	vst v9  }
0x32: {  	v9 =	vmov s11;
	[tilespmem:$0x1FDD0] =	vst v1;
	v1 =	vmov s12  }
0x33: {  	[tilespmem:$0x1FF20] =	vst v14;
	v9 =	vshll.u32 v9, $0x9;
	v1 =	vshll.u32 v1, $0x9  }
0x34: {  	[tilespmem:$0x1FF40] =	vst v15;
	v55 =	vor.u32 v0, v9;
	v56 =	vor.u32 v6, v9;
	v57 =	vor.u32 v8, v9  }
0x35: {  	[tilespmem:$0x1FF60] =	vst v16;
	v58 =	vor.u32 v7, v9;
	v59 =	vor.u32 v5, v9;
	v60 =	vor.u32 v4, v9  }
0x36: {  	[tilespmem:$0x1FF80] =	vst v17;
	v61 =	vor.u32 v3, v9;
	v47 =	vor.u32 v0, v1;
	v0 =	vor.u32 $0x80, v17  }
0x37: {  	v62 =	vor.u32 v2, v9;
	v48 =	vor.u32 v6, v1;
	[tilespmem:$0x1FE10] =	vst v0;
	v0 =	vor.u32 $0x100, v10  }
0x38: {  	v49 =	vor.u32 v8, v1;
	v50 =	vor.u32 v7, v1;
	[tilespmem:$0x1FE20] =	vst v0;
	v0 =	vor.u32 $0x100, v11  }
0x39: {  	v51 =	vor.u32 v5, v1;
	v52 =	vor.u32 v4, v1;
	[tilespmem:$0x1FE30] =	vst v0;
	v0 =	vor.u32 $0x100, v12  }
0x3a: {  	v53 =	vor.u32 v3, v1;
	v54 =	vor.u32 v2, v1;
	[tilespmem:$0x1FE40] =	vst v0;
	v0 =	vor.u32 $0x100, v13  }
0x3b: {  	v8 =	vor.u32 $0x80, v55;
	v9 =	vor.u32 $0x80, v56;
	[tilespmem:$0x1FE50] =	vst v0;
	v0 =	vor.u32 $0x100, v14  }
0x3c: {  	v18 =	vor.u32 $0x100, v57;
	v32 =	vor.u32 $0x100, v58;
	[tilespmem:$0x1FE60] =	vst v0;
	v0 =	vor.u32 $0x100, v15  }
0x3d: {  	v19 =	vor.u32 $0x100, v59;
	v33 =	vor.u32 $0x100, v60;
	[tilespmem:$0x1FE70] =	vst v0;
	v0 =	vor.u32 $0x100, v16  }
0x3e: {  	v20 =	vor.u32 $0x100, v61;
	v34 =	vor.u32 $0x100, v62;
	[tilespmem:$0x1FE80] =	vst v0;
	v0 =	vor.u32 $0x100, v17  }
0x3f: {  	s14 =	rddreg [dreg:$0x1];
	v35 =	vor.u32 $0x180, v55;
	v21 =	vor.u32 $0x180, v56;
	[tilespmem:$0x1FE90] =	vst v0;
	v0 =	vor.u32 $0x180, v10  }
0x40: {  	s13 =	rddreg [dreg:$0x2];
	v36 =	vor.u32 $0x180, v57;
	v22 =	vor.u32 $0x180, v58;
	[tilespmem:$0x1FEB0] =	vst v0;
	v0 =	vor.u32 $0x180, v11  }
0x41: {  	s2 =	rddreg [dreg:$0x3];
	s3 =	simm.s32 $0x0;
	v37 =	vor.u32 $0x180, v59;
	v23 =	vor.u32 $0x180, v60;
	[tilespmem:$0x1FED0] =	vst v0;
	v0 =	vor.u32 $0x180, v12  }
0x42: {  	s17 =	simm.s32 $0x1;
	[smem:$0x7FF] =	sst s3;
	v38 =	vor.u32 $0x180, v61;
	v39 =	vor.u32 $0x180, v62;
	[tilespmem:$0x1FEF0] =	vst v0;
	v0 =	vor.u32 $0x180, v13  }
0x43: {  	s14 =	sadd.s32 $0x800, s14;
	s28 =	sshll.u32 s4, $0x9;
	s4 =	ssub.s32 $0x2, s4;
	v30 =	vor.u32 $0x80, v53;
	v31 =	vor.u32 $0x80, v54;
	[tilespmem:$0x1FF10] =	vst v0;
	v0 =	vor.u32 $0x180, v14  }
0x44: {  	s16 =	sshrl.u32 s4, $0x1;
	s5 =	sshll.u32 s5, $0x8;
	s1 =	rddreg [dreg:$0x0];
	v40 =	vor.u32 $0x100, v47;
	v41 =	vor.u32 $0x100, v48;
	[tilespmem:$0x1FF30] =	vst v0;
	v0 =	vor.u32 $0x180, v15  }
0x45: {  	s15 =	sand.u32 $0x3C00, s6;
	s16 =	ssub.s32 s4, s16;
	s5 =	sadd.s32 s13, s5;
	v42 =	vor.u32 $0x100, v50;
	v43 =	vor.u32 $0x100, v51;
	[tilespmem:$0x1FF50] =	vst v0;
	v0 =	vor.u32 $0x180, v16  }
0x46: {  	s31 =	sshll.u32 s10, $0x6;
	s6 =	sor.u32 s28, s15;
	s7 =	sshll.u32 s7, $0x6;
	v44 =	vor.u32 $0x100, v52;
	v45 =	vor.u32 $0x100, v53;
	[tilespmem:$0x1FF70] =	vst v0;
	v0 =	vor.u32 $0x180, v17  }
0x47: {  	s9 =	sshll.u32 s9, $0x6;
	s6 =	sshrl.u32 s6, $0x3;
	s30 =	sand.u32 $0x300, s12;
	v1 =	vor.u32 $0x100, v54;
	v2 =	vor.u32 $0x180, v47;
	[tilespmem:$0x1FF90] =	vst v0;
	v0 =	vor.u32 $0x80, v47  }
0x48: {  	s7 =	sadd.s32 s13, s7;
	s9 =	sadd.s32 s13, s9;
	s8 =	sand.u32 $0x280, s8;
	v46 =	vor.u32 $0x180, v48;
	v3 =	vor.u32 $0x180, v49;
	[tilespmem:$0x1FFA0] =	vst v0;
	v0 =	vor.u32 $0x80, v48  }
0x49: {  	s4 =	sadd.s32 s14, s6;
	s29 =	sor.u32 s15, s8;
	s8 =	sor.u32 s15, s30;
	v4 =	vor.u32 $0x180, v50;
	v5 =	vor.u32 $0x180, v51;
	[tilespmem:$0x1FFB0] =	vst v0;
	v0 =	vor.u32 $0x80, v49  }
0x4a: {  	s6 =	sshrl.u32 s29, $0x3;
	s8 =	sshrl.u32 s8, $0x3;
	s11 =	sand.u32 $0x380, s11;
	v6 =	vor.u32 $0x180, v52;
	v7 =	vor.u32 $0x180, v53;
	[tilespmem:$0x1FFC0] =	vst v0;
	v0 =	vor.u32 $0x80, v50  }
0x4b: {  	s6 =	sadd.s32 s14, s6;
	s8 =	sadd.s32 s14, s8;
	s11 =	sor.u32 s15, s11;
	v63 =	vor.u32 $0x180, v54;
	v10 =	vor.u32 $0x80, v57;
	[tilespmem:$0x1FFD0] =	vst v0;
	v0 =	vor.u32 $0x80, v51  }
0x4c: {  	s12 =	smax.u32 s16, $0x1;
	s15 =	simm.s32 $0x80;
	s11 =	sshrl.u32 s11, $0x3;
	v11 =	vor.u32 $0x80, v58;
	v12 =	vor.u32 $0x80, v59;
	[tilespmem:$0x1FFE0] =	vst v0;
	v0 =	vor.u32 $0x80, v52  }
0x4d: {  	s16 =	simm.s32 $0x280;
	s10 =	sadd.s32 s14, s11;
	s11 =	sadd.s32 s13, s31;
	v13 =	vor.u32 $0x80, v60;
	v14 =	vor.u32 $0x80, v61;
	v15 =	vor.u32 $0x80, v62;
	[tilespmem:$0x1FFF0] =	vst v0  }
0x4e: {  	s13 =	simm.s32 $0x2;
	s14 =	simm.s32 $0x200;
	v16 =	vor.u32 $0x100, v55;
	v17 =	vor.u32 $0x100, v56;
	v0 =	vor.u32 $0x100, v49;
	_ =	strace $0x80000047  }
.LBB2_1:
0x4f: {  	[tilespmem:s3], [sflag:$0x2] =	stream.linear.gather [hbm4b:s4+s3], $0x80, $0x38;
	[tilespmem:$0x480] =	vst v63  }
0x50: {  	_ =	swait.ge [sflag:s13], $0x80  }
0x51: {  	[sflag:s13] =	ssyncset.done $0x0  }
0x52: {  	v29 =	vld [tilespmem:$0x1FCA0];
	[sflag:s13] =	ssyncadd.s32 $0xFFFFFF80  }
0x53: {  	v24 =	vld [tilespmem:$0x0];
	_ =	sdelay $0x4  }
0x54: {  	v25 =	vld [tilespmem:$0x10];
	v24 =	vadd.s32 v29, v24  }
0x55: {  	[tilespmem:$0x80] =	vst v24;
	v24 =	vld [tilespmem:$0x1FCC0];
	_ =	sdelay $0x4  }
0x56: {  	v26 =	vld [tilespmem:$0x20];
	v24 =	vadd.s32 v24, v25  }
0x57: {  	[tilespmem:$0x90] =	vst v24;
	v24 =	vld [tilespmem:$0x1FCE0];
	_ =	sdelay $0x4  }
0x58: {  	v27 =	vld [tilespmem:$0x30];
	v24 =	vadd.s32 v24, v26  }
0x59: {  	[tilespmem:$0xA0] =	vst v24;
	v24 =	vld [tilespmem:$0x1FD00];
	_ =	sdelay $0x4  }
0x5a: {  	v28 =	vld [tilespmem:$0x40];
	v24 =	vadd.s32 v24, v27  }
0x5b: {  	[tilespmem:$0xB0] =	vst v24;
	v24 =	vld [tilespmem:$0x1FD20];
	_ =	sdelay $0x4  }
0x5c: {  	v29 =	vld [tilespmem:$0x50];
	v24 =	vadd.s32 v24, v28  }
0x5d: {  	[tilespmem:$0xC0] =	vst v24;
	v24 =	vld [tilespmem:$0x1FD40];
	_ =	sdelay $0x4  }
0x5e: {  	v25 =	vld [tilespmem:$0x60];
	v24 =	vadd.s32 v24, v29  }
0x5f: {  	[tilespmem:$0xD0] =	vst v24;
	v24 =	vld [tilespmem:$0x1FD60];
	_ =	sdelay $0x4  }
0x60: {  	v26 =	vld [tilespmem:$0x70];
	v24 =	vadd.s32 v24, v25  }
0x61: {  	[tilespmem:$0xE0] =	vst v24;
	v24 =	vld [tilespmem:$0x1FD80];
	_ =	sdelay $0x4  }
0x62: {  	v27 =	vld [tilespmem:$0x0];
	v24 =	vadd.s32 v24, v26  }
0x63: {  	[tilespmem:$0xF0] =	vst v24;
	v24 =	vld [tilespmem:$0x1FBA0];
	_ =	sdelay $0x4  }
0x64: {  	v28 =	vld [tilespmem:$0x10];
	v24 =	vadd.s32 v27, v24  }
0x65: {  	[tilespmem:$0x100] =	vst v24;
	v24 =	vld [tilespmem:$0x1FBB0];
	_ =	sdelay $0x4  }
0x66: {  	v29 =	vld [tilespmem:$0x20];
	v24 =	vadd.s32 v28, v24  }
0x67: {  	[tilespmem:$0x110] =	vst v24;
	v24 =	vld [tilespmem:$0x1FBC0];
	_ =	sdelay $0x4  }
0x68: {  	v25 =	vld [tilespmem:$0x30];
	v24 =	vadd.s32 v29, v24  }
0x69: {  	[tilespmem:$0x120] =	vst v24;
	v24 =	vld [tilespmem:$0x1FBD0];
	_ =	sdelay $0x4  }
0x6a: {  	v26 =	vld [tilespmem:$0x40];
	v24 =	vadd.s32 v25, v24  }
0x6b: {  	[tilespmem:$0x130] =	vst v24;
	v24 =	vld [tilespmem:$0x1FBE0];
	_ =	sdelay $0x4  }
0x6c: {  	v27 =	vld [tilespmem:$0x50];
	v24 =	vadd.s32 v26, v24  }
0x6d: {  	[tilespmem:$0x140] =	vst v24;
	v24 =	vld [tilespmem:$0x1FBF0];
	_ =	sdelay $0x4  }
0x6e: {  	v28 =	vld [tilespmem:$0x60];
	v24 =	vadd.s32 v27, v24  }
0x6f: {  	[tilespmem:$0x150] =	vst v24;
	v24 =	vld [tilespmem:$0x1FC00];
	_ =	sdelay $0x4  }
0x70: {  	v29 =	vld [tilespmem:$0x70];
	v24 =	vadd.s32 v28, v24  }
0x71: {  	[tilespmem:$0x160] =	vst v24;
	v24 =	vld [tilespmem:$0x1FC10];
	_ =	sdelay $0x4  }
0x72: {  	v25 =	vld [tilespmem:$0x0];
	v24 =	vadd.s32 v29, v24  }
0x73: {  	[tilespmem:$0x170] =	vst v24;
	v24 =	vld [tilespmem:$0x1FC20];
	_ =	sdelay $0x4  }
0x74: {  	v26 =	vld [tilespmem:$0x10];
	v24 =	vadd.s32 v25, v24  }
0x75: {  	[tilespmem:$0x180] =	vst v24;
	v24 =	vld [tilespmem:$0x1FC30];
	_ =	sdelay $0x4  }
0x76: {  	v27 =	vld [tilespmem:$0x20];
	v24 =	vadd.s32 v26, v24  }
0x77: {  	[tilespmem:$0x190] =	vst v24;
	v24 =	vld [tilespmem:$0x1FC40];
	_ =	sdelay $0x4  }
0x78: {  	v28 =	vld [tilespmem:$0x30];
	v24 =	vadd.s32 v27, v24  }
0x79: {  	[tilespmem:$0x1A0] =	vst v24;
	v24 =	vld [tilespmem:$0x1FC50];
	_ =	sdelay $0x4  }
0x7a: {  	v29 =	vld [tilespmem:$0x40];
	v24 =	vadd.s32 v28, v24  }
0x7b: {  	[tilespmem:$0x1B0] =	vst v24;
	v24 =	vld [tilespmem:$0x1FC60];
	_ =	sdelay $0x4  }
0x7c: {  	v25 =	vld [tilespmem:$0x50];
	v24 =	vadd.s32 v29, v24  }
0x7d: {  	[tilespmem:$0x1C0] =	vst v24;
	v24 =	vld [tilespmem:$0x1FC70];
	_ =	sdelay $0x4  }
0x7e: {  	v26 =	vld [tilespmem:$0x60];
	v24 =	vadd.s32 v25, v24  }
0x7f: {  	[tilespmem:$0x1D0] =	vst v24;
	v24 =	vld [tilespmem:$0x1FC80];
	_ =	sdelay $0x4  }
0x80: {  	v27 =	vld [tilespmem:$0x70];
	v24 =	vadd.s32 v26, v24  }
0x81: {  	[tilespmem:$0x1E0] =	vst v24;
	v24 =	vld [tilespmem:$0x1FC90];
	_ =	sdelay $0x4  }
0x82: {  	v28 =	vld [tilespmem:$0x0];
	v24 =	vadd.s32 v27, v24  }
0x83: {  	[tilespmem:$0x1F0] =	vst v24;
	v24 =	vld [tilespmem:$0x1FCB0];
	_ =	sdelay $0x4  }
0x84: {  	v29 =	vld [tilespmem:$0x10];
	v24 =	vadd.s32 v28, v24  }
0x85: {  	[tilespmem:$0x200] =	vst v24;
	v24 =	vld [tilespmem:$0x1FCD0];
	_ =	sdelay $0x4  }
0x86: {  	v25 =	vld [tilespmem:$0x20];
	v24 =	vadd.s32 v29, v24  }
0x87: {  	[tilespmem:$0x210] =	vst v24;
	v24 =	vld [tilespmem:$0x1FCF0];
	_ =	sdelay $0x4  }
0x88: {  	v26 =	vld [tilespmem:$0x30];
	v24 =	vadd.s32 v25, v24  }
0x89: {  	[tilespmem:$0x220] =	vst v24;
	v24 =	vld [tilespmem:$0x1FD10];
	_ =	sdelay $0x4  }
0x8a: {  	v27 =	vld [tilespmem:$0x40];
	v24 =	vadd.s32 v26, v24  }
0x8b: {  	[tilespmem:$0x230] =	vst v24;
	v24 =	vld [tilespmem:$0x1FD30];
	_ =	sdelay $0x4  }
0x8c: {  	v28 =	vld [tilespmem:$0x50];
	v24 =	vadd.s32 v27, v24  }
0x8d: {  	[tilespmem:$0x240] =	vst v24;
	v24 =	vld [tilespmem:$0x1FD50];
	_ =	sdelay $0x4  }
0x8e: {  	v29 =	vld [tilespmem:$0x60];
	v24 =	vadd.s32 v28, v24  }
0x8f: {  	[tilespmem:$0x250] =	vst v24;
	v24 =	vld [tilespmem:$0x1FD70];
	_ =	sdelay $0x4  }
0x90: {  	v25 =	vld [tilespmem:$0x70];
	v24 =	vadd.s32 v29, v24  }
0x91: {  	[tilespmem:$0x260] =	vst v24;
	v24 =	vld [tilespmem:$0x1FD90];
	_ =	sdelay $0x4  }
0x92: {  	v24 =	vadd.s32 v25, v24  }
0x93: {  	[tilespmem:$0x270] =	vst v24  }
0x94: {  	[tilespmem:s16], [sflag:$0x1] =	stream.indirect.gather [hbm4b:s1+s14], $0x1, s15, s14, $0xb8;
	[tilespmem:$0x480] =	vst v63  }
0x95: {  	_ =	swait.ge [sflag:s17], $0x200  }
0x96: {  	[sflag:s17] =	ssyncset.done $0x0  }
0x97: {  	[sflag:s17] =	ssyncadd.s32 $0xFFFFFE00  }
0x98: {  	[hbm4b:s5+s3] =	stream.linear.scatter [tilespmem:s16], [sflag:$0x2], $0x200, $0x38;
	[tilespmem:$0x480] =	vst v63  }
0x99: {  	_ =	swait.ge [sflag:s13], $0x200  }
0x9a: {  	[sflag:s13] =	ssyncset.done $0x0  }
0x9b: {  	[sflag:s13] =	ssyncadd.s32 $0xFFFFFE00  }
0x9c: {  	[tilespmem:s3], [sflag:$0x2] =	stream.linear.gather [hbm4b:s6+s3], $0x80, $0x38;
	[tilespmem:$0x480] =	vst v63  }
0x9d: {  	_ =	swait.ge [sflag:s13], $0x80  }
0x9e: {  	[sflag:s13] =	ssyncset.done $0x0  }
0x9f: {  	v29 =	vld [tilespmem:$0x1FEA0];
	[sflag:s13] =	ssyncadd.s32 $0xFFFFFF80  }
0xa0: {  	v24 =	vld [tilespmem:$0x0];
	_ =	sdelay $0x4  }
0xa1: {  	v25 =	vld [tilespmem:$0x10];
	v24 =	vadd.s32 v29, v24  }
0xa2: {  	[tilespmem:$0x80] =	vst v24;
	v24 =	vld [tilespmem:$0x1FEC0];
	_ =	sdelay $0x4  }
0xa3: {  	v26 =	vld [tilespmem:$0x20];
	v24 =	vadd.s32 v24, v25  }
0xa4: {  	[tilespmem:$0x90] =	vst v24;
	v24 =	vld [tilespmem:$0x1FEE0];
	_ =	sdelay $0x4  }
0xa5: {  	v27 =	vld [tilespmem:$0x30];
	v24 =	vadd.s32 v24, v26  }
0xa6: {  	[tilespmem:$0xA0] =	vst v24;
	v24 =	vld [tilespmem:$0x1FF00];
	_ =	sdelay $0x4  }
0xa7: {  	v28 =	vld [tilespmem:$0x40];
	v24 =	vadd.s32 v24, v27  }
0xa8: {  	[tilespmem:$0xB0] =	vst v24;
	v24 =	vld [tilespmem:$0x1FF20];
	_ =	sdelay $0x4  }
0xa9: {  	v29 =	vld [tilespmem:$0x50];
	v24 =	vadd.s32 v24, v28  }
0xaa: {  	[tilespmem:$0xC0] =	vst v24;
	v24 =	vld [tilespmem:$0x1FF40];
	_ =	sdelay $0x4  }
0xab: {  	v25 =	vld [tilespmem:$0x60];
	v24 =	vadd.s32 v24, v29  }
0xac: {  	[tilespmem:$0xD0] =	vst v24;
	v24 =	vld [tilespmem:$0x1FF60];
	_ =	sdelay $0x4  }
0xad: {  	v26 =	vld [tilespmem:$0x70];
	v24 =	vadd.s32 v24, v25  }
0xae: {  	[tilespmem:$0xE0] =	vst v24;
	v24 =	vld [tilespmem:$0x1FF80];
	_ =	sdelay $0x4  }
0xaf: {  	v27 =	vld [tilespmem:$0x0];
	v24 =	vadd.s32 v24, v26  }
0xb0: {  	[tilespmem:$0xF0] =	vst v24;
	v24 =	vld [tilespmem:$0x1FDA0];
	_ =	sdelay $0x4  }
0xb1: {  	v28 =	vld [tilespmem:$0x10];
	v24 =	vadd.s32 v27, v24  }
0xb2: {  	[tilespmem:$0x100] =	vst v24;
	v24 =	vld [tilespmem:$0x1FDB0];
	_ =	sdelay $0x4  }
0xb3: {  	v29 =	vld [tilespmem:$0x20];
	v24 =	vadd.s32 v28, v24  }
0xb4: {  	[tilespmem:$0x110] =	vst v24;
	v24 =	vld [tilespmem:$0x1FDC0];
	_ =	sdelay $0x4  }
0xb5: {  	v25 =	vld [tilespmem:$0x30];
	v24 =	vadd.s32 v29, v24  }
0xb6: {  	[tilespmem:$0x120] =	vst v24;
	v24 =	vld [tilespmem:$0x1FDD0];
	_ =	sdelay $0x4  }
0xb7: {  	v26 =	vld [tilespmem:$0x40];
	v24 =	vadd.s32 v25, v24  }
0xb8: {  	[tilespmem:$0x130] =	vst v24;
	v24 =	vld [tilespmem:$0x1FDE0];
	_ =	sdelay $0x4  }
0xb9: {  	v27 =	vld [tilespmem:$0x50];
	v24 =	vadd.s32 v26, v24  }
0xba: {  	[tilespmem:$0x140] =	vst v24;
	v24 =	vld [tilespmem:$0x1FDF0];
	_ =	sdelay $0x4  }
0xbb: {  	v28 =	vld [tilespmem:$0x60];
	v24 =	vadd.s32 v27, v24  }
0xbc: {  	[tilespmem:$0x150] =	vst v24;
	v24 =	vld [tilespmem:$0x1FE00];
	_ =	sdelay $0x4  }
0xbd: {  	v29 =	vld [tilespmem:$0x70];
	v24 =	vadd.s32 v28, v24  }
0xbe: {  	[tilespmem:$0x160] =	vst v24;
	v24 =	vld [tilespmem:$0x1FE10];
	_ =	sdelay $0x4  }
0xbf: {  	v25 =	vld [tilespmem:$0x0];
	v24 =	vadd.s32 v29, v24  }
0xc0: {  	[tilespmem:$0x170] =	vst v24;
	v24 =	vld [tilespmem:$0x1FE20];
	_ =	sdelay $0x4  }
0xc1: {  	v26 =	vld [tilespmem:$0x10];
	v24 =	vadd.s32 v25, v24  }
0xc2: {  	[tilespmem:$0x180] =	vst v24;
	v24 =	vld [tilespmem:$0x1FE30];
	_ =	sdelay $0x4  }
0xc3: {  	v27 =	vld [tilespmem:$0x20];
	v24 =	vadd.s32 v26, v24  }
0xc4: {  	[tilespmem:$0x190] =	vst v24;
	v24 =	vld [tilespmem:$0x1FE40];
	_ =	sdelay $0x4  }
0xc5: {  	v28 =	vld [tilespmem:$0x30];
	v24 =	vadd.s32 v27, v24  }
0xc6: {  	[tilespmem:$0x1A0] =	vst v24;
	v24 =	vld [tilespmem:$0x1FE50];
	_ =	sdelay $0x4  }
0xc7: {  	v29 =	vld [tilespmem:$0x40];
	v24 =	vadd.s32 v28, v24  }
0xc8: {  	[tilespmem:$0x1B0] =	vst v24;
	v24 =	vld [tilespmem:$0x1FE60];
	_ =	sdelay $0x4  }
0xc9: {  	v25 =	vld [tilespmem:$0x50];
	v24 =	vadd.s32 v29, v24  }
0xca: {  	[tilespmem:$0x1C0] =	vst v24;
	v24 =	vld [tilespmem:$0x1FE70];
	_ =	sdelay $0x4  }
0xcb: {  	v26 =	vld [tilespmem:$0x60];
	v24 =	vadd.s32 v25, v24  }
0xcc: {  	[tilespmem:$0x1D0] =	vst v24;
	v24 =	vld [tilespmem:$0x1FE80];
	_ =	sdelay $0x4  }
0xcd: {  	v27 =	vld [tilespmem:$0x70];
	v24 =	vadd.s32 v26, v24  }
0xce: {  	[tilespmem:$0x1E0] =	vst v24;
	v24 =	vld [tilespmem:$0x1FE90];
	_ =	sdelay $0x4  }
0xcf: {  	v28 =	vld [tilespmem:$0x0];
	v24 =	vadd.s32 v27, v24  }
0xd0: {  	[tilespmem:$0x1F0] =	vst v24;
	v24 =	vld [tilespmem:$0x1FEB0];
	_ =	sdelay $0x4  }
0xd1: {  	v29 =	vld [tilespmem:$0x10];
	v24 =	vadd.s32 v28, v24  }
0xd2: {  	[tilespmem:$0x200] =	vst v24;
	v24 =	vld [tilespmem:$0x1FED0];
	_ =	sdelay $0x4  }
0xd3: {  	v25 =	vld [tilespmem:$0x20];
	v24 =	vadd.s32 v29, v24  }
0xd4: {  	[tilespmem:$0x210] =	vst v24;
	v24 =	vld [tilespmem:$0x1FEF0];
	_ =	sdelay $0x4  }
0xd5: {  	v26 =	vld [tilespmem:$0x30];
	v24 =	vadd.s32 v25, v24  }
0xd6: {  	[tilespmem:$0x220] =	vst v24;
	v24 =	vld [tilespmem:$0x1FF10];
	_ =	sdelay $0x4  }
0xd7: {  	v27 =	vld [tilespmem:$0x40];
	v24 =	vadd.s32 v26, v24  }
0xd8: {  	[tilespmem:$0x230] =	vst v24;
	v24 =	vld [tilespmem:$0x1FF30];
	_ =	sdelay $0x4  }
0xd9: {  	v28 =	vld [tilespmem:$0x50];
	v24 =	vadd.s32 v27, v24  }
0xda: {  	[tilespmem:$0x240] =	vst v24;
	v24 =	vld [tilespmem:$0x1FF50];
	_ =	sdelay $0x4  }
0xdb: {  	v29 =	vld [tilespmem:$0x60];
	v24 =	vadd.s32 v28, v24  }
0xdc: {  	[tilespmem:$0x250] =	vst v24;
	v24 =	vld [tilespmem:$0x1FF70];
	_ =	sdelay $0x4  }
0xdd: {  	v25 =	vld [tilespmem:$0x70];
	v24 =	vadd.s32 v29, v24  }
0xde: {  	[tilespmem:$0x260] =	vst v24;
	v24 =	vld [tilespmem:$0x1FF90];
	_ =	sdelay $0x4  }
0xdf: {  	v24 =	vadd.s32 v25, v24  }
0xe0: {  	[tilespmem:$0x270] =	vst v24  }
0xe1: {  	[tilespmem:s16], [sflag:$0x1] =	stream.indirect.gather [hbm4b:s1+s14], $0x1, s15, s14, $0xb8;
	[tilespmem:$0x480] =	vst v63  }
0xe2: {  	_ =	swait.ge [sflag:s17], $0x200  }
0xe3: {  	[sflag:s17] =	ssyncset.done $0x0  }
0xe4: {  	[sflag:s17] =	ssyncadd.s32 $0xFFFFFE00  }
0xe5: {  	[hbm4b:s7+s3] =	stream.linear.scatter [tilespmem:s16], [sflag:$0x2], $0x200, $0x38;
	[tilespmem:$0x480] =	vst v63  }
0xe6: {  	_ =	swait.ge [sflag:s13], $0x200  }
0xe7: {  	[sflag:s13] =	ssyncset.done $0x0  }
0xe8: {  	[sflag:s13] =	ssyncadd.s32 $0xFFFFFE00  }
0xe9: {  	[tilespmem:s3], [sflag:$0x2] =	stream.linear.gather [hbm4b:s8+s3], $0x80, $0x38;
	[tilespmem:$0x480] =	vst v63  }
0xea: {  	_ =	swait.ge [sflag:s13], $0x80  }
0xeb: {  	[sflag:s13] =	ssyncset.done $0x0  }
0xec: {  	[sflag:s13] =	ssyncadd.s32 $0xFFFFFF80  }
0xed: {  	v24 =	vld [tilespmem:$0x0]  }
0xee: {  	v25 =	vld [tilespmem:$0x10]  }
0xef: {  	v26 =	vld [tilespmem:$0x20]  }
0xf0: {  	v27 =	vld [tilespmem:$0x30]  }
0xf1: {  	v28 =	vld [tilespmem:$0x40]  }
0xf2: {  	v29 =	vld [tilespmem:$0x50];
	v24 =	vadd.s32 v47, v24  }
0xf3: {  	[tilespmem:$0x80] =	vst v24;
	v24 =	vadd.s32 v48, v25;
	v25 =	vld [tilespmem:$0x60]  }
0xf4: {  	[tilespmem:$0x90] =	vst v24;
	v24 =	vadd.s32 v49, v26;
	v26 =	vld [tilespmem:$0x70]  }
0xf5: {  	[tilespmem:$0xA0] =	vst v24;
	v24 =	vadd.s32 v50, v27  }
0xf6: {  	[tilespmem:$0xB0] =	vst v24;
	v24 =	vadd.s32 v51, v28  }
0xf7: {  	[tilespmem:$0xC0] =	vst v24;
	v24 =	vadd.s32 v52, v29  }
0xf8: {  	[tilespmem:$0xD0] =	vst v24;
	v24 =	vadd.s32 v53, v25  }
0xf9: {  	v27 =	vld [tilespmem:$0x0];
	[tilespmem:$0xE0] =	vst v24;
	v24 =	vadd.s32 v54, v26  }
0xfa: {  	[tilespmem:$0xF0] =	vst v24;
	v24 =	vld [tilespmem:$0x1FFA0];
	_ =	sdelay $0x4  }
0xfb: {  	v28 =	vld [tilespmem:$0x10];
	v24 =	vadd.s32 v27, v24  }
0xfc: {  	[tilespmem:$0x100] =	vst v24;
	v24 =	vld [tilespmem:$0x1FFB0];
	_ =	sdelay $0x4  }
0xfd: {  	v29 =	vld [tilespmem:$0x20];
	v24 =	vadd.s32 v28, v24  }
0xfe: {  	[tilespmem:$0x110] =	vst v24;
	v24 =	vld [tilespmem:$0x1FFC0];
	_ =	sdelay $0x4  }
0xff: {  	v25 =	vld [tilespmem:$0x30];
	v24 =	vadd.s32 v29, v24  }
0x100: {  	[tilespmem:$0x120] =	vst v24;
	v24 =	vld [tilespmem:$0x1FFD0];
	_ =	sdelay $0x4  }
0x101: {  	v26 =	vld [tilespmem:$0x40];
	v24 =	vadd.s32 v25, v24  }
0x102: {  	[tilespmem:$0x130] =	vst v24;
	v24 =	vld [tilespmem:$0x1FFE0];
	_ =	sdelay $0x4  }
0x103: {  	v27 =	vld [tilespmem:$0x50];
	v24 =	vadd.s32 v26, v24  }
0x104: {  	[tilespmem:$0x140] =	vst v24;
	v24 =	vld [tilespmem:$0x1FFF0]  }
0x105: {  	v28 =	vld [tilespmem:$0x60]  }
0x106: {  	v29 =	vld [tilespmem:$0x70]  }
0x107: {  	v25 =	vld [tilespmem:$0x0]  }
0x108: {  	v26 =	vld [tilespmem:$0x10]  }
0x109: {  	v24 =	vadd.s32 v27, v24;
	v27 =	vld [tilespmem:$0x20]  }
0x10a: {  	[tilespmem:$0x150] =	vst v24;
	v24 =	vadd.s32 v28, v30;
	v28 =	vld [tilespmem:$0x30]  }
0x10b: {  	[tilespmem:$0x160] =	vst v24;
	v24 =	vadd.s32 v29, v31;
	v29 =	vld [tilespmem:$0x40]  }
0x10c: {  	[tilespmem:$0x170] =	vst v24;
	v24 =	vadd.s32 v25, v40;
	v25 =	vld [tilespmem:$0x50]  }
0x10d: {  	[tilespmem:$0x180] =	vst v24;
	v24 =	vadd.s32 v26, v41;
	v26 =	vld [tilespmem:$0x60]  }
0x10e: {  	[tilespmem:$0x190] =	vst v24;
	v24 =	vadd.s32 v27, v0;
	v27 =	vld [tilespmem:$0x70]  }
0x10f: {  	[tilespmem:$0x1A0] =	vst v24;
	v24 =	vadd.s32 v28, v42;
	v28 =	vld [tilespmem:$0x0]  }
0x110: {  	[tilespmem:$0x1B0] =	vst v24;
	v24 =	vadd.s32 v29, v43;
	v29 =	vld [tilespmem:$0x10]  }
0x111: {  	[tilespmem:$0x1C0] =	vst v24;
	v24 =	vadd.s32 v25, v44;
	v25 =	vld [tilespmem:$0x20]  }
0x112: {  	[tilespmem:$0x1D0] =	vst v24;
	v24 =	vadd.s32 v26, v45;
	v26 =	vld [tilespmem:$0x30]  }
0x113: {  	[tilespmem:$0x1E0] =	vst v24;
	v24 =	vadd.s32 v27, v1;
	v27 =	vld [tilespmem:$0x40]  }
0x114: {  	[tilespmem:$0x1F0] =	vst v24;
	v24 =	vadd.s32 v28, v2;
	v28 =	vld [tilespmem:$0x50]  }
0x115: {  	[tilespmem:$0x200] =	vst v24;
	v24 =	vadd.s32 v29, v46;
	v29 =	vld [tilespmem:$0x60]  }
0x116: {  	[tilespmem:$0x210] =	vst v24;
	v24 =	vadd.s32 v25, v3;
	v25 =	vld [tilespmem:$0x70]  }
0x117: {  	[tilespmem:$0x220] =	vst v24;
	v24 =	vadd.s32 v26, v4  }
0x118: {  	[tilespmem:$0x230] =	vst v24;
	v24 =	vadd.s32 v27, v5  }
0x119: {  	[tilespmem:$0x240] =	vst v24;
	v24 =	vadd.s32 v28, v6  }
0x11a: {  	[tilespmem:$0x250] =	vst v24;
	v24 =	vadd.s32 v29, v7  }
0x11b: {  	[tilespmem:$0x260] =	vst v24;
	v24 =	vadd.s32 v25, v63  }
0x11c: {  	[tilespmem:$0x270] =	vst v24  }
0x11d: {  	[tilespmem:s16], [sflag:$0x1] =	stream.indirect.gather [hbm4b:s1+s14], $0x1, s15, s14, $0xb8;
	[tilespmem:$0x480] =	vst v63  }
0x11e: {  	_ =	swait.ge [sflag:s17], $0x200  }
0x11f: {  	[sflag:s17] =	ssyncset.done $0x0  }
0x120: {  	[sflag:s17] =	ssyncadd.s32 $0xFFFFFE00  }
0x121: {  	[hbm4b:s9+s3] =	stream.linear.scatter [tilespmem:s16], [sflag:$0x2], $0x200, $0x38;
	[tilespmem:$0x480] =	vst v63  }
0x122: {  	_ =	swait.ge [sflag:s13], $0x200  }
0x123: {  	[sflag:s13] =	ssyncset.done $0x0  }
0x124: {  	[sflag:s13] =	ssyncadd.s32 $0xFFFFFE00  }
0x125: {  	[tilespmem:s3], [sflag:$0x2] =	stream.linear.gather [hbm4b:s10+s3], $0x80, $0x38;
	[tilespmem:$0x480] =	vst v63  }
0x126: {  	_ =	swait.ge [sflag:s13], $0x80  }
0x127: {  	[sflag:s13] =	ssyncset.done $0x0  }
0x128: {  	[sflag:s13] =	ssyncadd.s32 $0xFFFFFF80  }
0x129: {  	v24 =	vld [tilespmem:$0x0]  }
0x12a: {  	v25 =	vld [tilespmem:$0x10]  }
0x12b: {  	v26 =	vld [tilespmem:$0x20]  }
0x12c: {  	v27 =	vld [tilespmem:$0x30]  }
0x12d: {  	v28 =	vld [tilespmem:$0x40]  }
0x12e: {  	v29 =	vld [tilespmem:$0x50];
	v24 =	vadd.s32 v55, v24  }
0x12f: {  	[tilespmem:$0x80] =	vst v24;
	v24 =	vadd.s32 v56, v25;
	v25 =	vld [tilespmem:$0x60]  }
0x130: {  	[tilespmem:$0x90] =	vst v24;
	v24 =	vadd.s32 v57, v26;
	v26 =	vld [tilespmem:$0x70]  }
0x131: {  	[tilespmem:$0xA0] =	vst v24;
	v24 =	vadd.s32 v58, v27;
	v27 =	vld [tilespmem:$0x0]  }
0x132: {  	[tilespmem:$0xB0] =	vst v24;
	v24 =	vadd.s32 v59, v28;
	v28 =	vld [tilespmem:$0x10]  }
0x133: {  	[tilespmem:$0xC0] =	vst v24;
	v24 =	vadd.s32 v60, v29;
	v29 =	vld [tilespmem:$0x20]  }
0x134: {  	[tilespmem:$0xD0] =	vst v24;
	v24 =	vadd.s32 v61, v25;
	v25 =	vld [tilespmem:$0x30]  }
0x135: {  	[tilespmem:$0xE0] =	vst v24;
	v24 =	vadd.s32 v62, v26;
	v26 =	vld [tilespmem:$0x40]  }
0x136: {  	[tilespmem:$0xF0] =	vst v24;
	v24 =	vadd.s32 v27, v8;
	v27 =	vld [tilespmem:$0x50]  }
0x137: {  	[tilespmem:$0x100] =	vst v24;
	v24 =	vadd.s32 v28, v9;
	v28 =	vld [tilespmem:$0x60]  }
0x138: {  	[tilespmem:$0x110] =	vst v24;
	v24 =	vadd.s32 v29, v10;
	v29 =	vld [tilespmem:$0x70]  }
0x139: {  	[tilespmem:$0x120] =	vst v24;
	v24 =	vadd.s32 v25, v11;
	v25 =	vld [tilespmem:$0x0]  }
0x13a: {  	[tilespmem:$0x130] =	vst v24;
	v24 =	vadd.s32 v26, v12;
	v26 =	vld [tilespmem:$0x10]  }
0x13b: {  	[tilespmem:$0x140] =	vst v24;
	v24 =	vadd.s32 v27, v13;
	v27 =	vld [tilespmem:$0x20]  }
0x13c: {  	[tilespmem:$0x150] =	vst v24;
	v24 =	vadd.s32 v28, v14;
	v28 =	vld [tilespmem:$0x30]  }
0x13d: {  	[tilespmem:$0x160] =	vst v24;
	v24 =	vadd.s32 v29, v15;
	v29 =	vld [tilespmem:$0x40]  }
0x13e: {  	[tilespmem:$0x170] =	vst v24;
	v24 =	vadd.s32 v25, v16;
	v25 =	vld [tilespmem:$0x50]  }
0x13f: {  	[tilespmem:$0x180] =	vst v24;
	v24 =	vadd.s32 v26, v17;
	v26 =	vld [tilespmem:$0x60]  }
0x140: {  	[tilespmem:$0x190] =	vst v24;
	v24 =	vadd.s32 v27, v18;
	v27 =	vld [tilespmem:$0x70]  }
0x141: {  	[tilespmem:$0x1A0] =	vst v24;
	v24 =	vadd.s32 v28, v32;
	v28 =	vld [tilespmem:$0x0]  }
0x142: {  	[tilespmem:$0x1B0] =	vst v24;
	v24 =	vadd.s32 v29, v19;
	v29 =	vld [tilespmem:$0x10]  }
0x143: {  	[tilespmem:$0x1C0] =	vst v24;
	v24 =	vadd.s32 v25, v33;
	v25 =	vld [tilespmem:$0x20]  }
0x144: {  	[tilespmem:$0x1D0] =	vst v24;
	v24 =	vadd.s32 v26, v20;
	v26 =	vld [tilespmem:$0x30]  }
0x145: {  	[tilespmem:$0x1E0] =	vst v24;
	v24 =	vadd.s32 v27, v34;
	v27 =	vld [tilespmem:$0x40]  }
0x146: {  	[tilespmem:$0x1F0] =	vst v24;
	v24 =	vadd.s32 v28, v35;
	v28 =	vld [tilespmem:$0x50]  }
0x147: {  	[tilespmem:$0x200] =	vst v24;
	v24 =	vadd.s32 v29, v21;
	v29 =	vld [tilespmem:$0x60]  }
0x148: {  	[tilespmem:$0x210] =	vst v24;
	v24 =	vadd.s32 v25, v36;
	v25 =	vld [tilespmem:$0x70]  }
0x149: {  	[tilespmem:$0x220] =	vst v24;
	v24 =	vadd.s32 v26, v22  }
0x14a: {  	[tilespmem:$0x230] =	vst v24;
	v24 =	vadd.s32 v27, v37  }
0x14b: {  	[tilespmem:$0x240] =	vst v24;
	v24 =	vadd.s32 v28, v23  }
0x14c: {  	[tilespmem:$0x250] =	vst v24;
	v24 =	vadd.s32 v29, v38  }
0x14d: {  	[tilespmem:$0x260] =	vst v24;
	v24 =	vadd.s32 v25, v39  }
0x14e: {  	[tilespmem:$0x270] =	vst v24  }
0x14f: {  	[tilespmem:s16], [sflag:$0x1] =	stream.indirect.gather [hbm4b:s1+s14], $0x1, s15, s14, $0xb8;
	[tilespmem:$0x480] =	vst v63  }
0x150: {  	_ =	swait.ge [sflag:s17], $0x200  }
0x151: {  	p0 =	sne.s32 s12, $0x1;
	[sflag:s17] =	ssyncset.done $0x0  }
.Ltmp0:
0x152: {  	[sflag:s17] =	ssyncadd.s32 $0xFFFFFE00;
	(pc) =	sbr.rel @p0 .LBB2_1-.Ltmp0, $4  }
0x153: {  	[hbm4b:s11+s3] =	stream.linear.scatter [tilespmem:s16], [sflag:$0x2], $0x200, $0x38;
	[tilespmem:$0x480] =	vst v63  }
0x154: {  	_ =	swait.ge [sflag:s13], $0x200  }
0x155: {  	[sflag:s13] =	ssyncset.done $0x0  }
0x156: {  	s12 =	sadd.s32 $0xFFFFFFFF, s12;
	[sflag:s13] =	ssyncadd.s32 $0xFFFFFE00  }
0x157: {  	_ =	sfence.sel $0x180000  }
0x158: {  	[bflag:$0x0] =	sbarrier.arrive $0xFFFF  }
0x159: {  	p0 =	sne.s32 s0, $0x0;
	_ =	strace $0x90000047  }
0x15a: {  	s0 =	sadd.s32 @!p0 $0x100000, s2;
	[bflag:$0x2] =	sbarrier.arrive $0xFFFF  }
0x15b: {  	[sflag:s0] =	ssyncadd.tile.s32 @!p0 $0x1;
	_ =	shalt  }
.Lfunc_end2:
_tile_overlayer_lowered:
.L_overlay_start_2:
0x15c: {  	(tag) =	ssettag $0x2  }
0x15d: {  	s0 =	rddreg [dreg:$0x0];
	s2 =	stileid.u32  }
0x15e: {  	s1 =	rddreg [dreg:$0x1];
	p0 =	sne.s32 s2, $0x0  }
0x15f: {  	s3 =	rddreg [dreg:$0x2];
	[bflag:$0x3] =	sbarrier.arrive $0xFFFF;
	s2 =	simm.s32 @!p0 $0x1C02  }
0x160: {  	[timem:s3], [sflag:s2] =	dma.local @!p0 [hbm:s0], s1  }
0x161: {  	s0 =	simm.s32 @!p0 $0x2  }
0x162: {  	_ =	swait.ge @!p0 [sflag:s0], s1  }
0x163: {  	s1 =	ssub.s32 @!p0 $0x0, s1;
	[sflag:s0] =	ssyncset.done @!p0 $0x0  }
0x164: {  	[sflag:s0] =	ssyncadd.s32 @!p0 s1  }
0x165: {  	[bflag:$0x3] =	sbarrier.arrive $0xFFFF  }
0x166: {  	_ =	shalt  }

</sc_bundles>
